<compile_context>
chip_gen: v7x
topology: tpu7x:2x2x1
jax: 0.10.2.dev20260603
libtpu: 0.0.44.dev20260713+nightly
codegen_flags: <defaults>
</compile_context>

<pallas_src>
import dataclasses
import functools
import math

import jax
import jax.numpy as jnp
from jax import lax
from jax.experimental import pallas as pl
from jax.experimental.pallas import tpu as pltpu
from jax.experimental.pallas import tpu_sc as plsc

_N_CLASSES = 32000
_PAD = 0
_FILL = 0.1 / (_N_CLASSES - 2)
_CONF = 0.9
_C_ROW = (_N_CLASSES - 2) * _FILL * math.log(_FILL) + _CONF * math.log(_CONF)

_N_ROWS = 4096
_BC = 640
_C0 = 30720
_NBJ = _C0 // _BC

_NW = 32
_RPW = _N_ROWS // _NW
_CC = 128
_NCH = (_N_CLASSES - _C0) // _CC
assert _NCH % 2 == 0



def _partial_body(x_ref, t_ref, o_ref, acc_ref, xt_ref, x0_ref):
    j = pl.program_id(0)

    @pl.when(j == 0)
    def _init():
        acc_ref[...] = jnp.zeros_like(acc_ref)
        xt_ref[...] = jnp.zeros_like(xt_ref)
        x0_ref[...] = x_ref[:, 0:1]

    t = t_ref[...]
    col0 = j * _BC
    blk = x_ref[...]
    rs = None
    xt = None
    for k in range(_BC // 128):
        sub = blk[:, k * 128:(k + 1) * 128]
        cols = col0 + k * 128 + jax.lax.broadcasted_iota(
            jnp.int32, (_N_ROWS, 128), 1)
        hit = jnp.where(cols == t, sub, 0.0)
        rs = sub if rs is None else rs + sub
        xt = hit if xt is None else xt + hit
    acc_ref[...] += rs
    xt_ref[...] += xt

    @pl.when(j == _NBJ - 1)
    def _fin():
        mask = (t != _PAD).astype(jnp.float32)
        cnt = jnp.sum(mask)
        sum_x0 = jnp.sum(mask * x0_ref[...])
        sum_rs = jnp.sum(mask * acc_ref[...])
        sum_xt = jnp.sum(mask * xt_ref[...])
        o_ref[0, 0] = (_C_ROW * cnt + _FILL * sum_x0 - _FILL * sum_rs
                       + (_FILL - _CONF) * sum_xt)


def _partial_call(x, t2):
    return pl.pallas_call(
        _partial_body,
        grid=(_NBJ,),
        in_specs=[
            pl.BlockSpec((_N_ROWS, _BC), lambda j: (0, j)),
            pl.BlockSpec((_N_ROWS, 1), lambda j: (0, 0)),
        ],
        out_specs=pl.BlockSpec(memory_space=pltpu.SMEM),
        out_shape=jax.ShapeDtypeStruct((1, 1), jnp.float32),
        scratch_shapes=[
            pltpu.VMEM((_N_ROWS, 128), jnp.float32),
            pltpu.VMEM((_N_ROWS, 128), jnp.float32),
            pltpu.VMEM((_N_ROWS, 1), jnp.float32),
        ],
    )(x, t2)



_SC_MESH = plsc.VectorSubcoreMesh(core_axis_name="c", subcore_axis_name="s")

_SC_PARAMS = pltpu.CompilerParams()
if "needs_layout_passes" in pltpu.CompilerParams.__dataclass_fields__:
    _SC_PARAMS = dataclasses.replace(_SC_PARAMS, needs_layout_passes=False)


@functools.partial(
    pl.kernel,
    out_type=jax.ShapeDtypeStruct((_NW, 16), jnp.float32),
    mesh=_SC_MESH,
    compiler_params=_SC_PARAMS,
    scratch_types=[
        pltpu.VMEM((_RPW,), jnp.int32),
        pltpu.VMEM((_RPW, _CC), jnp.float32),
        pltpu.VMEM((_RPW, _CC), jnp.float32),
        pltpu.VMEM((_RPW, 16), jnp.float32),
        pltpu.VMEM((_RPW,), jnp.float32),
        pltpu.VMEM((16,), jnp.float32),
        pltpu.SemaphoreType.DMA,
        pltpu.SemaphoreType.DMA((2,)),
    ],
)
def _sc_body(x_hbm, tgt_hbm, part_hbm, tgt_v, buf0, buf1, acc_v,
             xt_v, psum_v, sem_t, sem_b):
    wid = lax.axis_index("s") * 2 + lax.axis_index("c")
    base = pl.multiple_of(wid * _RPW, _RPW)
    pltpu.async_copy(tgt_hbm.at[pl.ds(base, _RPW)], tgt_v, sem_t).wait()

    @pl.loop(0, _RPW)
    def _zero(r):
        acc_v[r, pl.ds(0, 16)] = jnp.zeros((16,), jnp.float32)

    for g in range(_RPW // 16):
        xt_v[pl.ds(g * 16, 16)] = jnp.zeros((16,), jnp.float32)
    bufs = (buf0, buf1)

    def _issue(j, b):
        col = pl.multiple_of(_C0 + j * _CC, 128)
        pltpu.make_async_copy(
            x_hbm.at[pl.ds(base, _RPW), pl.ds(col, _CC)],
            bufs[b], sem_b.at[b],
        ).start()

    def _process(j, b):
        pltpu.make_async_copy(
            x_hbm.at[pl.ds(base, _RPW), pl.ds(0, _CC)],
            bufs[b], sem_b.at[b],
        ).wait()
        buf = bufs[b]
        chunk_lo = _C0 + j * _CC
        for g in range(_RPW // 16):
            t16 = tgt_v[pl.ds(g * 16, 16)]
            rows = g * 16 + lax.iota(jnp.int32, 16)
            ci = t16 - chunk_lo
            valid = (ci >= 0) & (ci < _CC)
            ci_c = jnp.minimum(jnp.maximum(ci, 0), _CC - 1)
            lg = plsc.load_gather(buf, [rows, ci_c])
            xt_v[pl.ds(g * 16, 16)] += jnp.where(valid, lg, 0.0)

        @pl.loop(0, _RPW)
        def _rows(r):
            part = None
            for v in range(_CC // 16):
                vec = buf[r, pl.ds(v * 16, 16)]
                part = vec if part is None else part + vec
            acc_v[r, pl.ds(0, 16)] += part

    _issue(0, 0)
    _issue(1, 1)

    @pl.loop(0, _NCH - 2, step=2)
    def _steady(j0):
        _process(j0, 0)
        _issue(j0 + 2, 0)
        _process(j0 + 1, 1)
        _issue(j0 + 3, 1)

    _process(_NCH - 2, 0)
    _process(_NCH - 1, 1)

    psum = jnp.zeros((16,), jnp.float32)
    for g in range(_RPW // 16):
        rows = g * 16 + lax.iota(jnp.int32, 16)
        tot = None
        for c in range(16):
            colv = plsc.load_gather(acc_v, [rows, jnp.full((16,), c,
                                                           jnp.int32)])
            tot = colv if tot is None else tot + colv
        t16 = tgt_v[pl.ds(g * 16, 16)]
        xt16 = xt_v[pl.ds(g * 16, 16)]
        contrib = -_FILL * tot + (_FILL - _CONF) * xt16
        psum = psum + jnp.where(t16 != _PAD, contrib, 0.0)
    psum_v[...] = psum

    pltpu.sync_copy(psum_v, part_hbm.at[wid])



def _combine_body(a_ref, p_ref, o_ref):
    o_ref[0, 0] = a_ref[0, 0] + jnp.sum(p_ref[...])


def _combine_call(a, part):
    return pl.pallas_call(
        _combine_body,
        in_specs=[
            pl.BlockSpec(memory_space=pltpu.SMEM),
            pl.BlockSpec((_NW, 16), lambda: (0, 0)),
        ],
        out_specs=pl.BlockSpec(memory_space=pltpu.SMEM),
        out_shape=jax.ShapeDtypeStruct((1, 1), jnp.float32),
    )(a, part)


def kernel(x, target):
    tgt = target.astype(jnp.int32)
    t2 = tgt.reshape(_N_ROWS, 1)
    a = _partial_call(x, t2)
    part = _sc_body(x, tgt)
    return _combine_call(a, part)[0, 0]

# --- scband reference (transcript-rebuilt; emitter-appended) ---
"""Pipeline reference for scband-label-smoothing-678604833622 (READ-ONLY COPY).

The authoritative reference and input builder live on the scoring server;
editing this copy changes nothing except your own understanding.
"""

import jax, jax.numpy as jnp
import numpy as np

N_CLASSES = 32000
PADDING_IDX = 0
SMOOTHING = 0.1
CONFIDENCE = 1.0 - SMOOTHING


def setup_inputs(seed: int = 0) -> dict:
    key = jax.random.key(seed)
    k1, k2 = jax.random.split(key)
    x = jax.random.normal(k1, (4096, N_CLASSES), dtype=jnp.float32)
    target = jax.random.randint(k2, (4096,), 0, N_CLASSES, dtype=jnp.int64 if jax.config.jax_enable_x64 else jnp.int32)
    return {"x": x, "target": target}


def reference(x, target):
    # Build smoothed true distribution (no grad through construction; it is detached in torch).
    n = x.shape[0]
    fill_val = SMOOTHING / (N_CLASSES - 2)
    true_dist = jnp.full(x.shape, fill_val, dtype=x.dtype)
    # scatter_(1, target.unsqueeze(1), confidence)
    true_dist = true_dist.at[jnp.arange(n), target].set(CONFIDENCE)
    # zero out padding class column
    true_dist = true_dist.at[:, PADDING_IDX].set(0.0)
    # zero out rows whose target is the padding index (index_fill_ over nonzero mask)
    pad_rows = (target == PADDING_IDX)
    true_dist = jnp.where(pad_rows[:, None], 0.0, true_dist)
    true_dist = jax.lax.stop_gradient(true_dist)
    # KLDivLoss(reduction='sum'): sum over t * (log(t) - x), with t==0 contributing 0
    pointwise = jnp.where(true_dist > 0, true_dist * (jnp.log(jnp.where(true_dist > 0, true_dist, 1.0)) - x), 0.0)
    return jnp.sum(pointwise)

if __name__ == "__main__":
    import jax
    _d = setup_inputs()
    print(jax.jit(kernel)(*tuple(_d.values())))

</pallas_src>

<mosaic_0001>
#map = affine_map<(d0, d1) -> (0, 0)>
#map1 = affine_map<(d0, d1) -> (0)>
module attributes {stable_mosaic.version = 14 : i64} {
  func.func @_sc_body(%arg0: i32, %arg1: i32, %arg2: memref<4096x32000xf32, #tpu.memory_space<hbm>>, %arg3: memref<4096xi32, #tpu.memory_space<hbm>>, %arg4: memref<32x16xf32, #tpu.memory_space<hbm>>, %arg5: memref<128xi32, #tpu.memory_space<vmem>>, %arg6: memref<128x128xf32, #tpu.memory_space<vmem>>, %arg7: memref<128x128xf32, #tpu.memory_space<vmem>>, %arg8: memref<128x16xf32, #tpu.memory_space<vmem>>, %arg9: memref<128xf32, #tpu.memory_space<vmem>>, %arg10: memref<16xf32, #tpu.memory_space<vmem>>, %arg11: memref<!tpu.dma_semaphore, #tpu.memory_space<semaphore_mem>>, %arg12: memref<2x!tpu.dma_semaphore, #tpu.memory_space<semaphore_mem>>) attributes {dimension_semantics = [#tpu.dimension_semantics<core_parallel>, #tpu.dimension_semantics<subcore_parallel>], iteration_bounds = array<i64: 2, 16>, scalar_prefetch = 0 : i64, scratch_operands = 8 : i64, tpu.core_type = #tpu.core_type<sc_vector_subcore>, window_params = [{transform_indices = #map}, {transform_indices = #map1}, {transform_indices = #map}]} {
    %mul3A = arith.constant 2 : i32
    %mul3A_0 = arith.muli %arg1, %mul3A : i32
    %add3A = arith.addi %mul3A_0, %arg0 : i32
    %mul3A_1 = arith.constant 128 : i32
    %mul3A_2 = arith.muli %add3A, %mul3A_1 : i32
    %multiple_of3A = tpu.assume_multiple %mul3A_2, 128 : i32
    %dma_start3A = tpu.memref_slice %arg3[%multiple_of3A] : memref<4096xi32, #tpu.memory_space<hbm>> -> memref<128xi32, #tpu.memory_space<hbm>>
    %dma_start3A_3 = tpu.memref_slice %arg3[%multiple_of3A] : memref<4096xi32, #tpu.memory_space<hbm>> -> memref<128xi32, #tpu.memory_space<hbm>>
    tpu.enqueue_dma source(%dma_start3A_3 : memref<128xi32, #tpu.memory_space<hbm>>) target(%arg5 : memref<128xi32, #tpu.memory_space<vmem>>) target_semaphore(%arg11 : memref<!tpu.dma_semaphore, #tpu.memory_space<semaphore_mem>>)
    %dma_wait3A = tpu.memref_slice %arg3[%multiple_of3A] : memref<4096xi32, #tpu.memory_space<hbm>> -> memref<128xi32, #tpu.memory_space<hbm>>
    %dma_wait3A_4 = tpu.memref_slice %arg3[%multiple_of3A] : memref<4096xi32, #tpu.memory_space<hbm>> -> memref<128xi32, #tpu.memory_space<hbm>>
    tpu.wait_dma2 semaphore(%arg11 : memref<!tpu.dma_semaphore, #tpu.memory_space<semaphore_mem>>) src(%dma_wait3A_4 : memref<128xi32, #tpu.memory_space<hbm>>) dst(%arg5 : memref<128xi32, #tpu.memory_space<vmem>>)
    %scan3A = arith.constant 0 : i32
    %scan3A_5 = arith.constant 128 : i32
    %scan3A_6 = arith.addi %scan3A, %scan3A_5 : i32
    %scan3A_7 = arith.constant 1 : i32
    scf.for %scan3A_1250 = %scan3A to %scan3A_6 step %scan3A_7  : i32 {
      %mul3A_1251 = arith.constant 1 : i32
      %mul3A_1252 = arith.muli %scan3A_1250, %mul3A_1251 : i32
      %add3A_1253 = arith.constant 0 : i32
      %add3A_1254 = arith.addi %add3A_1253, %mul3A_1252 : i32
      %broadcast_in_dim3A_1255 = arith.constant 0.000000e+00 : f32
      %broadcast_in_dim3A_1256 = vector.broadcast %broadcast_in_dim3A_1255 : f32 to vector<16xf32>
      %swap3A_1257 = arith.index_cast %add3A_1254 : i32 to index
      %swap3A_1258 = arith.constant 0 : index
      %swap3A_1259 = tpu.vector_load %arg8[%swap3A_1257, %swap3A_1258] {strides = array<i32>} : memref<128x16xf32, #tpu.memory_space<vmem>>, vector<16xf32>,
      tpu.vector_store %arg8[%swap3A_1257, %swap3A_1258], %broadcast_in_dim3A_1256 {strides = array<i32>} : memref<128x16xf32, #tpu.memory_space<vmem>>, vector<16xf32>,
    }
    %scan3A_8 = arith.constant 128 : i32
    %broadcast_in_dim3A = arith.constant 0.000000e+00 : f32
    %broadcast_in_dim3A_9 = vector.broadcast %broadcast_in_dim3A : f32 to vector<16xf32>
    %swap3A = arith.constant 0 : index
    %swap3A_10 = tpu.vector_load %arg9[%swap3A] {strides = array<i32>} : memref<128xf32, #tpu.memory_space<vmem>>, vector<16xf32>,
    tpu.vector_store %arg9[%swap3A], %broadcast_in_dim3A_9 {strides = array<i32>} : memref<128xf32, #tpu.memory_space<vmem>>, vector<16xf32>,
    %broadcast_in_dim3A_11 = arith.constant 0.000000e+00 : f32
    %broadcast_in_dim3A_12 = vector.broadcast %broadcast_in_dim3A_11 : f32 to vector<16xf32>
    %swap3A_13 = arith.constant 16 : index
    %swap3A_14 = tpu.vector_load %arg9[%swap3A_13] {strides = array<i32>} : memref<128xf32, #tpu.memory_space<vmem>>, vector<16xf32>,
    tpu.vector_store %arg9[%swap3A_13], %broadcast_in_dim3A_12 {strides = array<i32>} : memref<128xf32, #tpu.memory_space<vmem>>, vector<16xf32>,
    %broadcast_in_dim3A_15 = arith.constant 0.000000e+00 : f32
    %broadcast_in_dim3A_16 = vector.broadcast %broadcast_in_dim3A_15 : f32 to vector<16xf32>
    %swap3A_17 = arith.constant 32 : index
    %swap3A_18 = tpu.vector_load %arg9[%swap3A_17] {strides = array<i32>} : memref<128xf32, #tpu.memory_space<vmem>>, vector<16xf32>,
    tpu.vector_store %arg9[%swap3A_17], %broadcast_in_dim3A_16 {strides = array<i32>} : memref<128xf32, #tpu.memory_space<vmem>>, vector<16xf32>,
    %broadcast_in_dim3A_19 = arith.constant 0.000000e+00 : f32
    %broadcast_in_dim3A_20 = vector.broadcast %broadcast_in_dim3A_19 : f32 to vector<16xf32>
    %swap3A_21 = arith.constant 48 : index
    %swap3A_22 = tpu.vector_load %arg9[%swap3A_21] {strides = array<i32>} : memref<128xf32, #tpu.memory_space<vmem>>, vector<16xf32>,
    tpu.vector_store %arg9[%swap3A_21], %broadcast_in_dim3A_20 {strides = array<i32>} : memref<128xf32, #tpu.memory_space<vmem>>, vector<16xf32>,
    %broadcast_in_dim3A_23 = arith.constant 0.000000e+00 : f32
    %broadcast_in_dim3A_24 = vector.broadcast %broadcast_in_dim3A_23 : f32 to vector<16xf32>
    %swap3A_25 = arith.constant 64 : index
    %swap3A_26 = tpu.vector_load %arg9[%swap3A_25] {strides = array<i32>} : memref<128xf32, #tpu.memory_space<vmem>>, vector<16xf32>,
    tpu.vector_store %arg9[%swap3A_25], %broadcast_in_dim3A_24 {strides = array<i32>} : memref<128xf32, #tpu.memory_space<vmem>>, vector<16xf32>,
    %broadcast_in_dim3A_27 = arith.constant 0.000000e+00 : f32
    %broadcast_in_dim3A_28 = vector.broadcast %broadcast_in_dim3A_27 : f32 to vector<16xf32>
    %swap3A_29 = arith.constant 80 : index
    %swap3A_30 = tpu.vector_load %arg9[%swap3A_29] {strides = array<i32>} : memref<128xf32, #tpu.memory_space<vmem>>, vector<16xf32>,
    tpu.vector_store %arg9[%swap3A_29], %broadcast_in_dim3A_28 {strides = array<i32>} : memref<128xf32, #tpu.memory_space<vmem>>, vector<16xf32>,
    %broadcast_in_dim3A_31 = arith.constant 0.000000e+00 : f32
    %broadcast_in_dim3A_32 = vector.broadcast %broadcast_in_dim3A_31 : f32 to vector<16xf32>
    %swap3A_33 = arith.constant 96 : index
    %swap3A_34 = tpu.vector_load %arg9[%swap3A_33] {strides = array<i32>} : memref<128xf32, #tpu.memory_space<vmem>>, vector<16xf32>,
    tpu.vector_store %arg9[%swap3A_33], %broadcast_in_dim3A_32 {strides = array<i32>} : memref<128xf32, #tpu.memory_space<vmem>>, vector<16xf32>,
    %broadcast_in_dim3A_35 = arith.constant 0.000000e+00 : f32
    %broadcast_in_dim3A_36 = vector.broadcast %broadcast_in_dim3A_35 : f32 to vector<16xf32>
    %swap3A_37 = arith.constant 112 : index
    %swap3A_38 = tpu.vector_load %arg9[%swap3A_37] {strides = array<i32>} : memref<128xf32, #tpu.memory_space<vmem>>, vector<16xf32>,
    tpu.vector_store %arg9[%swap3A_37], %broadcast_in_dim3A_36 {strides = array<i32>} : memref<128xf32, #tpu.memory_space<vmem>>, vector<16xf32>,
    %multiple_of3A_39 = arith.constant 30720 : i32
    %multiple_of3A_40 = tpu.assume_multiple %multiple_of3A_39, 128 : i32
    %dma_start3A_41 = arith.constant 0 : i32
    %dma_start3A_42 = tpu.memref_slice %arg2[%multiple_of3A, %multiple_of3A_40] : memref<4096x32000xf32, #tpu.memory_space<hbm>> -> memref<128x128xf32, #tpu.memory_space<hbm>>
    %dma_start3A_43 = tpu.memref_slice %arg12[%dma_start3A_41] : memref<2x!tpu.dma_semaphore, #tpu.memory_space<semaphore_mem>> -> memref<1x!tpu.dma_semaphore, #tpu.memory_space<semaphore_mem>>
    %dma_start3A_44 = tpu.memref_squeeze %dma_start3A_43 : memref<1x!tpu.dma_semaphore, #tpu.memory_space<semaphore_mem>> -> memref<!tpu.dma_semaphore, #tpu.memory_space<semaphore_mem>>
    %dma_start3A_45 = tpu.memref_slice %arg2[%multiple_of3A, %multiple_of3A_40] : memref<4096x32000xf32, #tpu.memory_space<hbm>> -> memref<128x128xf32, #tpu.memory_space<hbm>>
    tpu.enqueue_dma source(%dma_start3A_45 : memref<128x128xf32, #tpu.memory_space<hbm>>) target(%arg6 : memref<128x128xf32, #tpu.memory_space<vmem>>) target_semaphore(%dma_start3A_44 : memref<!tpu.dma_semaphore, #tpu.memory_space<semaphore_mem>>)
    %multiple_of3A_46 = arith.constant 30848 : i32
    %multiple_of3A_47 = tpu.assume_multiple %multiple_of3A_46, 128 : i32
    %dma_start3A_48 = arith.constant 1 : i32
    %dma_start3A_49 = tpu.memref_slice %arg2[%multiple_of3A, %multiple_of3A_47] : memref<4096x32000xf32, #tpu.memory_space<hbm>> -> memref<128x128xf32, #tpu.memory_space<hbm>>
    %dma_start3A_50 = tpu.memref_slice %arg12[%dma_start3A_48] : memref<2x!tpu.dma_semaphore, #tpu.memory_space<semaphore_mem>> -> memref<1x!tpu.dma_semaphore, #tpu.memory_space<semaphore_mem>>
    %dma_start3A_51 = tpu.memref_squeeze %dma_start3A_50 : memref<1x!tpu.dma_semaphore, #tpu.memory_space<semaphore_mem>> -> memref<!tpu.dma_semaphore, #tpu.memory_space<semaphore_mem>>
    %dma_start3A_52 = tpu.memref_slice %arg2[%multiple_of3A, %multiple_of3A_47] : memref<4096x32000xf32, #tpu.memory_space<hbm>> -> memref<128x128xf32, #tpu.memory_space<hbm>>
    tpu.enqueue_dma source(%dma_start3A_52 : memref<128x128xf32, #tpu.memory_space<hbm>>) target(%arg7 : memref<128x128xf32, #tpu.memory_space<vmem>>) target_semaphore(%dma_start3A_51 : memref<!tpu.dma_semaphore, #tpu.memory_space<semaphore_mem>>)
    %scan3A_53 = arith.constant 0 : i32
    %scan3A_54 = arith.constant 4 : i32
    %scan3A_55 = arith.addi %scan3A_53, %scan3A_54 : i32
    %scan3A_56 = arith.constant 1 : i32
    scf.for %scan3A_1250 = %scan3A_53 to %scan3A_55 step %scan3A_56  : i32 {
      %mul3A_1251 = arith.constant 2 : i32
      %mul3A_1252 = arith.muli %scan3A_1250, %mul3A_1251 : i32
      %add3A_1253 = arith.constant 0 : i32
      %add3A_1254 = arith.addi %add3A_1253, %mul3A_1252 : i32
      %dma_wait3A_1255 = arith.constant 0 : i32
      %dma_wait3A_1256 = arith.constant 0 : i32
      %dma_wait3A_1257 = tpu.memref_slice %arg2[%multiple_of3A, %dma_wait3A_1256] : memref<4096x32000xf32, #tpu.memory_space<hbm>> -> memref<128x128xf32, #tpu.memory_space<hbm>>
      %dma_wait3A_1258 = tpu.memref_slice %arg12[%dma_wait3A_1255] : memref<2x!tpu.dma_semaphore, #tpu.memory_space<semaphore_mem>> -> memref<1x!tpu.dma_semaphore, #tpu.memory_space<semaphore_mem>>
      %dma_wait3A_1259 = tpu.memref_squeeze %dma_wait3A_1258 : memref<1x!tpu.dma_semaphore, #tpu.memory_space<semaphore_mem>> -> memref<!tpu.dma_semaphore, #tpu.memory_space<semaphore_mem>>
      %dma_wait3A_1260 = arith.constant 0 : i32
      %dma_wait3A_1261 = tpu.memref_slice %arg2[%multiple_of3A, %dma_wait3A_1260] : memref<4096x32000xf32, #tpu.memory_space<hbm>> -> memref<128x128xf32, #tpu.memory_space<hbm>>
      tpu.wait_dma2 semaphore(%dma_wait3A_1259 : memref<!tpu.dma_semaphore, #tpu.memory_space<semaphore_mem>>) src(%dma_wait3A_1261 : memref<128x128xf32, #tpu.memory_space<hbm>>) dst(%arg6 : memref<128x128xf32, #tpu.memory_space<vmem>>)
      %mul3A_1262 = arith.constant 128 : i32
      %mul3A_1263 = arith.muli %add3A_1254, %mul3A_1262 : i32
      %add3A_1264 = arith.constant 30720 : i32
      %add3A_1265 = arith.addi %add3A_1264, %mul3A_1263 : i32
      %get3A_1266 = arith.constant 0 : index
      %get3A_1267 = tpu.vector_load %arg5[%get3A_1266] {strides = array<i32>} : memref<128xi32, #tpu.memory_space<vmem>>, vector<16xi32>,
      %iota3A_1268 = tpu.iota {dimensions = array<i32: 0>} : vector<16xi32>
      %add3A_1269 = arith.constant 0 : i32
      %add3A_1270 = vector.broadcast %add3A_1269 : i32 to vector<16xi32>
      %add3A_1271 = arith.addi %add3A_1270, %iota3A_1268 : vector<16xi32>
      %sub3A_1272 = vector.broadcast %add3A_1265 : i32 to vector<16xi32>
      %sub3A_1273 = arith.subi %get3A_1267, %sub3A_1272 : vector<16xi32>
      %ge3A_1274 = arith.constant 0 : i32
      %ge3A_1275 = vector.broadcast %ge3A_1274 : i32 to vector<16xi32>
      %ge3A_1276 = arith.cmpi sge, %sub3A_1273, %ge3A_1275 : vector<16xi32>
      %lt3A_1277 = arith.constant 128 : i32
      %lt3A_1278 = vector.broadcast %lt3A_1277 : i32 to vector<16xi32>
      %lt3A_1279 = arith.cmpi slt, %sub3A_1273, %lt3A_1278 : vector<16xi32>
      %and3A_1280 = arith.andi %ge3A_1276, %lt3A_1279 : vector<16xi1>
      %max3A_1281 = arith.constant 0 : i32
      %max3A_1282 = vector.broadcast %max3A_1281 : i32 to vector<16xi32>
      %max3A_1283 = arith.maxsi %sub3A_1273, %max3A_1282 : vector<16xi32>
      %min3A_1284 = arith.constant 127 : i32
      %min3A_1285 = vector.broadcast %min3A_1284 : i32 to vector<16xi32>
      %min3A_1286 = arith.minsi %max3A_1283, %min3A_1285 : vector<16xi32>
      %gather3A_1287 = tpu.vector_load_idx %arg6[%add3A_1271, %min3A_1286] : memref<128x128xf32, #tpu.memory_space<vmem>>[vector<16xi32>, vector<16xi32>], vector<16xf32>,
      %get3A_1288 = arith.constant 0 : index
      %get3A_1289 = tpu.vector_load %arg9[%get3A_1288] {strides = array<i32>} : memref<128xf32, #tpu.memory_space<vmem>>, vector<16xf32>,
      %jit3A_1290 = arith.constant 0.000000e+00 : f32
      %broadcast_in_dim3A_1291 = vector.broadcast %jit3A_1290 : f32 to vector<16xf32>
      %select_n3A_1292 = arith.select %and3A_1280, %gather3A_1287, %broadcast_in_dim3A_1291 : vector<16xi1>, vector<16xf32>
      %add3A_1293 = arith.addf %get3A_1289, %select_n3A_1292 : vector<16xf32>
      %swap3A_1294 = arith.constant 0 : index
      %swap3A_1295 = tpu.vector_load %arg9[%swap3A_1294] {strides = array<i32>} : memref<128xf32, #tpu.memory_space<vmem>>, vector<16xf32>,
      tpu.vector_store %arg9[%swap3A_1294], %add3A_1293 {strides = array<i32>} : memref<128xf32, #tpu.memory_space<vmem>>, vector<16xf32>,
      %get3A_1296 = arith.constant 16 : index
      %get3A_1297 = tpu.vector_load %arg5[%get3A_1296] {strides = array<i32>} : memref<128xi32, #tpu.memory_space<vmem>>, vector<16xi32>,
      %iota3A_1298 = tpu.iota {dimensions = array<i32: 0>} : vector<16xi32>
      %add3A_1299 = arith.constant 16 : i32
      %add3A_1300 = vector.broadcast %add3A_1299 : i32 to vector<16xi32>
      %add3A_1301 = arith.addi %add3A_1300, %iota3A_1298 : vector<16xi32>
      %sub3A_1302 = vector.broadcast %add3A_1265 : i32 to vector<16xi32>
      %sub3A_1303 = arith.subi %get3A_1297, %sub3A_1302 : vector<16xi32>
      %ge3A_1304 = arith.constant 0 : i32
      %ge3A_1305 = vector.broadcast %ge3A_1304 : i32 to vector<16xi32>
      %ge3A_1306 = arith.cmpi sge, %sub3A_1303, %ge3A_1305 : vector<16xi32>
      %lt3A_1307 = arith.constant 128 : i32
      %lt3A_1308 = vector.broadcast %lt3A_1307 : i32 to vector<16xi32>
      %lt3A_1309 = arith.cmpi slt, %sub3A_1303, %lt3A_1308 : vector<16xi32>
      %and3A_1310 = arith.andi %ge3A_1306, %lt3A_1309 : vector<16xi1>
      %max3A_1311 = arith.constant 0 : i32
      %max3A_1312 = vector.broadcast %max3A_1311 : i32 to vector<16xi32>
      %max3A_1313 = arith.maxsi %sub3A_1303, %max3A_1312 : vector<16xi32>
      %min3A_1314 = arith.constant 127 : i32
      %min3A_1315 = vector.broadcast %min3A_1314 : i32 to vector<16xi32>
      %min3A_1316 = arith.minsi %max3A_1313, %min3A_1315 : vector<16xi32>
      %gather3A_1317 = tpu.vector_load_idx %arg6[%add3A_1301, %min3A_1316] : memref<128x128xf32, #tpu.memory_space<vmem>>[vector<16xi32>, vector<16xi32>], vector<16xf32>,
      %get3A_1318 = arith.constant 16 : index
      %get3A_1319 = tpu.vector_load %arg9[%get3A_1318] {strides = array<i32>} : memref<128xf32, #tpu.memory_space<vmem>>, vector<16xf32>,
      %jit3A_1320 = arith.constant 0.000000e+00 : f32
      %broadcast_in_dim3A_1321 = vector.broadcast %jit3A_1320 : f32 to vector<16xf32>
      %select_n3A_1322 = arith.select %and3A_1310, %gather3A_1317, %broadcast_in_dim3A_1321 : vector<16xi1>, vector<16xf32>
      %add3A_1323 = arith.addf %get3A_1319, %select_n3A_1322 : vector<16xf32>
      %swap3A_1324 = arith.constant 16 : index
      %swap3A_1325 = tpu.vector_load %arg9[%swap3A_1324] {strides = array<i32>} : memref<128xf32, #tpu.memory_space<vmem>>, vector<16xf32>,
      tpu.vector_store %arg9[%swap3A_1324], %add3A_1323 {strides = array<i32>} : memref<128xf32, #tpu.memory_space<vmem>>, vector<16xf32>,
      %get3A_1326 = arith.constant 32 : index
      %get3A_1327 = tpu.vector_load %arg5[%get3A_1326] {strides = array<i32>} : memref<128xi32, #tpu.memory_space<vmem>>, vector<16xi32>,
      %iota3A_1328 = tpu.iota {dimensions = array<i32: 0>} : vector<16xi32>
      %add3A_1329 = arith.constant 32 : i32
      %add3A_1330 = vector.broadcast %add3A_1329 : i32 to vector<16xi32>
      %add3A_1331 = arith.addi %add3A_1330, %iota3A_1328 : vector<16xi32>
      %sub3A_1332 = vector.broadcast %add3A_1265 : i32 to vector<16xi32>
      %sub3A_1333 = arith.subi %get3A_1327, %sub3A_1332 : vector<16xi32>
      %ge3A_1334 = arith.constant 0 : i32
      %ge3A_1335 = vector.broadcast %ge3A_1334 : i32 to vector<16xi32>
      %ge3A_1336 = arith.cmpi sge, %sub3A_1333, %ge3A_1335 : vector<16xi32>
      %lt3A_1337 = arith.constant 128 : i32
      %lt3A_1338 = vector.broadcast %lt3A_1337 : i32 to vector<16xi32>
      %lt3A_1339 = arith.cmpi slt, %sub3A_1333, %lt3A_1338 : vector<16xi32>
      %and3A_1340 = arith.andi %ge3A_1336, %lt3A_1339 : vector<16xi1>
      %max3A_1341 = arith.constant 0 : i32
      %max3A_1342 = vector.broadcast %max3A_1341 : i32 to vector<16xi32>
      %max3A_1343 = arith.maxsi %sub3A_1333, %max3A_1342 : vector<16xi32>
      %min3A_1344 = arith.constant 127 : i32
      %min3A_1345 = vector.broadcast %min3A_1344 : i32 to vector<16xi32>
      %min3A_1346 = arith.minsi %max3A_1343, %min3A_1345 : vector<16xi32>
      %gather3A_1347 = tpu.vector_load_idx %arg6[%add3A_1331, %min3A_1346] : memref<128x128xf32, #tpu.memory_space<vmem>>[vector<16xi32>, vector<16xi32>], vector<16xf32>,
      %get3A_1348 = arith.constant 32 : index
      %get3A_1349 = tpu.vector_load %arg9[%get3A_1348] {strides = array<i32>} : memref<128xf32, #tpu.memory_space<vmem>>, vector<16xf32>,
      %jit3A_1350 = arith.constant 0.000000e+00 : f32
      %broadcast_in_dim3A_1351 = vector.broadcast %jit3A_1350 : f32 to vector<16xf32>
      %select_n3A_1352 = arith.select %and3A_1340, %gather3A_1347, %broadcast_in_dim3A_1351 : vector<16xi1>, vector<16xf32>
      %add3A_1353 = arith.addf %get3A_1349, %select_n3A_1352 : vector<16xf32>
      %swap3A_1354 = arith.constant 32 : index
      %swap3A_1355 = tpu.vector_load %arg9[%swap3A_1354] {strides = array<i32>} : memref<128xf32, #tpu.memory_space<vmem>>, vector<16xf32>,
      tpu.vector_store %arg9[%swap3A_1354], %add3A_1353 {strides = array<i32>} : memref<128xf32, #tpu.memory_space<vmem>>, vector<16xf32>,
      %get3A_1356 = arith.constant 48 : index
      %get3A_1357 = tpu.vector_load %arg5[%get3A_1356] {strides = array<i32>} : memref<128xi32, #tpu.memory_space<vmem>>, vector<16xi32>,
      %iota3A_1358 = tpu.iota {dimensions = array<i32: 0>} : vector<16xi32>
      %add3A_1359 = arith.constant 48 : i32
      %add3A_1360 = vector.broadcast %add3A_1359 : i32 to vector<16xi32>
      %add3A_1361 = arith.addi %add3A_1360, %iota3A_1358 : vector<16xi32>
      %sub3A_1362 = vector.broadcast %add3A_1265 : i32 to vector<16xi32>
      %sub3A_1363 = arith.subi %get3A_1357, %sub3A_1362 : vector<16xi32>
      %ge3A_1364 = arith.constant 0 : i32
      %ge3A_1365 = vector.broadcast %ge3A_1364 : i32 to vector<16xi32>
      %ge3A_1366 = arith.cmpi sge, %sub3A_1363, %ge3A_1365 : vector<16xi32>
      %lt3A_1367 = arith.constant 128 : i32
      %lt3A_1368 = vector.broadcast %lt3A_1367 : i32 to vector<16xi32>
      %lt3A_1369 = arith.cmpi slt, %sub3A_1363, %lt3A_1368 : vector<16xi32>
      %and3A_1370 = arith.andi %ge3A_1366, %lt3A_1369 : vector<16xi1>
      %max3A_1371 = arith.constant 0 : i32
      %max3A_1372 = vector.broadcast %max3A_1371 : i32 to vector<16xi32>
      %max3A_1373 = arith.maxsi %sub3A_1363, %max3A_1372 : vector<16xi32>
      %min3A_1374 = arith.constant 127 : i32
      %min3A_1375 = vector.broadcast %min3A_1374 : i32 to vector<16xi32>
      %min3A_1376 = arith.minsi %max3A_1373, %min3A_1375 : vector<16xi32>
      %gather3A_1377 = tpu.vector_load_idx %arg6[%add3A_1361, %min3A_1376] : memref<128x128xf32, #tpu.memory_space<vmem>>[vector<16xi32>, vector<16xi32>], vector<16xf32>,
      %get3A_1378 = arith.constant 48 : index
      %get3A_1379 = tpu.vector_load %arg9[%get3A_1378] {strides = array<i32>} : memref<128xf32, #tpu.memory_space<vmem>>, vector<16xf32>,
      %jit3A_1380 = arith.constant 0.000000e+00 : f32
      %broadcast_in_dim3A_1381 = vector.broadcast %jit3A_1380 : f32 to vector<16xf32>
      %select_n3A_1382 = arith.select %and3A_1370, %gather3A_1377, %broadcast_in_dim3A_1381 : vector<16xi1>, vector<16xf32>
      %add3A_1383 = arith.addf %get3A_1379, %select_n3A_1382 : vector<16xf32>
      %swap3A_1384 = arith.constant 48 : index
      %swap3A_1385 = tpu.vector_load %arg9[%swap3A_1384] {strides = array<i32>} : memref<128xf32, #tpu.memory_space<vmem>>, vector<16xf32>,
      tpu.vector_store %arg9[%swap3A_1384], %add3A_1383 {strides = array<i32>} : memref<128xf32, #tpu.memory_space<vmem>>, vector<16xf32>,
      %get3A_1386 = arith.constant 64 : index
      %get3A_1387 = tpu.vector_load %arg5[%get3A_1386] {strides = array<i32>} : memref<128xi32, #tpu.memory_space<vmem>>, vector<16xi32>,
      %iota3A_1388 = tpu.iota {dimensions = array<i32: 0>} : vector<16xi32>
      %add3A_1389 = arith.constant 64 : i32
      %add3A_1390 = vector.broadcast %add3A_1389 : i32 to vector<16xi32>
      %add3A_1391 = arith.addi %add3A_1390, %iota3A_1388 : vector<16xi32>
      %sub3A_1392 = vector.broadcast %add3A_1265 : i32 to vector<16xi32>
      %sub3A_1393 = arith.subi %get3A_1387, %sub3A_1392 : vector<16xi32>
      %ge3A_1394 = arith.constant 0 : i32
      %ge3A_1395 = vector.broadcast %ge3A_1394 : i32 to vector<16xi32>
      %ge3A_1396 = arith.cmpi sge, %sub3A_1393, %ge3A_1395 : vector<16xi32>
      %lt3A_1397 = arith.constant 128 : i32
      %lt3A_1398 = vector.broadcast %lt3A_1397 : i32 to vector<16xi32>
      %lt3A_1399 = arith.cmpi slt, %sub3A_1393, %lt3A_1398 : vector<16xi32>
      %and3A_1400 = arith.andi %ge3A_1396, %lt3A_1399 : vector<16xi1>
      %max3A_1401 = arith.constant 0 : i32
      %max3A_1402 = vector.broadcast %max3A_1401 : i32 to vector<16xi32>
      %max3A_1403 = arith.maxsi %sub3A_1393, %max3A_1402 : vector<16xi32>
      %min3A_1404 = arith.constant 127 : i32
      %min3A_1405 = vector.broadcast %min3A_1404 : i32 to vector<16xi32>
      %min3A_1406 = arith.minsi %max3A_1403, %min3A_1405 : vector<16xi32>
      %gather3A_1407 = tpu.vector_load_idx %arg6[%add3A_1391, %min3A_1406] : memref<128x128xf32, #tpu.memory_space<vmem>>[vector<16xi32>, vector<16xi32>], vector<16xf32>,
      %get3A_1408 = arith.constant 64 : index
      %get3A_1409 = tpu.vector_load %arg9[%get3A_1408] {strides = array<i32>} : memref<128xf32, #tpu.memory_space<vmem>>, vector<16xf32>,
      %jit3A_1410 = arith.constant 0.000000e+00 : f32
      %broadcast_in_dim3A_1411 = vector.broadcast %jit3A_1410 : f32 to vector<16xf32>
      %select_n3A_1412 = arith.select %and3A_1400, %gather3A_1407, %broadcast_in_dim3A_1411 : vector<16xi1>, vector<16xf32>
      %add3A_1413 = arith.addf %get3A_1409, %select_n3A_1412 : vector<16xf32>
      %swap3A_1414 = arith.constant 64 : index
      %swap3A_1415 = tpu.vector_load %arg9[%swap3A_1414] {strides = array<i32>} : memref<128xf32, #tpu.memory_space<vmem>>, vector<16xf32>,
      tpu.vector_store %arg9[%swap3A_1414], %add3A_1413 {strides = array<i32>} : memref<128xf32, #tpu.memory_space<vmem>>, vector<16xf32>,
      %get3A_1416 = arith.constant 80 : index
      %get3A_1417 = tpu.vector_load %arg5[%get3A_1416] {strides = array<i32>} : memref<128xi32, #tpu.memory_space<vmem>>, vector<16xi32>,
      %iota3A_1418 = tpu.iota {dimensions = array<i32: 0>} : vector<16xi32>
      %add3A_1419 = arith.constant 80 : i32
      %add3A_1420 = vector.broadcast %add3A_1419 : i32 to vector<16xi32>
      %add3A_1421 = arith.addi %add3A_1420, %iota3A_1418 : vector<16xi32>
      %sub3A_1422 = vector.broadcast %add3A_1265 : i32 to vector<16xi32>
      %sub3A_1423 = arith.subi %get3A_1417, %sub3A_1422 : vector<16xi32>
      %ge3A_1424 = arith.constant 0 : i32
      %ge3A_1425 = vector.broadcast %ge3A_1424 : i32 to vector<16xi32>
      %ge3A_1426 = arith.cmpi sge, %sub3A_1423, %ge3A_1425 : vector<16xi32>
      %lt3A_1427 = arith.constant 128 : i32
      %lt3A_1428 = vector.broadcast %lt3A_1427 : i32 to vector<16xi32>
      %lt3A_1429 = arith.cmpi slt, %sub3A_1423, %lt3A_1428 : vector<16xi32>
      %and3A_1430 = arith.andi %ge3A_1426, %lt3A_1429 : vector<16xi1>
      %max3A_1431 = arith.constant 0 : i32
      %max3A_1432 = vector.broadcast %max3A_1431 : i32 to vector<16xi32>
      %max3A_1433 = arith.maxsi %sub3A_1423, %max3A_1432 : vector<16xi32>
      %min3A_1434 = arith.constant 127 : i32
      %min3A_1435 = vector.broadcast %min3A_1434 : i32 to vector<16xi32>
      %min3A_1436 = arith.minsi %max3A_1433, %min3A_1435 : vector<16xi32>
      %gather3A_1437 = tpu.vector_load_idx %arg6[%add3A_1421, %min3A_1436] : memref<128x128xf32, #tpu.memory_space<vmem>>[vector<16xi32>, vector<16xi32>], vector<16xf32>,
      %get3A_1438 = arith.constant 80 : index
      %get3A_1439 = tpu.vector_load %arg9[%get3A_1438] {strides = array<i32>} : memref<128xf32, #tpu.memory_space<vmem>>, vector<16xf32>,
      %jit3A_1440 = arith.constant 0.000000e+00 : f32
      %broadcast_in_dim3A_1441 = vector.broadcast %jit3A_1440 : f32 to vector<16xf32>
      %select_n3A_1442 = arith.select %and3A_1430, %gather3A_1437, %broadcast_in_dim3A_1441 : vector<16xi1>, vector<16xf32>
      %add3A_1443 = arith.addf %get3A_1439, %select_n3A_1442 : vector<16xf32>
      %swap3A_1444 = arith.constant 80 : index
      %swap3A_1445 = tpu.vector_load %arg9[%swap3A_1444] {strides = array<i32>} : memref<128xf32, #tpu.memory_space<vmem>>, vector<16xf32>,
      tpu.vector_store %arg9[%swap3A_1444], %add3A_1443 {strides = array<i32>} : memref<128xf32, #tpu.memory_space<vmem>>, vector<16xf32>,
      %get3A_1446 = arith.constant 96 : index
      %get3A_1447 = tpu.vector_load %arg5[%get3A_1446] {strides = array<i32>} : memref<128xi32, #tpu.memory_space<vmem>>, vector<16xi32>,
      %iota3A_1448 = tpu.iota {dimensions = array<i32: 0>} : vector<16xi32>
      %add3A_1449 = arith.constant 96 : i32
      %add3A_1450 = vector.broadcast %add3A_1449 : i32 to vector<16xi32>
      %add3A_1451 = arith.addi %add3A_1450, %iota3A_1448 : vector<16xi32>
      %sub3A_1452 = vector.broadcast %add3A_1265 : i32 to vector<16xi32>
      %sub3A_1453 = arith.subi %get3A_1447, %sub3A_1452 : vector<16xi32>
      %ge3A_1454 = arith.constant 0 : i32
      %ge3A_1455 = vector.broadcast %ge3A_1454 : i32 to vector<16xi32>
      %ge3A_1456 = arith.cmpi sge, %sub3A_1453, %ge3A_1455 : vector<16xi32>
      %lt3A_1457 = arith.constant 128 : i32
      %lt3A_1458 = vector.broadcast %lt3A_1457 : i32 to vector<16xi32>
      %lt3A_1459 = arith.cmpi slt, %sub3A_1453, %lt3A_1458 : vector<16xi32>
      %and3A_1460 = arith.andi %ge3A_1456, %lt3A_1459 : vector<16xi1>
      %max3A_1461 = arith.constant 0 : i32
      %max3A_1462 = vector.broadcast %max3A_1461 : i32 to vector<16xi32>
      %max3A_1463 = arith.maxsi %sub3A_1453, %max3A_1462 : vector<16xi32>
      %min3A_1464 = arith.constant 127 : i32
      %min3A_1465 = vector.broadcast %min3A_1464 : i32 to vector<16xi32>
      %min3A_1466 = arith.minsi %max3A_1463, %min3A_1465 : vector<16xi32>
      %gather3A_1467 = tpu.vector_load_idx %arg6[%add3A_1451, %min3A_1466] : memref<128x128xf32, #tpu.memory_space<vmem>>[vector<16xi32>, vector<16xi32>], vector<16xf32>,
      %get3A_1468 = arith.constant 96 : index
      %get3A_1469 = tpu.vector_load %arg9[%get3A_1468] {strides = array<i32>} : memref<128xf32, #tpu.memory_space<vmem>>, vector<16xf32>,
      %jit3A_1470 = arith.constant 0.000000e+00 : f32
      %broadcast_in_dim3A_1471 = vector.broadcast %jit3A_1470 : f32 to vector<16xf32>
      %select_n3A_1472 = arith.select %and3A_1460, %gather3A_1467, %broadcast_in_dim3A_1471 : vector<16xi1>, vector<16xf32>
      %add3A_1473 = arith.addf %get3A_1469, %select_n3A_1472 : vector<16xf32>
      %swap3A_1474 = arith.constant 96 : index
      %swap3A_1475 = tpu.vector_load %arg9[%swap3A_1474] {strides = array<i32>} : memref<128xf32, #tpu.memory_space<vmem>>, vector<16xf32>,
      tpu.vector_store %arg9[%swap3A_1474], %add3A_1473 {strides = array<i32>} : memref<128xf32, #tpu.memory_space<vmem>>, vector<16xf32>,
      %get3A_1476 = arith.constant 112 : index
      %get3A_1477 = tpu.vector_load %arg5[%get3A_1476] {strides = array<i32>} : memref<128xi32, #tpu.memory_space<vmem>>, vector<16xi32>,
      %iota3A_1478 = tpu.iota {dimensions = array<i32: 0>} : vector<16xi32>
      %add3A_1479 = arith.constant 112 : i32
      %add3A_1480 = vector.broadcast %add3A_1479 : i32 to vector<16xi32>
      %add3A_1481 = arith.addi %add3A_1480, %iota3A_1478 : vector<16xi32>
      %sub3A_1482 = vector.broadcast %add3A_1265 : i32 to vector<16xi32>
      %sub3A_1483 = arith.subi %get3A_1477, %sub3A_1482 : vector<16xi32>
      %ge3A_1484 = arith.constant 0 : i32
      %ge3A_1485 = vector.broadcast %ge3A_1484 : i32 to vector<16xi32>
      %ge3A_1486 = arith.cmpi sge, %sub3A_1483, %ge3A_1485 : vector<16xi32>
      %lt3A_1487 = arith.constant 128 : i32
      %lt3A_1488 = vector.broadcast %lt3A_1487 : i32 to vector<16xi32>
      %lt3A_1489 = arith.cmpi slt, %sub3A_1483, %lt3A_1488 : vector<16xi32>
      %and3A_1490 = arith.andi %ge3A_1486, %lt3A_1489 : vector<16xi1>
      %max3A_1491 = arith.constant 0 : i32
      %max3A_1492 = vector.broadcast %max3A_1491 : i32 to vector<16xi32>
      %max3A_1493 = arith.maxsi %sub3A_1483, %max3A_1492 : vector<16xi32>
      %min3A_1494 = arith.constant 127 : i32
      %min3A_1495 = vector.broadcast %min3A_1494 : i32 to vector<16xi32>
      %min3A_1496 = arith.minsi %max3A_1493, %min3A_1495 : vector<16xi32>
      %gather3A_1497 = tpu.vector_load_idx %arg6[%add3A_1481, %min3A_1496] : memref<128x128xf32, #tpu.memory_space<vmem>>[vector<16xi32>, vector<16xi32>], vector<16xf32>,
      %get3A_1498 = arith.constant 112 : index
      %get3A_1499 = tpu.vector_load %arg9[%get3A_1498] {strides = array<i32>} : memref<128xf32, #tpu.memory_space<vmem>>, vector<16xf32>,
      %jit3A_1500 = arith.constant 0.000000e+00 : f32
      %broadcast_in_dim3A_1501 = vector.broadcast %jit3A_1500 : f32 to vector<16xf32>
      %select_n3A_1502 = arith.select %and3A_1490, %gather3A_1497, %broadcast_in_dim3A_1501 : vector<16xi1>, vector<16xf32>
      %add3A_1503 = arith.addf %get3A_1499, %select_n3A_1502 : vector<16xf32>
      %swap3A_1504 = arith.constant 112 : index
      %swap3A_1505 = tpu.vector_load %arg9[%swap3A_1504] {strides = array<i32>} : memref<128xf32, #tpu.memory_space<vmem>>, vector<16xf32>,
      tpu.vector_store %arg9[%swap3A_1504], %add3A_1503 {strides = array<i32>} : memref<128xf32, #tpu.memory_space<vmem>>, vector<16xf32>,
      %scan3A_1506 = arith.constant 0 : i32
      %scan3A_1507 = arith.constant 128 : i32
      %scan3A_1508 = arith.addi %scan3A_1506, %scan3A_1507 : i32
      %scan3A_1509 = arith.constant 1 : i32
      scf.for %scan3A_1793 = %scan3A_1506 to %scan3A_1508 step %scan3A_1509  : i32 {
        %mul3A_1794 = arith.constant 1 : i32
        %mul3A_1795 = arith.muli %scan3A_1793, %mul3A_1794 : i32
        %add3A_1796 = arith.constant 0 : i32
        %add3A_1797 = arith.addi %add3A_1796, %mul3A_1795 : i32
        %get3A_1798 = arith.index_cast %add3A_1797 : i32 to index
        %get3A_1799 = arith.constant 0 : index
        %get3A_1800 = tpu.vector_load %arg6[%get3A_1798, %get3A_1799] {strides = array<i32>} : memref<128x128xf32, #tpu.memory_space<vmem>>, vector<16xf32>,
        %get3A_1801 = arith.index_cast %add3A_1797 : i32 to index
        %get3A_1802 = arith.constant 16 : index
        %get3A_1803 = tpu.vector_load %arg6[%get3A_1801, %get3A_1802] {strides = array<i32>} : memref<128x128xf32, #tpu.memory_space<vmem>>, vector<16xf32>,
        %add3A_1804 = arith.addf %get3A_1800, %get3A_1803 : vector<16xf32>
        %get3A_1805 = arith.index_cast %add3A_1797 : i32 to index
        %get3A_1806 = arith.constant 32 : index
        %get3A_1807 = tpu.vector_load %arg6[%get3A_1805, %get3A_1806] {strides = array<i32>} : memref<128x128xf32, #tpu.memory_space<vmem>>, vector<16xf32>,
        %add3A_1808 = arith.addf %add3A_1804, %get3A_1807 : vector<16xf32>
        %get3A_1809 = arith.index_cast %add3A_1797 : i32 to index
        %get3A_1810 = arith.constant 48 : index
        %get3A_1811 = tpu.vector_load %arg6[%get3A_1809, %get3A_1810] {strides = array<i32>} : memref<128x128xf32, #tpu.memory_space<vmem>>, vector<16xf32>,
        %add3A_1812 = arith.addf %add3A_1808, %get3A_1811 : vector<16xf32>
        %get3A_1813 = arith.index_cast %add3A_1797 : i32 to index
        %get3A_1814 = arith.constant 64 : index
        %get3A_1815 = tpu.vector_load %arg6[%get3A_1813, %get3A_1814] {strides = array<i32>} : memref<128x128xf32, #tpu.memory_space<vmem>>, vector<16xf32>,
        %add3A_1816 = arith.addf %add3A_1812, %get3A_1815 : vector<16xf32>
        %get3A_1817 = arith.index_cast %add3A_1797 : i32 to index
        %get3A_1818 = arith.constant 80 : index
        %get3A_1819 = tpu.vector_load %arg6[%get3A_1817, %get3A_1818] {strides = array<i32>} : memref<128x128xf32, #tpu.memory_space<vmem>>, vector<16xf32>,
        %add3A_1820 = arith.addf %add3A_1816, %get3A_1819 : vector<16xf32>
        %get3A_1821 = arith.index_cast %add3A_1797 : i32 to index
        %get3A_1822 = arith.constant 96 : index
        %get3A_1823 = tpu.vector_load %arg6[%get3A_1821, %get3A_1822] {strides = array<i32>} : memref<128x128xf32, #tpu.memory_space<vmem>>, vector<16xf32>,
        %add3A_1824 = arith.addf %add3A_1820, %get3A_1823 : vector<16xf32>
        %get3A_1825 = arith.index_cast %add3A_1797 : i32 to index
        %get3A_1826 = arith.constant 112 : index
        %get3A_1827 = tpu.vector_load %arg6[%get3A_1825, %get3A_1826] {strides = array<i32>} : memref<128x128xf32, #tpu.memory_space<vmem>>, vector<16xf32>,
        %add3A_1828 = arith.addf %add3A_1824, %get3A_1827 : vector<16xf32>
        %get3A_1829 = arith.index_cast %add3A_1797 : i32 to index
        %get3A_1830 = arith.constant 0 : index
        %get3A_1831 = tpu.vector_load %arg8[%get3A_1829, %get3A_1830] {strides = array<i32>} : memref<128x16xf32, #tpu.memory_space<vmem>>, vector<16xf32>,
        %add3A_1832 = arith.addf %get3A_1831, %add3A_1828 : vector<16xf32>
        %swap3A_1833 = arith.index_cast %add3A_1797 : i32 to index
        %swap3A_1834 = arith.constant 0 : index
        %swap3A_1835 = tpu.vector_load %arg8[%swap3A_1833, %swap3A_1834] {strides = array<i32>} : memref<128x16xf32, #tpu.memory_space<vmem>>, vector<16xf32>,
        tpu.vector_store %arg8[%swap3A_1833, %swap3A_1834], %add3A_1832 {strides = array<i32>} : memref<128x16xf32, #tpu.memory_space<vmem>>, vector<16xf32>,
      }
      %scan3A_1510 = arith.constant 128 : i32
      %add3A_1511 = arith.constant 2 : i32
      %add3A_1512 = arith.addi %add3A_1254, %add3A_1511 : i32
      %mul3A_1513 = arith.constant 128 : i32
      %mul3A_1514 = arith.muli %add3A_1512, %mul3A_1513 : i32
      %add3A_1515 = arith.constant 30720 : i32
      %add3A_1516 = arith.addi %add3A_1515, %mul3A_1514 : i32
      %multiple_of3A_1517 = tpu.assume_multiple %add3A_1516, 128 : i32
      %dma_start3A_1518 = arith.constant 0 : i32
      %dma_start3A_1519 = tpu.memref_slice %arg2[%multiple_of3A, %multiple_of3A_1517] : memref<4096x32000xf32, #tpu.memory_space<hbm>> -> memref<128x128xf32, #tpu.memory_space<hbm>>
      %dma_start3A_1520 = tpu.memref_slice %arg12[%dma_start3A_1518] : memref<2x!tpu.dma_semaphore, #tpu.memory_space<semaphore_mem>> -> memref<1x!tpu.dma_semaphore, #tpu.memory_space<semaphore_mem>>
      %dma_start3A_1521 = tpu.memref_squeeze %dma_start3A_1520 : memref<1x!tpu.dma_semaphore, #tpu.memory_space<semaphore_mem>> -> memref<!tpu.dma_semaphore, #tpu.memory_space<semaphore_mem>>
      %dma_start3A_1522 = tpu.memref_slice %arg2[%multiple_of3A, %multiple_of3A_1517] : memref<4096x32000xf32, #tpu.memory_space<hbm>> -> memref<128x128xf32, #tpu.memory_space<hbm>>
      tpu.enqueue_dma source(%dma_start3A_1522 : memref<128x128xf32, #tpu.memory_space<hbm>>) target(%arg6 : memref<128x128xf32, #tpu.memory_space<vmem>>) target_semaphore(%dma_start3A_1521 : memref<!tpu.dma_semaphore, #tpu.memory_space<semaphore_mem>>)
      %add3A_1523 = arith.constant 1 : i32
      %add3A_1524 = arith.addi %add3A_1254, %add3A_1523 : i32
      %dma_wait3A_1525 = arith.constant 1 : i32
      %dma_wait3A_1526 = arith.constant 0 : i32
      %dma_wait3A_1527 = tpu.memref_slice %arg2[%multiple_of3A, %dma_wait3A_1526] : memref<4096x32000xf32, #tpu.memory_space<hbm>> -> memref<128x128xf32, #tpu.memory_space<hbm>>
      %dma_wait3A_1528 = tpu.memref_slice %arg12[%dma_wait3A_1525] : memref<2x!tpu.dma_semaphore, #tpu.memory_space<semaphore_mem>> -> memref<1x!tpu.dma_semaphore, #tpu.memory_space<semaphore_mem>>
      %dma_wait3A_1529 = tpu.memref_squeeze %dma_wait3A_1528 : memref<1x!tpu.dma_semaphore, #tpu.memory_space<semaphore_mem>> -> memref<!tpu.dma_semaphore, #tpu.memory_space<semaphore_mem>>
      %dma_wait3A_1530 = arith.constant 0 : i32
      %dma_wait3A_1531 = tpu.memref_slice %arg2[%multiple_of3A, %dma_wait3A_1530] : memref<4096x32000xf32, #tpu.memory_space<hbm>> -> memref<128x128xf32, #tpu.memory_space<hbm>>
      tpu.wait_dma2 semaphore(%dma_wait3A_1529 : memref<!tpu.dma_semaphore, #tpu.memory_space<semaphore_mem>>) src(%dma_wait3A_1531 : memref<128x128xf32, #tpu.memory_space<hbm>>) dst(%arg7 : memref<128x128xf32, #tpu.memory_space<vmem>>)
      %mul3A_1532 = arith.constant 128 : i32
      %mul3A_1533 = arith.muli %add3A_1524, %mul3A_1532 : i32
      %add3A_1534 = arith.constant 30720 : i32
      %add3A_1535 = arith.addi %add3A_1534, %mul3A_1533 : i32
      %get3A_1536 = arith.constant 0 : index
      %get3A_1537 = tpu.vector_load %arg5[%get3A_1536] {strides = array<i32>} : memref<128xi32, #tpu.memory_space<vmem>>, vector<16xi32>,
      %iota3A_1538 = tpu.iota {dimensions = array<i32: 0>} : vector<16xi32>
      %add3A_1539 = arith.constant 0 : i32
      %add3A_1540 = vector.broadcast %add3A_1539 : i32 to vector<16xi32>
      %add3A_1541 = arith.addi %add3A_1540, %iota3A_1538 : vector<16xi32>
      %sub3A_1542 = vector.broadcast %add3A_1535 : i32 to vector<16xi32>
      %sub3A_1543 = arith.subi %get3A_1537, %sub3A_1542 : vector<16xi32>
      %ge3A_1544 = arith.constant 0 : i32
      %ge3A_1545 = vector.broadcast %ge3A_1544 : i32 to vector<16xi32>
      %ge3A_1546 = arith.cmpi sge, %sub3A_1543, %ge3A_1545 : vector<16xi32>
      %lt3A_1547 = arith.constant 128 : i32
      %lt3A_1548 = vector.broadcast %lt3A_1547 : i32 to vector<16xi32>
      %lt3A_1549 = arith.cmpi slt, %sub3A_1543, %lt3A_1548 : vector<16xi32>
      %and3A_1550 = arith.andi %ge3A_1546, %lt3A_1549 : vector<16xi1>
      %max3A_1551 = arith.constant 0 : i32
      %max3A_1552 = vector.broadcast %max3A_1551 : i32 to vector<16xi32>
      %max3A_1553 = arith.maxsi %sub3A_1543, %max3A_1552 : vector<16xi32>
      %min3A_1554 = arith.constant 127 : i32
      %min3A_1555 = vector.broadcast %min3A_1554 : i32 to vector<16xi32>
      %min3A_1556 = arith.minsi %max3A_1553, %min3A_1555 : vector<16xi32>
      %gather3A_1557 = tpu.vector_load_idx %arg7[%add3A_1541, %min3A_1556] : memref<128x128xf32, #tpu.memory_space<vmem>>[vector<16xi32>, vector<16xi32>], vector<16xf32>,
      %get3A_1558 = arith.constant 0 : index
      %get3A_1559 = tpu.vector_load %arg9[%get3A_1558] {strides = array<i32>} : memref<128xf32, #tpu.memory_space<vmem>>, vector<16xf32>,
      %jit3A_1560 = arith.constant 0.000000e+00 : f32
      %broadcast_in_dim3A_1561 = vector.broadcast %jit3A_1560 : f32 to vector<16xf32>
      %select_n3A_1562 = arith.select %and3A_1550, %gather3A_1557, %broadcast_in_dim3A_1561 : vector<16xi1>, vector<16xf32>
      %add3A_1563 = arith.addf %get3A_1559, %select_n3A_1562 : vector<16xf32>
      %swap3A_1564 = arith.constant 0 : index
      %swap3A_1565 = tpu.vector_load %arg9[%swap3A_1564] {strides = array<i32>} : memref<128xf32, #tpu.memory_space<vmem>>, vector<16xf32>,
      tpu.vector_store %arg9[%swap3A_1564], %add3A_1563 {strides = array<i32>} : memref<128xf32, #tpu.memory_space<vmem>>, vector<16xf32>,
      %get3A_1566 = arith.constant 16 : index
      %get3A_1567 = tpu.vector_load %arg5[%get3A_1566] {strides = array<i32>} : memref<128xi32, #tpu.memory_space<vmem>>, vector<16xi32>,
      %iota3A_1568 = tpu.iota {dimensions = array<i32: 0>} : vector<16xi32>
      %add3A_1569 = arith.constant 16 : i32
      %add3A_1570 = vector.broadcast %add3A_1569 : i32 to vector<16xi32>
      %add3A_1571 = arith.addi %add3A_1570, %iota3A_1568 : vector<16xi32>
      %sub3A_1572 = vector.broadcast %add3A_1535 : i32 to vector<16xi32>
      %sub3A_1573 = arith.subi %get3A_1567, %sub3A_1572 : vector<16xi32>
      %ge3A_1574 = arith.constant 0 : i32
      %ge3A_1575 = vector.broadcast %ge3A_1574 : i32 to vector<16xi32>
      %ge3A_1576 = arith.cmpi sge, %sub3A_1573, %ge3A_1575 : vector<16xi32>
      %lt3A_1577 = arith.constant 128 : i32
      %lt3A_1578 = vector.broadcast %lt3A_1577 : i32 to vector<16xi32>
      %lt3A_1579 = arith.cmpi slt, %sub3A_1573, %lt3A_1578 : vector<16xi32>
      %and3A_1580 = arith.andi %ge3A_1576, %lt3A_1579 : vector<16xi1>
      %max3A_1581 = arith.constant 0 : i32
      %max3A_1582 = vector.broadcast %max3A_1581 : i32 to vector<16xi32>
      %max3A_1583 = arith.maxsi %sub3A_1573, %max3A_1582 : vector<16xi32>
      %min3A_1584 = arith.constant 127 : i32
      %min3A_1585 = vector.broadcast %min3A_1584 : i32 to vector<16xi32>
      %min3A_1586 = arith.minsi %max3A_1583, %min3A_1585 : vector<16xi32>
      %gather3A_1587 = tpu.vector_load_idx %arg7[%add3A_1571, %min3A_1586] : memref<128x128xf32, #tpu.memory_space<vmem>>[vector<16xi32>, vector<16xi32>], vector<16xf32>,
      %get3A_1588 = arith.constant 16 : index
      %get3A_1589 = tpu.vector_load %arg9[%get3A_1588] {strides = array<i32>} : memref<128xf32, #tpu.memory_space<vmem>>, vector<16xf32>,
      %jit3A_1590 = arith.constant 0.000000e+00 : f32
      %broadcast_in_dim3A_1591 = vector.broadcast %jit3A_1590 : f32 to vector<16xf32>
      %select_n3A_1592 = arith.select %and3A_1580, %gather3A_1587, %broadcast_in_dim3A_1591 : vector<16xi1>, vector<16xf32>
      %add3A_1593 = arith.addf %get3A_1589, %select_n3A_1592 : vector<16xf32>
      %swap3A_1594 = arith.constant 16 : index
      %swap3A_1595 = tpu.vector_load %arg9[%swap3A_1594] {strides = array<i32>} : memref<128xf32, #tpu.memory_space<vmem>>, vector<16xf32>,
      tpu.vector_store %arg9[%swap3A_1594], %add3A_1593 {strides = array<i32>} : memref<128xf32, #tpu.memory_space<vmem>>, vector<16xf32>,
      %get3A_1596 = arith.constant 32 : index
      %get3A_1597 = tpu.vector_load %arg5[%get3A_1596] {strides = array<i32>} : memref<128xi32, #tpu.memory_space<vmem>>, vector<16xi32>,
      %iota3A_1598 = tpu.iota {dimensions = array<i32: 0>} : vector<16xi32>
      %add3A_1599 = arith.constant 32 : i32
      %add3A_1600 = vector.broadcast %add3A_1599 : i32 to vector<16xi32>
      %add3A_1601 = arith.addi %add3A_1600, %iota3A_1598 : vector<16xi32>
      %sub3A_1602 = vector.broadcast %add3A_1535 : i32 to vector<16xi32>
      %sub3A_1603 = arith.subi %get3A_1597, %sub3A_1602 : vector<16xi32>
      %ge3A_1604 = arith.constant 0 : i32
      %ge3A_1605 = vector.broadcast %ge3A_1604 : i32 to vector<16xi32>
      %ge3A_1606 = arith.cmpi sge, %sub3A_1603, %ge3A_1605 : vector<16xi32>
      %lt3A_1607 = arith.constant 128 : i32
      %lt3A_1608 = vector.broadcast %lt3A_1607 : i32 to vector<16xi32>
      %lt3A_1609 = arith.cmpi slt, %sub3A_1603, %lt3A_1608 : vector<16xi32>
      %and3A_1610 = arith.andi %ge3A_1606, %lt3A_1609 : vector<16xi1>
      %max3A_1611 = arith.constant 0 : i32
      %max3A_1612 = vector.broadcast %max3A_1611 : i32 to vector<16xi32>
      %max3A_1613 = arith.maxsi %sub3A_1603, %max3A_1612 : vector<16xi32>
      %min3A_1614 = arith.constant 127 : i32
      %min3A_1615 = vector.broadcast %min3A_1614 : i32 to vector<16xi32>
      %min3A_1616 = arith.minsi %max3A_1613, %min3A_1615 : vector<16xi32>
      %gather3A_1617 = tpu.vector_load_idx %arg7[%add3A_1601, %min3A_1616] : memref<128x128xf32, #tpu.memory_space<vmem>>[vector<16xi32>, vector<16xi32>], vector<16xf32>,
      %get3A_1618 = arith.constant 32 : index
      %get3A_1619 = tpu.vector_load %arg9[%get3A_1618] {strides = array<i32>} : memref<128xf32, #tpu.memory_space<vmem>>, vector<16xf32>,
      %jit3A_1620 = arith.constant 0.000000e+00 : f32
      %broadcast_in_dim3A_1621 = vector.broadcast %jit3A_1620 : f32 to vector<16xf32>
      %select_n3A_1622 = arith.select %and3A_1610, %gather3A_1617, %broadcast_in_dim3A_1621 : vector<16xi1>, vector<16xf32>
      %add3A_1623 = arith.addf %get3A_1619, %select_n3A_1622 : vector<16xf32>
      %swap3A_1624 = arith.constant 32 : index
      %swap3A_1625 = tpu.vector_load %arg9[%swap3A_1624] {strides = array<i32>} : memref<128xf32, #tpu.memory_space<vmem>>, vector<16xf32>,
      tpu.vector_store %arg9[%swap3A_1624], %add3A_1623 {strides = array<i32>} : memref<128xf32, #tpu.memory_space<vmem>>, vector<16xf32>,
      %get3A_1626 = arith.constant 48 : index
      %get3A_1627 = tpu.vector_load %arg5[%get3A_1626] {strides = array<i32>} : memref<128xi32, #tpu.memory_space<vmem>>, vector<16xi32>,
      %iota3A_1628 = tpu.iota {dimensions = array<i32: 0>} : vector<16xi32>
      %add3A_1629 = arith.constant 48 : i32
      %add3A_1630 = vector.broadcast %add3A_1629 : i32 to vector<16xi32>
      %add3A_1631 = arith.addi %add3A_1630, %iota3A_1628 : vector<16xi32>
      %sub3A_1632 = vector.broadcast %add3A_1535 : i32 to vector<16xi32>
      %sub3A_1633 = arith.subi %get3A_1627, %sub3A_1632 : vector<16xi32>
      %ge3A_1634 = arith.constant 0 : i32
      %ge3A_1635 = vector.broadcast %ge3A_1634 : i32 to vector<16xi32>
      %ge3A_1636 = arith.cmpi sge, %sub3A_1633, %ge3A_1635 : vector<16xi32>
      %lt3A_1637 = arith.constant 128 : i32
      %lt3A_1638 = vector.broadcast %lt3A_1637 : i32 to vector<16xi32>
      %lt3A_1639 = arith.cmpi slt, %sub3A_1633, %lt3A_1638 : vector<16xi32>
      %and3A_1640 = arith.andi %ge3A_1636, %lt3A_1639 : vector<16xi1>
      %max3A_1641 = arith.constant 0 : i32
      %max3A_1642 = vector.broadcast %max3A_1641 : i32 to vector<16xi32>
      %max3A_1643 = arith.maxsi %sub3A_1633, %max3A_1642 : vector<16xi32>
      %min3A_1644 = arith.constant 127 : i32
      %min3A_1645 = vector.broadcast %min3A_1644 : i32 to vector<16xi32>
      %min3A_1646 = arith.minsi %max3A_1643, %min3A_1645 : vector<16xi32>
      %gather3A_1647 = tpu.vector_load_idx %arg7[%add3A_1631, %min3A_1646] : memref<128x128xf32, #tpu.memory_space<vmem>>[vector<16xi32>, vector<16xi32>], vector<16xf32>,
      %get3A_1648 = arith.constant 48 : index
      %get3A_1649 = tpu.vector_load %arg9[%get3A_1648] {strides = array<i32>} : memref<128xf32, #tpu.memory_space<vmem>>, vector<16xf32>,
      %jit3A_1650 = arith.constant 0.000000e+00 : f32
      %broadcast_in_dim3A_1651 = vector.broadcast %jit3A_1650 : f32 to vector<16xf32>
      %select_n3A_1652 = arith.select %and3A_1640, %gather3A_1647, %broadcast_in_dim3A_1651 : vector<16xi1>, vector<16xf32>
      %add3A_1653 = arith.addf %get3A_1649, %select_n3A_1652 : vector<16xf32>
      %swap3A_1654 = arith.constant 48 : index
      %swap3A_1655 = tpu.vector_load %arg9[%swap3A_1654] {strides = array<i32>} : memref<128xf32, #tpu.memory_space<vmem>>, vector<16xf32>,
      tpu.vector_store %arg9[%swap3A_1654], %add3A_1653 {strides = array<i32>} : memref<128xf32, #tpu.memory_space<vmem>>, vector<16xf32>,
      %get3A_1656 = arith.constant 64 : index
      %get3A_1657 = tpu.vector_load %arg5[%get3A_1656] {strides = array<i32>} : memref<128xi32, #tpu.memory_space<vmem>>, vector<16xi32>,
      %iota3A_1658 = tpu.iota {dimensions = array<i32: 0>} : vector<16xi32>
      %add3A_1659 = arith.constant 64 : i32
      %add3A_1660 = vector.broadcast %add3A_1659 : i32 to vector<16xi32>
      %add3A_1661 = arith.addi %add3A_1660, %iota3A_1658 : vector<16xi32>
      %sub3A_1662 = vector.broadcast %add3A_1535 : i32 to vector<16xi32>
      %sub3A_1663 = arith.subi %get3A_1657, %sub3A_1662 : vector<16xi32>
      %ge3A_1664 = arith.constant 0 : i32
      %ge3A_1665 = vector.broadcast %ge3A_1664 : i32 to vector<16xi32>
      %ge3A_1666 = arith.cmpi sge, %sub3A_1663, %ge3A_1665 : vector<16xi32>
      %lt3A_1667 = arith.constant 128 : i32
      %lt3A_1668 = vector.broadcast %lt3A_1667 : i32 to vector<16xi32>
      %lt3A_1669 = arith.cmpi slt, %sub3A_1663, %lt3A_1668 : vector<16xi32>
      %and3A_1670 = arith.andi %ge3A_1666, %lt3A_1669 : vector<16xi1>
      %max3A_1671 = arith.constant 0 : i32
      %max3A_1672 = vector.broadcast %max3A_1671 : i32 to vector<16xi32>
      %max3A_1673 = arith.maxsi %sub3A_1663, %max3A_1672 : vector<16xi32>
      %min3A_1674 = arith.constant 127 : i32
      %min3A_1675 = vector.broadcast %min3A_1674 : i32 to vector<16xi32>
      %min3A_1676 = arith.minsi %max3A_1673, %min3A_1675 : vector<16xi32>
      %gather3A_1677 = tpu.vector_load_idx %arg7[%add3A_1661, %min3A_1676] : memref<128x128xf32, #tpu.memory_space<vmem>>[vector<16xi32>, vector<16xi32>], vector<16xf32>,
      %get3A_1678 = arith.constant 64 : index
      %get3A_1679 = tpu.vector_load %arg9[%get3A_1678] {strides = array<i32>} : memref<128xf32, #tpu.memory_space<vmem>>, vector<16xf32>,
      %jit3A_1680 = arith.constant 0.000000e+00 : f32
      %broadcast_in_dim3A_1681 = vector.broadcast %jit3A_1680 : f32 to vector<16xf32>
      %select_n3A_1682 = arith.select %and3A_1670, %gather3A_1677, %broadcast_in_dim3A_1681 : vector<16xi1>, vector<16xf32>
      %add3A_1683 = arith.addf %get3A_1679, %select_n3A_1682 : vector<16xf32>
      %swap3A_1684 = arith.constant 64 : index
      %swap3A_1685 = tpu.vector_load %arg9[%swap3A_1684] {strides = array<i32>} : memref<128xf32, #tpu.memory_space<vmem>>, vector<16xf32>,
      tpu.vector_store %arg9[%swap3A_1684], %add3A_1683 {strides = array<i32>} : memref<128xf32, #tpu.memory_space<vmem>>, vector<16xf32>,
      %get3A_1686 = arith.constant 80 : index
      %get3A_1687 = tpu.vector_load %arg5[%get3A_1686] {strides = array<i32>} : memref<128xi32, #tpu.memory_space<vmem>>, vector<16xi32>,
      %iota3A_1688 = tpu.iota {dimensions = array<i32: 0>} : vector<16xi32>
      %add3A_1689 = arith.constant 80 : i32
      %add3A_1690 = vector.broadcast %add3A_1689 : i32 to vector<16xi32>
      %add3A_1691 = arith.addi %add3A_1690, %iota3A_1688 : vector<16xi32>
      %sub3A_1692 = vector.broadcast %add3A_1535 : i32 to vector<16xi32>
      %sub3A_1693 = arith.subi %get3A_1687, %sub3A_1692 : vector<16xi32>
      %ge3A_1694 = arith.constant 0 : i32
      %ge3A_1695 = vector.broadcast %ge3A_1694 : i32 to vector<16xi32>
      %ge3A_1696 = arith.cmpi sge, %sub3A_1693, %ge3A_1695 : vector<16xi32>
      %lt3A_1697 = arith.constant 128 : i32
      %lt3A_1698 = vector.broadcast %lt3A_1697 : i32 to vector<16xi32>
      %lt3A_1699 = arith.cmpi slt, %sub3A_1693, %lt3A_1698 : vector<16xi32>
      %and3A_1700 = arith.andi %ge3A_1696, %lt3A_1699 : vector<16xi1>
      %max3A_1701 = arith.constant 0 : i32
      %max3A_1702 = vector.broadcast %max3A_1701 : i32 to vector<16xi32>
      %max3A_1703 = arith.maxsi %sub3A_1693, %max3A_1702 : vector<16xi32>
      %min3A_1704 = arith.constant 127 : i32
      %min3A_1705 = vector.broadcast %min3A_1704 : i32 to vector<16xi32>
      %min3A_1706 = arith.minsi %max3A_1703, %min3A_1705 : vector<16xi32>
      %gather3A_1707 = tpu.vector_load_idx %arg7[%add3A_1691, %min3A_1706] : memref<128x128xf32, #tpu.memory_space<vmem>>[vector<16xi32>, vector<16xi32>], vector<16xf32>,
      %get3A_1708 = arith.constant 80 : index
      %get3A_1709 = tpu.vector_load %arg9[%get3A_1708] {strides = array<i32>} : memref<128xf32, #tpu.memory_space<vmem>>, vector<16xf32>,
      %jit3A_1710 = arith.constant 0.000000e+00 : f32
      %broadcast_in_dim3A_1711 = vector.broadcast %jit3A_1710 : f32 to vector<16xf32>
      %select_n3A_1712 = arith.select %and3A_1700, %gather3A_1707, %broadcast_in_dim3A_1711 : vector<16xi1>, vector<16xf32>
      %add3A_1713 = arith.addf %get3A_1709, %select_n3A_1712 : vector<16xf32>
      %swap3A_1714 = arith.constant 80 : index
      %swap3A_1715 = tpu.vector_load %arg9[%swap3A_1714] {strides = array<i32>} : memref<128xf32, #tpu.memory_space<vmem>>, vector<16xf32>,
      tpu.vector_store %arg9[%swap3A_1714], %add3A_1713 {strides = array<i32>} : memref<128xf32, #tpu.memory_space<vmem>>, vector<16xf32>,
      %get3A_1716 = arith.constant 96 : index
      %get3A_1717 = tpu.vector_load %arg5[%get3A_1716] {strides = array<i32>} : memref<128xi32, #tpu.memory_space<vmem>>, vector<16xi32>,
      %iota3A_1718 = tpu.iota {dimensions = array<i32: 0>} : vector<16xi32>
      %add3A_1719 = arith.constant 96 : i32
      %add3A_1720 = vector.broadcast %add3A_1719 : i32 to vector<16xi32>
      %add3A_1721 = arith.addi %add3A_1720, %iota3A_1718 : vector<16xi32>
      %sub3A_1722 = vector.broadcast %add3A_1535 : i32 to vector<16xi32>
      %sub3A_1723 = arith.subi %get3A_1717, %sub3A_1722 : vector<16xi32>
      %ge3A_1724 = arith.constant 0 : i32
      %ge3A_1725 = vector.broadcast %ge3A_1724 : i32 to vector<16xi32>
      %ge3A_1726 = arith.cmpi sge, %sub3A_1723, %ge3A_1725 : vector<16xi32>
      %lt3A_1727 = arith.constant 128 : i32
      %lt3A_1728 = vector.broadcast %lt3A_1727 : i32 to vector<16xi32>
      %lt3A_1729 = arith.cmpi slt, %sub3A_1723, %lt3A_1728 : vector<16xi32>
      %and3A_1730 = arith.andi %ge3A_1726, %lt3A_1729 : vector<16xi1>
      %max3A_1731 = arith.constant 0 : i32
      %max3A_1732 = vector.broadcast %max3A_1731 : i32 to vector<16xi32>
      %max3A_1733 = arith.maxsi %sub3A_1723, %max3A_1732 : vector<16xi32>
      %min3A_1734 = arith.constant 127 : i32
      %min3A_1735 = vector.broadcast %min3A_1734 : i32 to vector<16xi32>
      %min3A_1736 = arith.minsi %max3A_1733, %min3A_1735 : vector<16xi32>
      %gather3A_1737 = tpu.vector_load_idx %arg7[%add3A_1721, %min3A_1736] : memref<128x128xf32, #tpu.memory_space<vmem>>[vector<16xi32>, vector<16xi32>], vector<16xf32>,
      %get3A_1738 = arith.constant 96 : index
      %get3A_1739 = tpu.vector_load %arg9[%get3A_1738] {strides = array<i32>} : memref<128xf32, #tpu.memory_space<vmem>>, vector<16xf32>,
      %jit3A_1740 = arith.constant 0.000000e+00 : f32
      %broadcast_in_dim3A_1741 = vector.broadcast %jit3A_1740 : f32 to vector<16xf32>
      %select_n3A_1742 = arith.select %and3A_1730, %gather3A_1737, %broadcast_in_dim3A_1741 : vector<16xi1>, vector<16xf32>
      %add3A_1743 = arith.addf %get3A_1739, %select_n3A_1742 : vector<16xf32>
      %swap3A_1744 = arith.constant 96 : index
      %swap3A_1745 = tpu.vector_load %arg9[%swap3A_1744] {strides = array<i32>} : memref<128xf32, #tpu.memory_space<vmem>>, vector<16xf32>,
      tpu.vector_store %arg9[%swap3A_1744], %add3A_1743 {strides = array<i32>} : memref<128xf32, #tpu.memory_space<vmem>>, vector<16xf32>,
      %get3A_1746 = arith.constant 112 : index
      %get3A_1747 = tpu.vector_load %arg5[%get3A_1746] {strides = array<i32>} : memref<128xi32, #tpu.memory_space<vmem>>, vector<16xi32>,
      %iota3A_1748 = tpu.iota {dimensions = array<i32: 0>} : vector<16xi32>
      %add3A_1749 = arith.constant 112 : i32
      %add3A_1750 = vector.broadcast %add3A_1749 : i32 to vector<16xi32>
      %add3A_1751 = arith.addi %add3A_1750, %iota3A_1748 : vector<16xi32>
      %sub3A_1752 = vector.broadcast %add3A_1535 : i32 to vector<16xi32>
      %sub3A_1753 = arith.subi %get3A_1747, %sub3A_1752 : vector<16xi32>
      %ge3A_1754 = arith.constant 0 : i32
      %ge3A_1755 = vector.broadcast %ge3A_1754 : i32 to vector<16xi32>
      %ge3A_1756 = arith.cmpi sge, %sub3A_1753, %ge3A_1755 : vector<16xi32>
      %lt3A_1757 = arith.constant 128 : i32
      %lt3A_1758 = vector.broadcast %lt3A_1757 : i32 to vector<16xi32>
      %lt3A_1759 = arith.cmpi slt, %sub3A_1753, %lt3A_1758 : vector<16xi32>
      %and3A_1760 = arith.andi %ge3A_1756, %lt3A_1759 : vector<16xi1>
      %max3A_1761 = arith.constant 0 : i32
      %max3A_1762 = vector.broadcast %max3A_1761 : i32 to vector<16xi32>
      %max3A_1763 = arith.maxsi %sub3A_1753, %max3A_1762 : vector<16xi32>
      %min3A_1764 = arith.constant 127 : i32
      %min3A_1765 = vector.broadcast %min3A_1764 : i32 to vector<16xi32>
      %min3A_1766 = arith.minsi %max3A_1763, %min3A_1765 : vector<16xi32>
      %gather3A_1767 = tpu.vector_load_idx %arg7[%add3A_1751, %min3A_1766] : memref<128x128xf32, #tpu.memory_space<vmem>>[vector<16xi32>, vector<16xi32>], vector<16xf32>,
      %get3A_1768 = arith.constant 112 : index
      %get3A_1769 = tpu.vector_load %arg9[%get3A_1768] {strides = array<i32>} : memref<128xf32, #tpu.memory_space<vmem>>, vector<16xf32>,
      %jit3A_1770 = arith.constant 0.000000e+00 : f32
      %broadcast_in_dim3A_1771 = vector.broadcast %jit3A_1770 : f32 to vector<16xf32>
      %select_n3A_1772 = arith.select %and3A_1760, %gather3A_1767, %broadcast_in_dim3A_1771 : vector<16xi1>, vector<16xf32>
      %add3A_1773 = arith.addf %get3A_1769, %select_n3A_1772 : vector<16xf32>
      %swap3A_1774 = arith.constant 112 : index
      %swap3A_1775 = tpu.vector_load %arg9[%swap3A_1774] {strides = array<i32>} : memref<128xf32, #tpu.memory_space<vmem>>, vector<16xf32>,
      tpu.vector_store %arg9[%swap3A_1774], %add3A_1773 {strides = array<i32>} : memref<128xf32, #tpu.memory_space<vmem>>, vector<16xf32>,
      %scan3A_1776 = arith.constant 0 : i32
      %scan3A_1777 = arith.constant 128 : i32
      %scan3A_1778 = arith.addi %scan3A_1776, %scan3A_1777 : i32
      %scan3A_1779 = arith.constant 1 : i32
      scf.for %scan3A_1793 = %scan3A_1776 to %scan3A_1778 step %scan3A_1779  : i32 {
        %mul3A_1794 = arith.constant 1 : i32
        %mul3A_1795 = arith.muli %scan3A_1793, %mul3A_1794 : i32
        %add3A_1796 = arith.constant 0 : i32
        %add3A_1797 = arith.addi %add3A_1796, %mul3A_1795 : i32
        %get3A_1798 = arith.index_cast %add3A_1797 : i32 to index
        %get3A_1799 = arith.constant 0 : index
        %get3A_1800 = tpu.vector_load %arg7[%get3A_1798, %get3A_1799] {strides = array<i32>} : memref<128x128xf32, #tpu.memory_space<vmem>>, vector<16xf32>,
        %get3A_1801 = arith.index_cast %add3A_1797 : i32 to index
        %get3A_1802 = arith.constant 16 : index
        %get3A_1803 = tpu.vector_load %arg7[%get3A_1801, %get3A_1802] {strides = array<i32>} : memref<128x128xf32, #tpu.memory_space<vmem>>, vector<16xf32>,
        %add3A_1804 = arith.addf %get3A_1800, %get3A_1803 : vector<16xf32>
        %get3A_1805 = arith.index_cast %add3A_1797 : i32 to index
        %get3A_1806 = arith.constant 32 : index
        %get3A_1807 = tpu.vector_load %arg7[%get3A_1805, %get3A_1806] {strides = array<i32>} : memref<128x128xf32, #tpu.memory_space<vmem>>, vector<16xf32>,
        %add3A_1808 = arith.addf %add3A_1804, %get3A_1807 : vector<16xf32>
        %get3A_1809 = arith.index_cast %add3A_1797 : i32 to index
        %get3A_1810 = arith.constant 48 : index
        %get3A_1811 = tpu.vector_load %arg7[%get3A_1809, %get3A_1810] {strides = array<i32>} : memref<128x128xf32, #tpu.memory_space<vmem>>, vector<16xf32>,
        %add3A_1812 = arith.addf %add3A_1808, %get3A_1811 : vector<16xf32>
        %get3A_1813 = arith.index_cast %add3A_1797 : i32 to index
        %get3A_1814 = arith.constant 64 : index
        %get3A_1815 = tpu.vector_load %arg7[%get3A_1813, %get3A_1814] {strides = array<i32>} : memref<128x128xf32, #tpu.memory_space<vmem>>, vector<16xf32>,
        %add3A_1816 = arith.addf %add3A_1812, %get3A_1815 : vector<16xf32>
        %get3A_1817 = arith.index_cast %add3A_1797 : i32 to index
        %get3A_1818 = arith.constant 80 : index
        %get3A_1819 = tpu.vector_load %arg7[%get3A_1817, %get3A_1818] {strides = array<i32>} : memref<128x128xf32, #tpu.memory_space<vmem>>, vector<16xf32>,
        %add3A_1820 = arith.addf %add3A_1816, %get3A_1819 : vector<16xf32>
        %get3A_1821 = arith.index_cast %add3A_1797 : i32 to index
        %get3A_1822 = arith.constant 96 : index
        %get3A_1823 = tpu.vector_load %arg7[%get3A_1821, %get3A_1822] {strides = array<i32>} : memref<128x128xf32, #tpu.memory_space<vmem>>, vector<16xf32>,
        %add3A_1824 = arith.addf %add3A_1820, %get3A_1823 : vector<16xf32>
        %get3A_1825 = arith.index_cast %add3A_1797 : i32 to index
        %get3A_1826 = arith.constant 112 : index
        %get3A_1827 = tpu.vector_load %arg7[%get3A_1825, %get3A_1826] {strides = array<i32>} : memref<128x128xf32, #tpu.memory_space<vmem>>, vector<16xf32>,
        %add3A_1828 = arith.addf %add3A_1824, %get3A_1827 : vector<16xf32>
        %get3A_1829 = arith.index_cast %add3A_1797 : i32 to index
        %get3A_1830 = arith.constant 0 : index
        %get3A_1831 = tpu.vector_load %arg8[%get3A_1829, %get3A_1830] {strides = array<i32>} : memref<128x16xf32, #tpu.memory_space<vmem>>, vector<16xf32>,
        %add3A_1832 = arith.addf %get3A_1831, %add3A_1828 : vector<16xf32>
        %swap3A_1833 = arith.index_cast %add3A_1797 : i32 to index
        %swap3A_1834 = arith.constant 0 : index
        %swap3A_1835 = tpu.vector_load %arg8[%swap3A_1833, %swap3A_1834] {strides = array<i32>} : memref<128x16xf32, #tpu.memory_space<vmem>>, vector<16xf32>,
        tpu.vector_store %arg8[%swap3A_1833, %swap3A_1834], %add3A_1832 {strides = array<i32>} : memref<128x16xf32, #tpu.memory_space<vmem>>, vector<16xf32>,
      }
      %scan3A_1780 = arith.constant 128 : i32
      %add3A_1781 = arith.constant 3 : i32
      %add3A_1782 = arith.addi %add3A_1254, %add3A_1781 : i32
      %mul3A_1783 = arith.constant 128 : i32
      %mul3A_1784 = arith.muli %add3A_1782, %mul3A_1783 : i32
      %add3A_1785 = arith.constant 30720 : i32
      %add3A_1786 = arith.addi %add3A_1785, %mul3A_1784 : i32
      %multiple_of3A_1787 = tpu.assume_multiple %add3A_1786, 128 : i32
      %dma_start3A_1788 = arith.constant 1 : i32
      %dma_start3A_1789 = tpu.memref_slice %arg2[%multiple_of3A, %multiple_of3A_1787] : memref<4096x32000xf32, #tpu.memory_space<hbm>> -> memref<128x128xf32, #tpu.memory_space<hbm>>
      %dma_start3A_1790 = tpu.memref_slice %arg12[%dma_start3A_1788] : memref<2x!tpu.dma_semaphore, #tpu.memory_space<semaphore_mem>> -> memref<1x!tpu.dma_semaphore, #tpu.memory_space<semaphore_mem>>
      %dma_start3A_1791 = tpu.memref_squeeze %dma_start3A_1790 : memref<1x!tpu.dma_semaphore, #tpu.memory_space<semaphore_mem>> -> memref<!tpu.dma_semaphore, #tpu.memory_space<semaphore_mem>>
      %dma_start3A_1792 = tpu.memref_slice %arg2[%multiple_of3A, %multiple_of3A_1787] : memref<4096x32000xf32, #tpu.memory_space<hbm>> -> memref<128x128xf32, #tpu.memory_space<hbm>>
      tpu.enqueue_dma source(%dma_start3A_1792 : memref<128x128xf32, #tpu.memory_space<hbm>>) target(%arg7 : memref<128x128xf32, #tpu.memory_space<vmem>>) target_semaphore(%dma_start3A_1791 : memref<!tpu.dma_semaphore, #tpu.memory_space<semaphore_mem>>)
    }
    %scan3A_57 = arith.constant 4 : i32
    %dma_wait3A_58 = arith.constant 0 : i32
    %dma_wait3A_59 = arith.constant 0 : i32
    %dma_wait3A_60 = tpu.memref_slice %arg2[%multiple_of3A, %dma_wait3A_59] : memref<4096x32000xf32, #tpu.memory_space<hbm>> -> memref<128x128xf32, #tpu.memory_space<hbm>>
    %dma_wait3A_61 = tpu.memref_slice %arg12[%dma_wait3A_58] : memref<2x!tpu.dma_semaphore, #tpu.memory_space<semaphore_mem>> -> memref<1x!tpu.dma_semaphore, #tpu.memory_space<semaphore_mem>>
    %dma_wait3A_62 = tpu.memref_squeeze %dma_wait3A_61 : memref<1x!tpu.dma_semaphore, #tpu.memory_space<semaphore_mem>> -> memref<!tpu.dma_semaphore, #tpu.memory_space<semaphore_mem>>
    %dma_wait3A_63 = arith.constant 0 : i32
    %dma_wait3A_64 = tpu.memref_slice %arg2[%multiple_of3A, %dma_wait3A_63] : memref<4096x32000xf32, #tpu.memory_space<hbm>> -> memref<128x128xf32, #tpu.memory_space<hbm>>
    tpu.wait_dma2 semaphore(%dma_wait3A_62 : memref<!tpu.dma_semaphore, #tpu.memory_space<semaphore_mem>>) src(%dma_wait3A_64 : memref<128x128xf32, #tpu.memory_space<hbm>>) dst(%arg6 : memref<128x128xf32, #tpu.memory_space<vmem>>)
    %get3A = arith.constant 0 : index
    %get3A_65 = tpu.vector_load %arg5[%get3A] {strides = array<i32>} : memref<128xi32, #tpu.memory_space<vmem>>, vector<16xi32>,
    %iota3A = tpu.iota {dimensions = array<i32: 0>} : vector<16xi32>
    %add3A_66 = arith.constant 0 : i32
    %add3A_67 = vector.broadcast %add3A_66 : i32 to vector<16xi32>
    %add3A_68 = arith.addi %add3A_67, %iota3A : vector<16xi32>
    %sub3A = arith.constant 31744 : i32
    %sub3A_69 = vector.broadcast %sub3A : i32 to vector<16xi32>
    %sub3A_70 = arith.subi %get3A_65, %sub3A_69 : vector<16xi32>
    %ge3A = arith.constant 0 : i32
    %ge3A_71 = vector.broadcast %ge3A : i32 to vector<16xi32>
    %ge3A_72 = arith.cmpi sge, %sub3A_70, %ge3A_71 : vector<16xi32>
    %lt3A = arith.constant 128 : i32
    %lt3A_73 = vector.broadcast %lt3A : i32 to vector<16xi32>
    %lt3A_74 = arith.cmpi slt, %sub3A_70, %lt3A_73 : vector<16xi32>
    %and3A = arith.andi %ge3A_72, %lt3A_74 : vector<16xi1>
    %max3A = arith.constant 0 : i32
    %max3A_75 = vector.broadcast %max3A : i32 to vector<16xi32>
    %max3A_76 = arith.maxsi %sub3A_70, %max3A_75 : vector<16xi32>
    %min3A = arith.constant 127 : i32
    %min3A_77 = vector.broadcast %min3A : i32 to vector<16xi32>
    %min3A_78 = arith.minsi %max3A_76, %min3A_77 : vector<16xi32>
    %gather3A = tpu.vector_load_idx %arg6[%add3A_68, %min3A_78] : memref<128x128xf32, #tpu.memory_space<vmem>>[vector<16xi32>, vector<16xi32>], vector<16xf32>,
    %get3A_79 = arith.constant 0 : index
    %get3A_80 = tpu.vector_load %arg9[%get3A_79] {strides = array<i32>} : memref<128xf32, #tpu.memory_space<vmem>>, vector<16xf32>,
    %jit3A = arith.constant 0.000000e+00 : f32
    %broadcast_in_dim3A_81 = vector.broadcast %jit3A : f32 to vector<16xf32>
    %select_n3A = arith.select %and3A, %gather3A, %broadcast_in_dim3A_81 : vector<16xi1>, vector<16xf32>
    %add3A_82 = arith.addf %get3A_80, %select_n3A : vector<16xf32>
    %swap3A_83 = arith.constant 0 : index
    %swap3A_84 = tpu.vector_load %arg9[%swap3A_83] {strides = array<i32>} : memref<128xf32, #tpu.memory_space<vmem>>, vector<16xf32>,
    tpu.vector_store %arg9[%swap3A_83], %add3A_82 {strides = array<i32>} : memref<128xf32, #tpu.memory_space<vmem>>, vector<16xf32>,
    %get3A_85 = arith.constant 16 : index
    %get3A_86 = tpu.vector_load %arg5[%get3A_85] {strides = array<i32>} : memref<128xi32, #tpu.memory_space<vmem>>, vector<16xi32>,
    %iota3A_87 = tpu.iota {dimensions = array<i32: 0>} : vector<16xi32>
    %add3A_88 = arith.constant 16 : i32
    %add3A_89 = vector.broadcast %add3A_88 : i32 to vector<16xi32>
    %add3A_90 = arith.addi %add3A_89, %iota3A_87 : vector<16xi32>
    %sub3A_91 = arith.constant 31744 : i32
    %sub3A_92 = vector.broadcast %sub3A_91 : i32 to vector<16xi32>
    %sub3A_93 = arith.subi %get3A_86, %sub3A_92 : vector<16xi32>
    %ge3A_94 = arith.constant 0 : i32
    %ge3A_95 = vector.broadcast %ge3A_94 : i32 to vector<16xi32>
    %ge3A_96 = arith.cmpi sge, %sub3A_93, %ge3A_95 : vector<16xi32>
    %lt3A_97 = arith.constant 128 : i32
    %lt3A_98 = vector.broadcast %lt3A_97 : i32 to vector<16xi32>
    %lt3A_99 = arith.cmpi slt, %sub3A_93, %lt3A_98 : vector<16xi32>
    %and3A_100 = arith.andi %ge3A_96, %lt3A_99 : vector<16xi1>
    %max3A_101 = arith.constant 0 : i32
    %max3A_102 = vector.broadcast %max3A_101 : i32 to vector<16xi32>
    %max3A_103 = arith.maxsi %sub3A_93, %max3A_102 : vector<16xi32>
    %min3A_104 = arith.constant 127 : i32
    %min3A_105 = vector.broadcast %min3A_104 : i32 to vector<16xi32>
    %min3A_106 = arith.minsi %max3A_103, %min3A_105 : vector<16xi32>
    %gather3A_107 = tpu.vector_load_idx %arg6[%add3A_90, %min3A_106] : memref<128x128xf32, #tpu.memory_space<vmem>>[vector<16xi32>, vector<16xi32>], vector<16xf32>,
    %get3A_108 = arith.constant 16 : index
    %get3A_109 = tpu.vector_load %arg9[%get3A_108] {strides = array<i32>} : memref<128xf32, #tpu.memory_space<vmem>>, vector<16xf32>,
    %jit3A_110 = arith.constant 0.000000e+00 : f32
    %broadcast_in_dim3A_111 = vector.broadcast %jit3A_110 : f32 to vector<16xf32>
    %select_n3A_112 = arith.select %and3A_100, %gather3A_107, %broadcast_in_dim3A_111 : vector<16xi1>, vector<16xf32>
    %add3A_113 = arith.addf %get3A_109, %select_n3A_112 : vector<16xf32>
    %swap3A_114 = arith.constant 16 : index
    %swap3A_115 = tpu.vector_load %arg9[%swap3A_114] {strides = array<i32>} : memref<128xf32, #tpu.memory_space<vmem>>, vector<16xf32>,
    tpu.vector_store %arg9[%swap3A_114], %add3A_113 {strides = array<i32>} : memref<128xf32, #tpu.memory_space<vmem>>, vector<16xf32>,
    %get3A_116 = arith.constant 32 : index
    %get3A_117 = tpu.vector_load %arg5[%get3A_116] {strides = array<i32>} : memref<128xi32, #tpu.memory_space<vmem>>, vector<16xi32>,
    %iota3A_118 = tpu.iota {dimensions = array<i32: 0>} : vector<16xi32>
    %add3A_119 = arith.constant 32 : i32
    %add3A_120 = vector.broadcast %add3A_119 : i32 to vector<16xi32>
    %add3A_121 = arith.addi %add3A_120, %iota3A_118 : vector<16xi32>
    %sub3A_122 = arith.constant 31744 : i32
    %sub3A_123 = vector.broadcast %sub3A_122 : i32 to vector<16xi32>
    %sub3A_124 = arith.subi %get3A_117, %sub3A_123 : vector<16xi32>
    %ge3A_125 = arith.constant 0 : i32
    %ge3A_126 = vector.broadcast %ge3A_125 : i32 to vector<16xi32>
    %ge3A_127 = arith.cmpi sge, %sub3A_124, %ge3A_126 : vector<16xi32>
    %lt3A_128 = arith.constant 128 : i32
    %lt3A_129 = vector.broadcast %lt3A_128 : i32 to vector<16xi32>
    %lt3A_130 = arith.cmpi slt, %sub3A_124, %lt3A_129 : vector<16xi32>
    %and3A_131 = arith.andi %ge3A_127, %lt3A_130 : vector<16xi1>
    %max3A_132 = arith.constant 0 : i32
    %max3A_133 = vector.broadcast %max3A_132 : i32 to vector<16xi32>
    %max3A_134 = arith.maxsi %sub3A_124, %max3A_133 : vector<16xi32>
    %min3A_135 = arith.constant 127 : i32
    %min3A_136 = vector.broadcast %min3A_135 : i32 to vector<16xi32>
    %min3A_137 = arith.minsi %max3A_134, %min3A_136 : vector<16xi32>
    %gather3A_138 = tpu.vector_load_idx %arg6[%add3A_121, %min3A_137] : memref<128x128xf32, #tpu.memory_space<vmem>>[vector<16xi32>, vector<16xi32>], vector<16xf32>,
    %get3A_139 = arith.constant 32 : index
    %get3A_140 = tpu.vector_load %arg9[%get3A_139] {strides = array<i32>} : memref<128xf32, #tpu.memory_space<vmem>>, vector<16xf32>,
    %jit3A_141 = arith.constant 0.000000e+00 : f32
    %broadcast_in_dim3A_142 = vector.broadcast %jit3A_141 : f32 to vector<16xf32>
    %select_n3A_143 = arith.select %and3A_131, %gather3A_138, %broadcast_in_dim3A_142 : vector<16xi1>, vector<16xf32>
    %add3A_144 = arith.addf %get3A_140, %select_n3A_143 : vector<16xf32>
    %swap3A_145 = arith.constant 32 : index
    %swap3A_146 = tpu.vector_load %arg9[%swap3A_145] {strides = array<i32>} : memref<128xf32, #tpu.memory_space<vmem>>, vector<16xf32>,
    tpu.vector_store %arg9[%swap3A_145], %add3A_144 {strides = array<i32>} : memref<128xf32, #tpu.memory_space<vmem>>, vector<16xf32>,
    %get3A_147 = arith.constant 48 : index
    %get3A_148 = tpu.vector_load %arg5[%get3A_147] {strides = array<i32>} : memref<128xi32, #tpu.memory_space<vmem>>, vector<16xi32>,
    %iota3A_149 = tpu.iota {dimensions = array<i32: 0>} : vector<16xi32>
    %add3A_150 = arith.constant 48 : i32
    %add3A_151 = vector.broadcast %add3A_150 : i32 to vector<16xi32>
    %add3A_152 = arith.addi %add3A_151, %iota3A_149 : vector<16xi32>
    %sub3A_153 = arith.constant 31744 : i32
    %sub3A_154 = vector.broadcast %sub3A_153 : i32 to vector<16xi32>
    %sub3A_155 = arith.subi %get3A_148, %sub3A_154 : vector<16xi32>
    %ge3A_156 = arith.constant 0 : i32
    %ge3A_157 = vector.broadcast %ge3A_156 : i32 to vector<16xi32>
    %ge3A_158 = arith.cmpi sge, %sub3A_155, %ge3A_157 : vector<16xi32>
    %lt3A_159 = arith.constant 128 : i32
    %lt3A_160 = vector.broadcast %lt3A_159 : i32 to vector<16xi32>
    %lt3A_161 = arith.cmpi slt, %sub3A_155, %lt3A_160 : vector<16xi32>
    %and3A_162 = arith.andi %ge3A_158, %lt3A_161 : vector<16xi1>
    %max3A_163 = arith.constant 0 : i32
    %max3A_164 = vector.broadcast %max3A_163 : i32 to vector<16xi32>
    %max3A_165 = arith.maxsi %sub3A_155, %max3A_164 : vector<16xi32>
    %min3A_166 = arith.constant 127 : i32
    %min3A_167 = vector.broadcast %min3A_166 : i32 to vector<16xi32>
    %min3A_168 = arith.minsi %max3A_165, %min3A_167 : vector<16xi32>
    %gather3A_169 = tpu.vector_load_idx %arg6[%add3A_152, %min3A_168] : memref<128x128xf32, #tpu.memory_space<vmem>>[vector<16xi32>, vector<16xi32>], vector<16xf32>,
    %get3A_170 = arith.constant 48 : index
    %get3A_171 = tpu.vector_load %arg9[%get3A_170] {strides = array<i32>} : memref<128xf32, #tpu.memory_space<vmem>>, vector<16xf32>,
    %jit3A_172 = arith.constant 0.000000e+00 : f32
    %broadcast_in_dim3A_173 = vector.broadcast %jit3A_172 : f32 to vector<16xf32>
    %select_n3A_174 = arith.select %and3A_162, %gather3A_169, %broadcast_in_dim3A_173 : vector<16xi1>, vector<16xf32>
    %add3A_175 = arith.addf %get3A_171, %select_n3A_174 : vector<16xf32>
    %swap3A_176 = arith.constant 48 : index
    %swap3A_177 = tpu.vector_load %arg9[%swap3A_176] {strides = array<i32>} : memref<128xf32, #tpu.memory_space<vmem>>, vector<16xf32>,
    tpu.vector_store %arg9[%swap3A_176], %add3A_175 {strides = array<i32>} : memref<128xf32, #tpu.memory_space<vmem>>, vector<16xf32>,
    %get3A_178 = arith.constant 64 : index
    %get3A_179 = tpu.vector_load %arg5[%get3A_178] {strides = array<i32>} : memref<128xi32, #tpu.memory_space<vmem>>, vector<16xi32>,
    %iota3A_180 = tpu.iota {dimensions = array<i32: 0>} : vector<16xi32>
    %add3A_181 = arith.constant 64 : i32
    %add3A_182 = vector.broadcast %add3A_181 : i32 to vector<16xi32>
    %add3A_183 = arith.addi %add3A_182, %iota3A_180 : vector<16xi32>
    %sub3A_184 = arith.constant 31744 : i32
    %sub3A_185 = vector.broadcast %sub3A_184 : i32 to vector<16xi32>
    %sub3A_186 = arith.subi %get3A_179, %sub3A_185 : vector<16xi32>
    %ge3A_187 = arith.constant 0 : i32
    %ge3A_188 = vector.broadcast %ge3A_187 : i32 to vector<16xi32>
    %ge3A_189 = arith.cmpi sge, %sub3A_186, %ge3A_188 : vector<16xi32>
    %lt3A_190 = arith.constant 128 : i32
    %lt3A_191 = vector.broadcast %lt3A_190 : i32 to vector<16xi32>
    %lt3A_192 = arith.cmpi slt, %sub3A_186, %lt3A_191 : vector<16xi32>
    %and3A_193 = arith.andi %ge3A_189, %lt3A_192 : vector<16xi1>
    %max3A_194 = arith.constant 0 : i32
    %max3A_195 = vector.broadcast %max3A_194 : i32 to vector<16xi32>
    %max3A_196 = arith.maxsi %sub3A_186, %max3A_195 : vector<16xi32>
    %min3A_197 = arith.constant 127 : i32
    %min3A_198 = vector.broadcast %min3A_197 : i32 to vector<16xi32>
    %min3A_199 = arith.minsi %max3A_196, %min3A_198 : vector<16xi32>
    %gather3A_200 = tpu.vector_load_idx %arg6[%add3A_183, %min3A_199] : memref<128x128xf32, #tpu.memory_space<vmem>>[vector<16xi32>, vector<16xi32>], vector<16xf32>,
    %get3A_201 = arith.constant 64 : index
    %get3A_202 = tpu.vector_load %arg9[%get3A_201] {strides = array<i32>} : memref<128xf32, #tpu.memory_space<vmem>>, vector<16xf32>,
    %jit3A_203 = arith.constant 0.000000e+00 : f32
    %broadcast_in_dim3A_204 = vector.broadcast %jit3A_203 : f32 to vector<16xf32>
    %select_n3A_205 = arith.select %and3A_193, %gather3A_200, %broadcast_in_dim3A_204 : vector<16xi1>, vector<16xf32>
    %add3A_206 = arith.addf %get3A_202, %select_n3A_205 : vector<16xf32>
    %swap3A_207 = arith.constant 64 : index
    %swap3A_208 = tpu.vector_load %arg9[%swap3A_207] {strides = array<i32>} : memref<128xf32, #tpu.memory_space<vmem>>, vector<16xf32>,
    tpu.vector_store %arg9[%swap3A_207], %add3A_206 {strides = array<i32>} : memref<128xf32, #tpu.memory_space<vmem>>, vector<16xf32>,
    %get3A_209 = arith.constant 80 : index
    %get3A_210 = tpu.vector_load %arg5[%get3A_209] {strides = array<i32>} : memref<128xi32, #tpu.memory_space<vmem>>, vector<16xi32>,
    %iota3A_211 = tpu.iota {dimensions = array<i32: 0>} : vector<16xi32>
    %add3A_212 = arith.constant 80 : i32
    %add3A_213 = vector.broadcast %add3A_212 : i32 to vector<16xi32>
    %add3A_214 = arith.addi %add3A_213, %iota3A_211 : vector<16xi32>
    %sub3A_215 = arith.constant 31744 : i32
    %sub3A_216 = vector.broadcast %sub3A_215 : i32 to vector<16xi32>
    %sub3A_217 = arith.subi %get3A_210, %sub3A_216 : vector<16xi32>
    %ge3A_218 = arith.constant 0 : i32
    %ge3A_219 = vector.broadcast %ge3A_218 : i32 to vector<16xi32>
    %ge3A_220 = arith.cmpi sge, %sub3A_217, %ge3A_219 : vector<16xi32>
    %lt3A_221 = arith.constant 128 : i32
    %lt3A_222 = vector.broadcast %lt3A_221 : i32 to vector<16xi32>
    %lt3A_223 = arith.cmpi slt, %sub3A_217, %lt3A_222 : vector<16xi32>
    %and3A_224 = arith.andi %ge3A_220, %lt3A_223 : vector<16xi1>
    %max3A_225 = arith.constant 0 : i32
    %max3A_226 = vector.broadcast %max3A_225 : i32 to vector<16xi32>
    %max3A_227 = arith.maxsi %sub3A_217, %max3A_226 : vector<16xi32>
    %min3A_228 = arith.constant 127 : i32
    %min3A_229 = vector.broadcast %min3A_228 : i32 to vector<16xi32>
    %min3A_230 = arith.minsi %max3A_227, %min3A_229 : vector<16xi32>
    %gather3A_231 = tpu.vector_load_idx %arg6[%add3A_214, %min3A_230] : memref<128x128xf32, #tpu.memory_space<vmem>>[vector<16xi32>, vector<16xi32>], vector<16xf32>,
    %get3A_232 = arith.constant 80 : index
    %get3A_233 = tpu.vector_load %arg9[%get3A_232] {strides = array<i32>} : memref<128xf32, #tpu.memory_space<vmem>>, vector<16xf32>,
    %jit3A_234 = arith.constant 0.000000e+00 : f32
    %broadcast_in_dim3A_235 = vector.broadcast %jit3A_234 : f32 to vector<16xf32>
    %select_n3A_236 = arith.select %and3A_224, %gather3A_231, %broadcast_in_dim3A_235 : vector<16xi1>, vector<16xf32>
    %add3A_237 = arith.addf %get3A_233, %select_n3A_236 : vector<16xf32>
    %swap3A_238 = arith.constant 80 : index
    %swap3A_239 = tpu.vector_load %arg9[%swap3A_238] {strides = array<i32>} : memref<128xf32, #tpu.memory_space<vmem>>, vector<16xf32>,
    tpu.vector_store %arg9[%swap3A_238], %add3A_237 {strides = array<i32>} : memref<128xf32, #tpu.memory_space<vmem>>, vector<16xf32>,
    %get3A_240 = arith.constant 96 : index
    %get3A_241 = tpu.vector_load %arg5[%get3A_240] {strides = array<i32>} : memref<128xi32, #tpu.memory_space<vmem>>, vector<16xi32>,
    %iota3A_242 = tpu.iota {dimensions = array<i32: 0>} : vector<16xi32>
    %add3A_243 = arith.constant 96 : i32
    %add3A_244 = vector.broadcast %add3A_243 : i32 to vector<16xi32>
    %add3A_245 = arith.addi %add3A_244, %iota3A_242 : vector<16xi32>
    %sub3A_246 = arith.constant 31744 : i32
    %sub3A_247 = vector.broadcast %sub3A_246 : i32 to vector<16xi32>
    %sub3A_248 = arith.subi %get3A_241, %sub3A_247 : vector<16xi32>
    %ge3A_249 = arith.constant 0 : i32
    %ge3A_250 = vector.broadcast %ge3A_249 : i32 to vector<16xi32>
    %ge3A_251 = arith.cmpi sge, %sub3A_248, %ge3A_250 : vector<16xi32>
    %lt3A_252 = arith.constant 128 : i32
    %lt3A_253 = vector.broadcast %lt3A_252 : i32 to vector<16xi32>
    %lt3A_254 = arith.cmpi slt, %sub3A_248, %lt3A_253 : vector<16xi32>
    %and3A_255 = arith.andi %ge3A_251, %lt3A_254 : vector<16xi1>
    %max3A_256 = arith.constant 0 : i32
    %max3A_257 = vector.broadcast %max3A_256 : i32 to vector<16xi32>
    %max3A_258 = arith.maxsi %sub3A_248, %max3A_257 : vector<16xi32>
    %min3A_259 = arith.constant 127 : i32
    %min3A_260 = vector.broadcast %min3A_259 : i32 to vector<16xi32>
    %min3A_261 = arith.minsi %max3A_258, %min3A_260 : vector<16xi32>
    %gather3A_262 = tpu.vector_load_idx %arg6[%add3A_245, %min3A_261] : memref<128x128xf32, #tpu.memory_space<vmem>>[vector<16xi32>, vector<16xi32>], vector<16xf32>,
    %get3A_263 = arith.constant 96 : index
    %get3A_264 = tpu.vector_load %arg9[%get3A_263] {strides = array<i32>} : memref<128xf32, #tpu.memory_space<vmem>>, vector<16xf32>,
    %jit3A_265 = arith.constant 0.000000e+00 : f32
    %broadcast_in_dim3A_266 = vector.broadcast %jit3A_265 : f32 to vector<16xf32>
    %select_n3A_267 = arith.select %and3A_255, %gather3A_262, %broadcast_in_dim3A_266 : vector<16xi1>, vector<16xf32>
    %add3A_268 = arith.addf %get3A_264, %select_n3A_267 : vector<16xf32>
    %swap3A_269 = arith.constant 96 : index
    %swap3A_270 = tpu.vector_load %arg9[%swap3A_269] {strides = array<i32>} : memref<128xf32, #tpu.memory_space<vmem>>, vector<16xf32>,
    tpu.vector_store %arg9[%swap3A_269], %add3A_268 {strides = array<i32>} : memref<128xf32, #tpu.memory_space<vmem>>, vector<16xf32>,
    %get3A_271 = arith.constant 112 : index
    %get3A_272 = tpu.vector_load %arg5[%get3A_271] {strides = array<i32>} : memref<128xi32, #tpu.memory_space<vmem>>, vector<16xi32>,
    %iota3A_273 = tpu.iota {dimensions = array<i32: 0>} : vector<16xi32>
    %add3A_274 = arith.constant 112 : i32
    %add3A_275 = vector.broadcast %add3A_274 : i32 to vector<16xi32>
    %add3A_276 = arith.addi %add3A_275, %iota3A_273 : vector<16xi32>
    %sub3A_277 = arith.constant 31744 : i32
    %sub3A_278 = vector.broadcast %sub3A_277 : i32 to vector<16xi32>
    %sub3A_279 = arith.subi %get3A_272, %sub3A_278 : vector<16xi32>
    %ge3A_280 = arith.constant 0 : i32
    %ge3A_281 = vector.broadcast %ge3A_280 : i32 to vector<16xi32>
    %ge3A_282 = arith.cmpi sge, %sub3A_279, %ge3A_281 : vector<16xi32>
    %lt3A_283 = arith.constant 128 : i32
    %lt3A_284 = vector.broadcast %lt3A_283 : i32 to vector<16xi32>
    %lt3A_285 = arith.cmpi slt, %sub3A_279, %lt3A_284 : vector<16xi32>
    %and3A_286 = arith.andi %ge3A_282, %lt3A_285 : vector<16xi1>
    %max3A_287 = arith.constant 0 : i32
    %max3A_288 = vector.broadcast %max3A_287 : i32 to vector<16xi32>
    %max3A_289 = arith.maxsi %sub3A_279, %max3A_288 : vector<16xi32>
    %min3A_290 = arith.constant 127 : i32
    %min3A_291 = vector.broadcast %min3A_290 : i32 to vector<16xi32>
    %min3A_292 = arith.minsi %max3A_289, %min3A_291 : vector<16xi32>
    %gather3A_293 = tpu.vector_load_idx %arg6[%add3A_276, %min3A_292] : memref<128x128xf32, #tpu.memory_space<vmem>>[vector<16xi32>, vector<16xi32>], vector<16xf32>,
    %get3A_294 = arith.constant 112 : index
    %get3A_295 = tpu.vector_load %arg9[%get3A_294] {strides = array<i32>} : memref<128xf32, #tpu.memory_space<vmem>>, vector<16xf32>,
    %jit3A_296 = arith.constant 0.000000e+00 : f32
    %broadcast_in_dim3A_297 = vector.broadcast %jit3A_296 : f32 to vector<16xf32>
    %select_n3A_298 = arith.select %and3A_286, %gather3A_293, %broadcast_in_dim3A_297 : vector<16xi1>, vector<16xf32>
    %add3A_299 = arith.addf %get3A_295, %select_n3A_298 : vector<16xf32>
    %swap3A_300 = arith.constant 112 : index
    %swap3A_301 = tpu.vector_load %arg9[%swap3A_300] {strides = array<i32>} : memref<128xf32, #tpu.memory_space<vmem>>, vector<16xf32>,
    tpu.vector_store %arg9[%swap3A_300], %add3A_299 {strides = array<i32>} : memref<128xf32, #tpu.memory_space<vmem>>, vector<16xf32>,
    %scan3A_302 = arith.constant 0 : i32
    %scan3A_303 = arith.constant 128 : i32
    %scan3A_304 = arith.addi %scan3A_302, %scan3A_303 : i32
    %scan3A_305 = arith.constant 1 : i32
    scf.for %scan3A_1250 = %scan3A_302 to %scan3A_304 step %scan3A_305  : i32 {
      %mul3A_1251 = arith.constant 1 : i32
      %mul3A_1252 = arith.muli %scan3A_1250, %mul3A_1251 : i32
      %add3A_1253 = arith.constant 0 : i32
      %add3A_1254 = arith.addi %add3A_1253, %mul3A_1252 : i32
      %get3A_1255 = arith.index_cast %add3A_1254 : i32 to index
      %get3A_1256 = arith.constant 0 : index
      %get3A_1257 = tpu.vector_load %arg6[%get3A_1255, %get3A_1256] {strides = array<i32>} : memref<128x128xf32, #tpu.memory_space<vmem>>, vector<16xf32>,
      %get3A_1258 = arith.index_cast %add3A_1254 : i32 to index
      %get3A_1259 = arith.constant 16 : index
      %get3A_1260 = tpu.vector_load %arg6[%get3A_1258, %get3A_1259] {strides = array<i32>} : memref<128x128xf32, #tpu.memory_space<vmem>>, vector<16xf32>,
      %add3A_1261 = arith.addf %get3A_1257, %get3A_1260 : vector<16xf32>
      %get3A_1262 = arith.index_cast %add3A_1254 : i32 to index
      %get3A_1263 = arith.constant 32 : index
      %get3A_1264 = tpu.vector_load %arg6[%get3A_1262, %get3A_1263] {strides = array<i32>} : memref<128x128xf32, #tpu.memory_space<vmem>>, vector<16xf32>,
      %add3A_1265 = arith.addf %add3A_1261, %get3A_1264 : vector<16xf32>
      %get3A_1266 = arith.index_cast %add3A_1254 : i32 to index
      %get3A_1267 = arith.constant 48 : index
      %get3A_1268 = tpu.vector_load %arg6[%get3A_1266, %get3A_1267] {strides = array<i32>} : memref<128x128xf32, #tpu.memory_space<vmem>>, vector<16xf32>,
      %add3A_1269 = arith.addf %add3A_1265, %get3A_1268 : vector<16xf32>
      %get3A_1270 = arith.index_cast %add3A_1254 : i32 to index
      %get3A_1271 = arith.constant 64 : index
      %get3A_1272 = tpu.vector_load %arg6[%get3A_1270, %get3A_1271] {strides = array<i32>} : memref<128x128xf32, #tpu.memory_space<vmem>>, vector<16xf32>,
      %add3A_1273 = arith.addf %add3A_1269, %get3A_1272 : vector<16xf32>
      %get3A_1274 = arith.index_cast %add3A_1254 : i32 to index
      %get3A_1275 = arith.constant 80 : index
      %get3A_1276 = tpu.vector_load %arg6[%get3A_1274, %get3A_1275] {strides = array<i32>} : memref<128x128xf32, #tpu.memory_space<vmem>>, vector<16xf32>,
      %add3A_1277 = arith.addf %add3A_1273, %get3A_1276 : vector<16xf32>
      %get3A_1278 = arith.index_cast %add3A_1254 : i32 to index
      %get3A_1279 = arith.constant 96 : index
      %get3A_1280 = tpu.vector_load %arg6[%get3A_1278, %get3A_1279] {strides = array<i32>} : memref<128x128xf32, #tpu.memory_space<vmem>>, vector<16xf32>,
      %add3A_1281 = arith.addf %add3A_1277, %get3A_1280 : vector<16xf32>
      %get3A_1282 = arith.index_cast %add3A_1254 : i32 to index
      %get3A_1283 = arith.constant 112 : index
      %get3A_1284 = tpu.vector_load %arg6[%get3A_1282, %get3A_1283] {strides = array<i32>} : memref<128x128xf32, #tpu.memory_space<vmem>>, vector<16xf32>,
      %add3A_1285 = arith.addf %add3A_1281, %get3A_1284 : vector<16xf32>
      %get3A_1286 = arith.index_cast %add3A_1254 : i32 to index
      %get3A_1287 = arith.constant 0 : index
      %get3A_1288 = tpu.vector_load %arg8[%get3A_1286, %get3A_1287] {strides = array<i32>} : memref<128x16xf32, #tpu.memory_space<vmem>>, vector<16xf32>,
      %add3A_1289 = arith.addf %get3A_1288, %add3A_1285 : vector<16xf32>
      %swap3A_1290 = arith.index_cast %add3A_1254 : i32 to index
      %swap3A_1291 = arith.constant 0 : index
      %swap3A_1292 = tpu.vector_load %arg8[%swap3A_1290, %swap3A_1291] {strides = array<i32>} : memref<128x16xf32, #tpu.memory_space<vmem>>, vector<16xf32>,
      tpu.vector_store %arg8[%swap3A_1290, %swap3A_1291], %add3A_1289 {strides = array<i32>} : memref<128x16xf32, #tpu.memory_space<vmem>>, vector<16xf32>,
    }
    %scan3A_306 = arith.constant 128 : i32
    %dma_wait3A_307 = arith.constant 1 : i32
    %dma_wait3A_308 = arith.constant 0 : i32
    %dma_wait3A_309 = tpu.memref_slice %arg2[%multiple_of3A, %dma_wait3A_308] : memref<4096x32000xf32, #tpu.memory_space<hbm>> -> memref<128x128xf32, #tpu.memory_space<hbm>>
    %dma_wait3A_310 = tpu.memref_slice %arg12[%dma_wait3A_307] : memref<2x!tpu.dma_semaphore, #tpu.memory_space<semaphore_mem>> -> memref<1x!tpu.dma_semaphore, #tpu.memory_space<semaphore_mem>>
    %dma_wait3A_311 = tpu.memref_squeeze %dma_wait3A_310 : memref<1x!tpu.dma_semaphore, #tpu.memory_space<semaphore_mem>> -> memref<!tpu.dma_semaphore, #tpu.memory_space<semaphore_mem>>
    %dma_wait3A_312 = arith.constant 0 : i32
    %dma_wait3A_313 = tpu.memref_slice %arg2[%multiple_of3A, %dma_wait3A_312] : memref<4096x32000xf32, #tpu.memory_space<hbm>> -> memref<128x128xf32, #tpu.memory_space<hbm>>
    tpu.wait_dma2 semaphore(%dma_wait3A_311 : memref<!tpu.dma_semaphore, #tpu.memory_space<semaphore_mem>>) src(%dma_wait3A_313 : memref<128x128xf32, #tpu.memory_space<hbm>>) dst(%arg7 : memref<128x128xf32, #tpu.memory_space<vmem>>)
    %get3A_314 = arith.constant 0 : index
    %get3A_315 = tpu.vector_load %arg5[%get3A_314] {strides = array<i32>} : memref<128xi32, #tpu.memory_space<vmem>>, vector<16xi32>,
    %iota3A_316 = tpu.iota {dimensions = array<i32: 0>} : vector<16xi32>
    %add3A_317 = arith.constant 0 : i32
    %add3A_318 = vector.broadcast %add3A_317 : i32 to vector<16xi32>
    %add3A_319 = arith.addi %add3A_318, %iota3A_316 : vector<16xi32>
    %sub3A_320 = arith.constant 31872 : i32
    %sub3A_321 = vector.broadcast %sub3A_320 : i32 to vector<16xi32>
    %sub3A_322 = arith.subi %get3A_315, %sub3A_321 : vector<16xi32>
    %ge3A_323 = arith.constant 0 : i32
    %ge3A_324 = vector.broadcast %ge3A_323 : i32 to vector<16xi32>
    %ge3A_325 = arith.cmpi sge, %sub3A_322, %ge3A_324 : vector<16xi32>
    %lt3A_326 = arith.constant 128 : i32
    %lt3A_327 = vector.broadcast %lt3A_326 : i32 to vector<16xi32>
    %lt3A_328 = arith.cmpi slt, %sub3A_322, %lt3A_327 : vector<16xi32>
    %and3A_329 = arith.andi %ge3A_325, %lt3A_328 : vector<16xi1>
    %max3A_330 = arith.constant 0 : i32
    %max3A_331 = vector.broadcast %max3A_330 : i32 to vector<16xi32>
    %max3A_332 = arith.maxsi %sub3A_322, %max3A_331 : vector<16xi32>
    %min3A_333 = arith.constant 127 : i32
    %min3A_334 = vector.broadcast %min3A_333 : i32 to vector<16xi32>
    %min3A_335 = arith.minsi %max3A_332, %min3A_334 : vector<16xi32>
    %gather3A_336 = tpu.vector_load_idx %arg7[%add3A_319, %min3A_335] : memref<128x128xf32, #tpu.memory_space<vmem>>[vector<16xi32>, vector<16xi32>], vector<16xf32>,
    %get3A_337 = arith.constant 0 : index
    %get3A_338 = tpu.vector_load %arg9[%get3A_337] {strides = array<i32>} : memref<128xf32, #tpu.memory_space<vmem>>, vector<16xf32>,
    %jit3A_339 = arith.constant 0.000000e+00 : f32
    %broadcast_in_dim3A_340 = vector.broadcast %jit3A_339 : f32 to vector<16xf32>
    %select_n3A_341 = arith.select %and3A_329, %gather3A_336, %broadcast_in_dim3A_340 : vector<16xi1>, vector<16xf32>
    %add3A_342 = arith.addf %get3A_338, %select_n3A_341 : vector<16xf32>
    %swap3A_343 = arith.constant 0 : index
    %swap3A_344 = tpu.vector_load %arg9[%swap3A_343] {strides = array<i32>} : memref<128xf32, #tpu.memory_space<vmem>>, vector<16xf32>,
    tpu.vector_store %arg9[%swap3A_343], %add3A_342 {strides = array<i32>} : memref<128xf32, #tpu.memory_space<vmem>>, vector<16xf32>,
    %get3A_345 = arith.constant 16 : index
    %get3A_346 = tpu.vector_load %arg5[%get3A_345] {strides = array<i32>} : memref<128xi32, #tpu.memory_space<vmem>>, vector<16xi32>,
    %iota3A_347 = tpu.iota {dimensions = array<i32: 0>} : vector<16xi32>
    %add3A_348 = arith.constant 16 : i32
    %add3A_349 = vector.broadcast %add3A_348 : i32 to vector<16xi32>
    %add3A_350 = arith.addi %add3A_349, %iota3A_347 : vector<16xi32>
    %sub3A_351 = arith.constant 31872 : i32
    %sub3A_352 = vector.broadcast %sub3A_351 : i32 to vector<16xi32>
    %sub3A_353 = arith.subi %get3A_346, %sub3A_352 : vector<16xi32>
    %ge3A_354 = arith.constant 0 : i32
    %ge3A_355 = vector.broadcast %ge3A_354 : i32 to vector<16xi32>
    %ge3A_356 = arith.cmpi sge, %sub3A_353, %ge3A_355 : vector<16xi32>
    %lt3A_357 = arith.constant 128 : i32
    %lt3A_358 = vector.broadcast %lt3A_357 : i32 to vector<16xi32>
    %lt3A_359 = arith.cmpi slt, %sub3A_353, %lt3A_358 : vector<16xi32>
    %and3A_360 = arith.andi %ge3A_356, %lt3A_359 : vector<16xi1>
    %max3A_361 = arith.constant 0 : i32
    %max3A_362 = vector.broadcast %max3A_361 : i32 to vector<16xi32>
    %max3A_363 = arith.maxsi %sub3A_353, %max3A_362 : vector<16xi32>
    %min3A_364 = arith.constant 127 : i32
    %min3A_365 = vector.broadcast %min3A_364 : i32 to vector<16xi32>
    %min3A_366 = arith.minsi %max3A_363, %min3A_365 : vector<16xi32>
    %gather3A_367 = tpu.vector_load_idx %arg7[%add3A_350, %min3A_366] : memref<128x128xf32, #tpu.memory_space<vmem>>[vector<16xi32>, vector<16xi32>], vector<16xf32>,
    %get3A_368 = arith.constant 16 : index
    %get3A_369 = tpu.vector_load %arg9[%get3A_368] {strides = array<i32>} : memref<128xf32, #tpu.memory_space<vmem>>, vector<16xf32>,
    %jit3A_370 = arith.constant 0.000000e+00 : f32
    %broadcast_in_dim3A_371 = vector.broadcast %jit3A_370 : f32 to vector<16xf32>
    %select_n3A_372 = arith.select %and3A_360, %gather3A_367, %broadcast_in_dim3A_371 : vector<16xi1>, vector<16xf32>
    %add3A_373 = arith.addf %get3A_369, %select_n3A_372 : vector<16xf32>
    %swap3A_374 = arith.constant 16 : index
    %swap3A_375 = tpu.vector_load %arg9[%swap3A_374] {strides = array<i32>} : memref<128xf32, #tpu.memory_space<vmem>>, vector<16xf32>,
    tpu.vector_store %arg9[%swap3A_374], %add3A_373 {strides = array<i32>} : memref<128xf32, #tpu.memory_space<vmem>>, vector<16xf32>,
    %get3A_376 = arith.constant 32 : index
    %get3A_377 = tpu.vector_load %arg5[%get3A_376] {strides = array<i32>} : memref<128xi32, #tpu.memory_space<vmem>>, vector<16xi32>,
    %iota3A_378 = tpu.iota {dimensions = array<i32: 0>} : vector<16xi32>
    %add3A_379 = arith.constant 32 : i32
    %add3A_380 = vector.broadcast %add3A_379 : i32 to vector<16xi32>
    %add3A_381 = arith.addi %add3A_380, %iota3A_378 : vector<16xi32>
    %sub3A_382 = arith.constant 31872 : i32
    %sub3A_383 = vector.broadcast %sub3A_382 : i32 to vector<16xi32>
    %sub3A_384 = arith.subi %get3A_377, %sub3A_383 : vector<16xi32>
    %ge3A_385 = arith.constant 0 : i32
    %ge3A_386 = vector.broadcast %ge3A_385 : i32 to vector<16xi32>
    %ge3A_387 = arith.cmpi sge, %sub3A_384, %ge3A_386 : vector<16xi32>
    %lt3A_388 = arith.constant 128 : i32
    %lt3A_389 = vector.broadcast %lt3A_388 : i32 to vector<16xi32>
    %lt3A_390 = arith.cmpi slt, %sub3A_384, %lt3A_389 : vector<16xi32>
    %and3A_391 = arith.andi %ge3A_387, %lt3A_390 : vector<16xi1>
    %max3A_392 = arith.constant 0 : i32
    %max3A_393 = vector.broadcast %max3A_392 : i32 to vector<16xi32>
    %max3A_394 = arith.maxsi %sub3A_384, %max3A_393 : vector<16xi32>
    %min3A_395 = arith.constant 127 : i32
    %min3A_396 = vector.broadcast %min3A_395 : i32 to vector<16xi32>
    %min3A_397 = arith.minsi %max3A_394, %min3A_396 : vector<16xi32>
    %gather3A_398 = tpu.vector_load_idx %arg7[%add3A_381, %min3A_397] : memref<128x128xf32, #tpu.memory_space<vmem>>[vector<16xi32>, vector<16xi32>], vector<16xf32>,
    %get3A_399 = arith.constant 32 : index
    %get3A_400 = tpu.vector_load %arg9[%get3A_399] {strides = array<i32>} : memref<128xf32, #tpu.memory_space<vmem>>, vector<16xf32>,
    %jit3A_401 = arith.constant 0.000000e+00 : f32
    %broadcast_in_dim3A_402 = vector.broadcast %jit3A_401 : f32 to vector<16xf32>
    %select_n3A_403 = arith.select %and3A_391, %gather3A_398, %broadcast_in_dim3A_402 : vector<16xi1>, vector<16xf32>
    %add3A_404 = arith.addf %get3A_400, %select_n3A_403 : vector<16xf32>
    %swap3A_405 = arith.constant 32 : index
    %swap3A_406 = tpu.vector_load %arg9[%swap3A_405] {strides = array<i32>} : memref<128xf32, #tpu.memory_space<vmem>>, vector<16xf32>,
    tpu.vector_store %arg9[%swap3A_405], %add3A_404 {strides = array<i32>} : memref<128xf32, #tpu.memory_space<vmem>>, vector<16xf32>,
    %get3A_407 = arith.constant 48 : index
    %get3A_408 = tpu.vector_load %arg5[%get3A_407] {strides = array<i32>} : memref<128xi32, #tpu.memory_space<vmem>>, vector<16xi32>,
    %iota3A_409 = tpu.iota {dimensions = array<i32: 0>} : vector<16xi32>
    %add3A_410 = arith.constant 48 : i32
    %add3A_411 = vector.broadcast %add3A_410 : i32 to vector<16xi32>
    %add3A_412 = arith.addi %add3A_411, %iota3A_409 : vector<16xi32>
    %sub3A_413 = arith.constant 31872 : i32
    %sub3A_414 = vector.broadcast %sub3A_413 : i32 to vector<16xi32>
    %sub3A_415 = arith.subi %get3A_408, %sub3A_414 : vector<16xi32>
    %ge3A_416 = arith.constant 0 : i32
    %ge3A_417 = vector.broadcast %ge3A_416 : i32 to vector<16xi32>
    %ge3A_418 = arith.cmpi sge, %sub3A_415, %ge3A_417 : vector<16xi32>
    %lt3A_419 = arith.constant 128 : i32
    %lt3A_420 = vector.broadcast %lt3A_419 : i32 to vector<16xi32>
    %lt3A_421 = arith.cmpi slt, %sub3A_415, %lt3A_420 : vector<16xi32>
    %and3A_422 = arith.andi %ge3A_418, %lt3A_421 : vector<16xi1>
    %max3A_423 = arith.constant 0 : i32
    %max3A_424 = vector.broadcast %max3A_423 : i32 to vector<16xi32>
    %max3A_425 = arith.maxsi %sub3A_415, %max3A_424 : vector<16xi32>
    %min3A_426 = arith.constant 127 : i32
    %min3A_427 = vector.broadcast %min3A_426 : i32 to vector<16xi32>
    %min3A_428 = arith.minsi %max3A_425, %min3A_427 : vector<16xi32>
    %gather3A_429 = tpu.vector_load_idx %arg7[%add3A_412, %min3A_428] : memref<128x128xf32, #tpu.memory_space<vmem>>[vector<16xi32>, vector<16xi32>], vector<16xf32>,
    %get3A_430 = arith.constant 48 : index
    %get3A_431 = tpu.vector_load %arg9[%get3A_430] {strides = array<i32>} : memref<128xf32, #tpu.memory_space<vmem>>, vector<16xf32>,
    %jit3A_432 = arith.constant 0.000000e+00 : f32
    %broadcast_in_dim3A_433 = vector.broadcast %jit3A_432 : f32 to vector<16xf32>
    %select_n3A_434 = arith.select %and3A_422, %gather3A_429, %broadcast_in_dim3A_433 : vector<16xi1>, vector<16xf32>
    %add3A_435 = arith.addf %get3A_431, %select_n3A_434 : vector<16xf32>
    %swap3A_436 = arith.constant 48 : index
    %swap3A_437 = tpu.vector_load %arg9[%swap3A_436] {strides = array<i32>} : memref<128xf32, #tpu.memory_space<vmem>>, vector<16xf32>,
    tpu.vector_store %arg9[%swap3A_436], %add3A_435 {strides = array<i32>} : memref<128xf32, #tpu.memory_space<vmem>>, vector<16xf32>,
    %get3A_438 = arith.constant 64 : index
    %get3A_439 = tpu.vector_load %arg5[%get3A_438] {strides = array<i32>} : memref<128xi32, #tpu.memory_space<vmem>>, vector<16xi32>,
    %iota3A_440 = tpu.iota {dimensions = array<i32: 0>} : vector<16xi32>
    %add3A_441 = arith.constant 64 : i32
    %add3A_442 = vector.broadcast %add3A_441 : i32 to vector<16xi32>
    %add3A_443 = arith.addi %add3A_442, %iota3A_440 : vector<16xi32>
    %sub3A_444 = arith.constant 31872 : i32
    %sub3A_445 = vector.broadcast %sub3A_444 : i32 to vector<16xi32>
    %sub3A_446 = arith.subi %get3A_439, %sub3A_445 : vector<16xi32>
    %ge3A_447 = arith.constant 0 : i32
    %ge3A_448 = vector.broadcast %ge3A_447 : i32 to vector<16xi32>
    %ge3A_449 = arith.cmpi sge, %sub3A_446, %ge3A_448 : vector<16xi32>
    %lt3A_450 = arith.constant 128 : i32
    %lt3A_451 = vector.broadcast %lt3A_450 : i32 to vector<16xi32>
    %lt3A_452 = arith.cmpi slt, %sub3A_446, %lt3A_451 : vector<16xi32>
    %and3A_453 = arith.andi %ge3A_449, %lt3A_452 : vector<16xi1>
    %max3A_454 = arith.constant 0 : i32
    %max3A_455 = vector.broadcast %max3A_454 : i32 to vector<16xi32>
    %max3A_456 = arith.maxsi %sub3A_446, %max3A_455 : vector<16xi32>
    %min3A_457 = arith.constant 127 : i32
    %min3A_458 = vector.broadcast %min3A_457 : i32 to vector<16xi32>
    %min3A_459 = arith.minsi %max3A_456, %min3A_458 : vector<16xi32>
    %gather3A_460 = tpu.vector_load_idx %arg7[%add3A_443, %min3A_459] : memref<128x128xf32, #tpu.memory_space<vmem>>[vector<16xi32>, vector<16xi32>], vector<16xf32>,
    %get3A_461 = arith.constant 64 : index
    %get3A_462 = tpu.vector_load %arg9[%get3A_461] {strides = array<i32>} : memref<128xf32, #tpu.memory_space<vmem>>, vector<16xf32>,
    %jit3A_463 = arith.constant 0.000000e+00 : f32
    %broadcast_in_dim3A_464 = vector.broadcast %jit3A_463 : f32 to vector<16xf32>
    %select_n3A_465 = arith.select %and3A_453, %gather3A_460, %broadcast_in_dim3A_464 : vector<16xi1>, vector<16xf32>
    %add3A_466 = arith.addf %get3A_462, %select_n3A_465 : vector<16xf32>
    %swap3A_467 = arith.constant 64 : index
    %swap3A_468 = tpu.vector_load %arg9[%swap3A_467] {strides = array<i32>} : memref<128xf32, #tpu.memory_space<vmem>>, vector<16xf32>,
    tpu.vector_store %arg9[%swap3A_467], %add3A_466 {strides = array<i32>} : memref<128xf32, #tpu.memory_space<vmem>>, vector<16xf32>,
    %get3A_469 = arith.constant 80 : index
    %get3A_470 = tpu.vector_load %arg5[%get3A_469] {strides = array<i32>} : memref<128xi32, #tpu.memory_space<vmem>>, vector<16xi32>,
    %iota3A_471 = tpu.iota {dimensions = array<i32: 0>} : vector<16xi32>
    %add3A_472 = arith.constant 80 : i32
    %add3A_473 = vector.broadcast %add3A_472 : i32 to vector<16xi32>
    %add3A_474 = arith.addi %add3A_473, %iota3A_471 : vector<16xi32>
    %sub3A_475 = arith.constant 31872 : i32
    %sub3A_476 = vector.broadcast %sub3A_475 : i32 to vector<16xi32>
    %sub3A_477 = arith.subi %get3A_470, %sub3A_476 : vector<16xi32>
    %ge3A_478 = arith.constant 0 : i32
    %ge3A_479 = vector.broadcast %ge3A_478 : i32 to vector<16xi32>
    %ge3A_480 = arith.cmpi sge, %sub3A_477, %ge3A_479 : vector<16xi32>
    %lt3A_481 = arith.constant 128 : i32
    %lt3A_482 = vector.broadcast %lt3A_481 : i32 to vector<16xi32>
    %lt3A_483 = arith.cmpi slt, %sub3A_477, %lt3A_482 : vector<16xi32>
    %and3A_484 = arith.andi %ge3A_480, %lt3A_483 : vector<16xi1>
    %max3A_485 = arith.constant 0 : i32
    %max3A_486 = vector.broadcast %max3A_485 : i32 to vector<16xi32>
    %max3A_487 = arith.maxsi %sub3A_477, %max3A_486 : vector<16xi32>
    %min3A_488 = arith.constant 127 : i32
    %min3A_489 = vector.broadcast %min3A_488 : i32 to vector<16xi32>
    %min3A_490 = arith.minsi %max3A_487, %min3A_489 : vector<16xi32>
    %gather3A_491 = tpu.vector_load_idx %arg7[%add3A_474, %min3A_490] : memref<128x128xf32, #tpu.memory_space<vmem>>[vector<16xi32>, vector<16xi32>], vector<16xf32>,
    %get3A_492 = arith.constant 80 : index
    %get3A_493 = tpu.vector_load %arg9[%get3A_492] {strides = array<i32>} : memref<128xf32, #tpu.memory_space<vmem>>, vector<16xf32>,
    %jit3A_494 = arith.constant 0.000000e+00 : f32
    %broadcast_in_dim3A_495 = vector.broadcast %jit3A_494 : f32 to vector<16xf32>
    %select_n3A_496 = arith.select %and3A_484, %gather3A_491, %broadcast_in_dim3A_495 : vector<16xi1>, vector<16xf32>
    %add3A_497 = arith.addf %get3A_493, %select_n3A_496 : vector<16xf32>
    %swap3A_498 = arith.constant 80 : index
    %swap3A_499 = tpu.vector_load %arg9[%swap3A_498] {strides = array<i32>} : memref<128xf32, #tpu.memory_space<vmem>>, vector<16xf32>,
    tpu.vector_store %arg9[%swap3A_498], %add3A_497 {strides = array<i32>} : memref<128xf32, #tpu.memory_space<vmem>>, vector<16xf32>,
    %get3A_500 = arith.constant 96 : index
    %get3A_501 = tpu.vector_load %arg5[%get3A_500] {strides = array<i32>} : memref<128xi32, #tpu.memory_space<vmem>>, vector<16xi32>,
    %iota3A_502 = tpu.iota {dimensions = array<i32: 0>} : vector<16xi32>
    %add3A_503 = arith.constant 96 : i32
    %add3A_504 = vector.broadcast %add3A_503 : i32 to vector<16xi32>
    %add3A_505 = arith.addi %add3A_504, %iota3A_502 : vector<16xi32>
    %sub3A_506 = arith.constant 31872 : i32
    %sub3A_507 = vector.broadcast %sub3A_506 : i32 to vector<16xi32>
    %sub3A_508 = arith.subi %get3A_501, %sub3A_507 : vector<16xi32>
    %ge3A_509 = arith.constant 0 : i32
    %ge3A_510 = vector.broadcast %ge3A_509 : i32 to vector<16xi32>
    %ge3A_511 = arith.cmpi sge, %sub3A_508, %ge3A_510 : vector<16xi32>
    %lt3A_512 = arith.constant 128 : i32
    %lt3A_513 = vector.broadcast %lt3A_512 : i32 to vector<16xi32>
    %lt3A_514 = arith.cmpi slt, %sub3A_508, %lt3A_513 : vector<16xi32>
    %and3A_515 = arith.andi %ge3A_511, %lt3A_514 : vector<16xi1>
    %max3A_516 = arith.constant 0 : i32
    %max3A_517 = vector.broadcast %max3A_516 : i32 to vector<16xi32>
    %max3A_518 = arith.maxsi %sub3A_508, %max3A_517 : vector<16xi32>
    %min3A_519 = arith.constant 127 : i32
    %min3A_520 = vector.broadcast %min3A_519 : i32 to vector<16xi32>
    %min3A_521 = arith.minsi %max3A_518, %min3A_520 : vector<16xi32>
    %gather3A_522 = tpu.vector_load_idx %arg7[%add3A_505, %min3A_521] : memref<128x128xf32, #tpu.memory_space<vmem>>[vector<16xi32>, vector<16xi32>], vector<16xf32>,
    %get3A_523 = arith.constant 96 : index
    %get3A_524 = tpu.vector_load %arg9[%get3A_523] {strides = array<i32>} : memref<128xf32, #tpu.memory_space<vmem>>, vector<16xf32>,
    %jit3A_525 = arith.constant 0.000000e+00 : f32
    %broadcast_in_dim3A_526 = vector.broadcast %jit3A_525 : f32 to vector<16xf32>
    %select_n3A_527 = arith.select %and3A_515, %gather3A_522, %broadcast_in_dim3A_526 : vector<16xi1>, vector<16xf32>
    %add3A_528 = arith.addf %get3A_524, %select_n3A_527 : vector<16xf32>
    %swap3A_529 = arith.constant 96 : index
    %swap3A_530 = tpu.vector_load %arg9[%swap3A_529] {strides = array<i32>} : memref<128xf32, #tpu.memory_space<vmem>>, vector<16xf32>,
    tpu.vector_store %arg9[%swap3A_529], %add3A_528 {strides = array<i32>} : memref<128xf32, #tpu.memory_space<vmem>>, vector<16xf32>,
    %get3A_531 = arith.constant 112 : index
    %get3A_532 = tpu.vector_load %arg5[%get3A_531] {strides = array<i32>} : memref<128xi32, #tpu.memory_space<vmem>>, vector<16xi32>,
    %iota3A_533 = tpu.iota {dimensions = array<i32: 0>} : vector<16xi32>
    %add3A_534 = arith.constant 112 : i32
    %add3A_535 = vector.broadcast %add3A_534 : i32 to vector<16xi32>
    %add3A_536 = arith.addi %add3A_535, %iota3A_533 : vector<16xi32>
    %sub3A_537 = arith.constant 31872 : i32
    %sub3A_538 = vector.broadcast %sub3A_537 : i32 to vector<16xi32>
    %sub3A_539 = arith.subi %get3A_532, %sub3A_538 : vector<16xi32>
    %ge3A_540 = arith.constant 0 : i32
    %ge3A_541 = vector.broadcast %ge3A_540 : i32 to vector<16xi32>
    %ge3A_542 = arith.cmpi sge, %sub3A_539, %ge3A_541 : vector<16xi32>
    %lt3A_543 = arith.constant 128 : i32
    %lt3A_544 = vector.broadcast %lt3A_543 : i32 to vector<16xi32>
    %lt3A_545 = arith.cmpi slt, %sub3A_539, %lt3A_544 : vector<16xi32>
    %and3A_546 = arith.andi %ge3A_542, %lt3A_545 : vector<16xi1>
    %max3A_547 = arith.constant 0 : i32
    %max3A_548 = vector.broadcast %max3A_547 : i32 to vector<16xi32>
    %max3A_549 = arith.maxsi %sub3A_539, %max3A_548 : vector<16xi32>
    %min3A_550 = arith.constant 127 : i32
    %min3A_551 = vector.broadcast %min3A_550 : i32 to vector<16xi32>
    %min3A_552 = arith.minsi %max3A_549, %min3A_551 : vector<16xi32>
    %gather3A_553 = tpu.vector_load_idx %arg7[%add3A_536, %min3A_552] : memref<128x128xf32, #tpu.memory_space<vmem>>[vector<16xi32>, vector<16xi32>], vector<16xf32>,
    %get3A_554 = arith.constant 112 : index
    %get3A_555 = tpu.vector_load %arg9[%get3A_554] {strides = array<i32>} : memref<128xf32, #tpu.memory_space<vmem>>, vector<16xf32>,
    %jit3A_556 = arith.constant 0.000000e+00 : f32
    %broadcast_in_dim3A_557 = vector.broadcast %jit3A_556 : f32 to vector<16xf32>
    %select_n3A_558 = arith.select %and3A_546, %gather3A_553, %broadcast_in_dim3A_557 : vector<16xi1>, vector<16xf32>
    %add3A_559 = arith.addf %get3A_555, %select_n3A_558 : vector<16xf32>
    %swap3A_560 = arith.constant 112 : index
    %swap3A_561 = tpu.vector_load %arg9[%swap3A_560] {strides = array<i32>} : memref<128xf32, #tpu.memory_space<vmem>>, vector<16xf32>,
    tpu.vector_store %arg9[%swap3A_560], %add3A_559 {strides = array<i32>} : memref<128xf32, #tpu.memory_space<vmem>>, vector<16xf32>,
    %scan3A_562 = arith.constant 0 : i32
    %scan3A_563 = arith.constant 128 : i32
    %scan3A_564 = arith.addi %scan3A_562, %scan3A_563 : i32
    %scan3A_565 = arith.constant 1 : i32
    scf.for %scan3A_1250 = %scan3A_562 to %scan3A_564 step %scan3A_565  : i32 {
      %mul3A_1251 = arith.constant 1 : i32
      %mul3A_1252 = arith.muli %scan3A_1250, %mul3A_1251 : i32
      %add3A_1253 = arith.constant 0 : i32
      %add3A_1254 = arith.addi %add3A_1253, %mul3A_1252 : i32
      %get3A_1255 = arith.index_cast %add3A_1254 : i32 to index
      %get3A_1256 = arith.constant 0 : index
      %get3A_1257 = tpu.vector_load %arg7[%get3A_1255, %get3A_1256] {strides = array<i32>} : memref<128x128xf32, #tpu.memory_space<vmem>>, vector<16xf32>,
      %get3A_1258 = arith.index_cast %add3A_1254 : i32 to index
      %get3A_1259 = arith.constant 16 : index
      %get3A_1260 = tpu.vector_load %arg7[%get3A_1258, %get3A_1259] {strides = array<i32>} : memref<128x128xf32, #tpu.memory_space<vmem>>, vector<16xf32>,
      %add3A_1261 = arith.addf %get3A_1257, %get3A_1260 : vector<16xf32>
      %get3A_1262 = arith.index_cast %add3A_1254 : i32 to index
      %get3A_1263 = arith.constant 32 : index
      %get3A_1264 = tpu.vector_load %arg7[%get3A_1262, %get3A_1263] {strides = array<i32>} : memref<128x128xf32, #tpu.memory_space<vmem>>, vector<16xf32>,
      %add3A_1265 = arith.addf %add3A_1261, %get3A_1264 : vector<16xf32>
      %get3A_1266 = arith.index_cast %add3A_1254 : i32 to index
      %get3A_1267 = arith.constant 48 : index
      %get3A_1268 = tpu.vector_load %arg7[%get3A_1266, %get3A_1267] {strides = array<i32>} : memref<128x128xf32, #tpu.memory_space<vmem>>, vector<16xf32>,
      %add3A_1269 = arith.addf %add3A_1265, %get3A_1268 : vector<16xf32>
      %get3A_1270 = arith.index_cast %add3A_1254 : i32 to index
      %get3A_1271 = arith.constant 64 : index
      %get3A_1272 = tpu.vector_load %arg7[%get3A_1270, %get3A_1271] {strides = array<i32>} : memref<128x128xf32, #tpu.memory_space<vmem>>, vector<16xf32>,
      %add3A_1273 = arith.addf %add3A_1269, %get3A_1272 : vector<16xf32>
      %get3A_1274 = arith.index_cast %add3A_1254 : i32 to index
      %get3A_1275 = arith.constant 80 : index
      %get3A_1276 = tpu.vector_load %arg7[%get3A_1274, %get3A_1275] {strides = array<i32>} : memref<128x128xf32, #tpu.memory_space<vmem>>, vector<16xf32>,
      %add3A_1277 = arith.addf %add3A_1273, %get3A_1276 : vector<16xf32>
      %get3A_1278 = arith.index_cast %add3A_1254 : i32 to index
      %get3A_1279 = arith.constant 96 : index
      %get3A_1280 = tpu.vector_load %arg7[%get3A_1278, %get3A_1279] {strides = array<i32>} : memref<128x128xf32, #tpu.memory_space<vmem>>, vector<16xf32>,
      %add3A_1281 = arith.addf %add3A_1277, %get3A_1280 : vector<16xf32>
      %get3A_1282 = arith.index_cast %add3A_1254 : i32 to index
      %get3A_1283 = arith.constant 112 : index
      %get3A_1284 = tpu.vector_load %arg7[%get3A_1282, %get3A_1283] {strides = array<i32>} : memref<128x128xf32, #tpu.memory_space<vmem>>, vector<16xf32>,
      %add3A_1285 = arith.addf %add3A_1281, %get3A_1284 : vector<16xf32>
      %get3A_1286 = arith.index_cast %add3A_1254 : i32 to index
      %get3A_1287 = arith.constant 0 : index
      %get3A_1288 = tpu.vector_load %arg8[%get3A_1286, %get3A_1287] {strides = array<i32>} : memref<128x16xf32, #tpu.memory_space<vmem>>, vector<16xf32>,
      %add3A_1289 = arith.addf %get3A_1288, %add3A_1285 : vector<16xf32>
      %swap3A_1290 = arith.index_cast %add3A_1254 : i32 to index
      %swap3A_1291 = arith.constant 0 : index
      %swap3A_1292 = tpu.vector_load %arg8[%swap3A_1290, %swap3A_1291] {strides = array<i32>} : memref<128x16xf32, #tpu.memory_space<vmem>>, vector<16xf32>,
      tpu.vector_store %arg8[%swap3A_1290, %swap3A_1291], %add3A_1289 {strides = array<i32>} : memref<128x16xf32, #tpu.memory_space<vmem>>, vector<16xf32>,
    }
    %scan3A_566 = arith.constant 128 : i32
    %broadcast_in_dim3A_567 = arith.constant 0.000000e+00 : f32
    %broadcast_in_dim3A_568 = vector.broadcast %broadcast_in_dim3A_567 : f32 to vector<16xf32>
    %iota3A_569 = tpu.iota {dimensions = array<i32: 0>} : vector<16xi32>
    %add3A_570 = arith.constant 0 : i32
    %add3A_571 = vector.broadcast %add3A_570 : i32 to vector<16xi32>
    %add3A_572 = arith.addi %add3A_571, %iota3A_569 : vector<16xi32>
    %broadcast_in_dim3A_573 = arith.constant 0 : i32
    %broadcast_in_dim3A_574 = vector.broadcast %broadcast_in_dim3A_573 : i32 to vector<16xi32>
    %gather3A_575 = tpu.vector_load_idx %arg8[%add3A_572, %broadcast_in_dim3A_574] : memref<128x16xf32, #tpu.memory_space<vmem>>[vector<16xi32>, vector<16xi32>], vector<16xf32>,
    %broadcast_in_dim3A_576 = arith.constant 1 : i32
    %broadcast_in_dim3A_577 = vector.broadcast %broadcast_in_dim3A_576 : i32 to vector<16xi32>
    %gather3A_578 = tpu.vector_load_idx %arg8[%add3A_572, %broadcast_in_dim3A_577] : memref<128x16xf32, #tpu.memory_space<vmem>>[vector<16xi32>, vector<16xi32>], vector<16xf32>,
    %add3A_579 = arith.addf %gather3A_575, %gather3A_578 : vector<16xf32>
    %broadcast_in_dim3A_580 = arith.constant 2 : i32
    %broadcast_in_dim3A_581 = vector.broadcast %broadcast_in_dim3A_580 : i32 to vector<16xi32>
    %gather3A_582 = tpu.vector_load_idx %arg8[%add3A_572, %broadcast_in_dim3A_581] : memref<128x16xf32, #tpu.memory_space<vmem>>[vector<16xi32>, vector<16xi32>], vector<16xf32>,
    %add3A_583 = arith.addf %add3A_579, %gather3A_582 : vector<16xf32>
    %broadcast_in_dim3A_584 = arith.constant 3 : i32
    %broadcast_in_dim3A_585 = vector.broadcast %broadcast_in_dim3A_584 : i32 to vector<16xi32>
    %gather3A_586 = tpu.vector_load_idx %arg8[%add3A_572, %broadcast_in_dim3A_585] : memref<128x16xf32, #tpu.memory_space<vmem>>[vector<16xi32>, vector<16xi32>], vector<16xf32>,
    %add3A_587 = arith.addf %add3A_583, %gather3A_586 : vector<16xf32>
    %broadcast_in_dim3A_588 = arith.constant 4 : i32
    %broadcast_in_dim3A_589 = vector.broadcast %broadcast_in_dim3A_588 : i32 to vector<16xi32>
    %gather3A_590 = tpu.vector_load_idx %arg8[%add3A_572, %broadcast_in_dim3A_589] : memref<128x16xf32, #tpu.memory_space<vmem>>[vector<16xi32>, vector<16xi32>], vector<16xf32>,
    %add3A_591 = arith.addf %add3A_587, %gather3A_590 : vector<16xf32>
    %broadcast_in_dim3A_592 = arith.constant 5 : i32
    %broadcast_in_dim3A_593 = vector.broadcast %broadcast_in_dim3A_592 : i32 to vector<16xi32>
    %gather3A_594 = tpu.vector_load_idx %arg8[%add3A_572, %broadcast_in_dim3A_593] : memref<128x16xf32, #tpu.memory_space<vmem>>[vector<16xi32>, vector<16xi32>], vector<16xf32>,
    %add3A_595 = arith.addf %add3A_591, %gather3A_594 : vector<16xf32>
    %broadcast_in_dim3A_596 = arith.constant 6 : i32
    %broadcast_in_dim3A_597 = vector.broadcast %broadcast_in_dim3A_596 : i32 to vector<16xi32>
    %gather3A_598 = tpu.vector_load_idx %arg8[%add3A_572, %broadcast_in_dim3A_597] : memref<128x16xf32, #tpu.memory_space<vmem>>[vector<16xi32>, vector<16xi32>], vector<16xf32>,
    %add3A_599 = arith.addf %add3A_595, %gather3A_598 : vector<16xf32>
    %broadcast_in_dim3A_600 = arith.constant 7 : i32
    %broadcast_in_dim3A_601 = vector.broadcast %broadcast_in_dim3A_600 : i32 to vector<16xi32>
    %gather3A_602 = tpu.vector_load_idx %arg8[%add3A_572, %broadcast_in_dim3A_601] : memref<128x16xf32, #tpu.memory_space<vmem>>[vector<16xi32>, vector<16xi32>], vector<16xf32>,
    %add3A_603 = arith.addf %add3A_599, %gather3A_602 : vector<16xf32>
    %broadcast_in_dim3A_604 = arith.constant 8 : i32
    %broadcast_in_dim3A_605 = vector.broadcast %broadcast_in_dim3A_604 : i32 to vector<16xi32>
    %gather3A_606 = tpu.vector_load_idx %arg8[%add3A_572, %broadcast_in_dim3A_605] : memref<128x16xf32, #tpu.memory_space<vmem>>[vector<16xi32>, vector<16xi32>], vector<16xf32>,
    %add3A_607 = arith.addf %add3A_603, %gather3A_606 : vector<16xf32>
    %broadcast_in_dim3A_608 = arith.constant 9 : i32
    %broadcast_in_dim3A_609 = vector.broadcast %broadcast_in_dim3A_608 : i32 to vector<16xi32>
    %gather3A_610 = tpu.vector_load_idx %arg8[%add3A_572, %broadcast_in_dim3A_609] : memref<128x16xf32, #tpu.memory_space<vmem>>[vector<16xi32>, vector<16xi32>], vector<16xf32>,
    %add3A_611 = arith.addf %add3A_607, %gather3A_610 : vector<16xf32>
    %broadcast_in_dim3A_612 = arith.constant 10 : i32
    %broadcast_in_dim3A_613 = vector.broadcast %broadcast_in_dim3A_612 : i32 to vector<16xi32>
    %gather3A_614 = tpu.vector_load_idx %arg8[%add3A_572, %broadcast_in_dim3A_613] : memref<128x16xf32, #tpu.memory_space<vmem>>[vector<16xi32>, vector<16xi32>], vector<16xf32>,
    %add3A_615 = arith.addf %add3A_611, %gather3A_614 : vector<16xf32>
    %broadcast_in_dim3A_616 = arith.constant 11 : i32
    %broadcast_in_dim3A_617 = vector.broadcast %broadcast_in_dim3A_616 : i32 to vector<16xi32>
    %gather3A_618 = tpu.vector_load_idx %arg8[%add3A_572, %broadcast_in_dim3A_617] : memref<128x16xf32, #tpu.memory_space<vmem>>[vector<16xi32>, vector<16xi32>], vector<16xf32>,
    %add3A_619 = arith.addf %add3A_615, %gather3A_618 : vector<16xf32>
    %broadcast_in_dim3A_620 = arith.constant 12 : i32
    %broadcast_in_dim3A_621 = vector.broadcast %broadcast_in_dim3A_620 : i32 to vector<16xi32>
    %gather3A_622 = tpu.vector_load_idx %arg8[%add3A_572, %broadcast_in_dim3A_621] : memref<128x16xf32, #tpu.memory_space<vmem>>[vector<16xi32>, vector<16xi32>], vector<16xf32>,
    %add3A_623 = arith.addf %add3A_619, %gather3A_622 : vector<16xf32>
    %broadcast_in_dim3A_624 = arith.constant 13 : i32
    %broadcast_in_dim3A_625 = vector.broadcast %broadcast_in_dim3A_624 : i32 to vector<16xi32>
    %gather3A_626 = tpu.vector_load_idx %arg8[%add3A_572, %broadcast_in_dim3A_625] : memref<128x16xf32, #tpu.memory_space<vmem>>[vector<16xi32>, vector<16xi32>], vector<16xf32>,
    %add3A_627 = arith.addf %add3A_623, %gather3A_626 : vector<16xf32>
    %broadcast_in_dim3A_628 = arith.constant 14 : i32
    %broadcast_in_dim3A_629 = vector.broadcast %broadcast_in_dim3A_628 : i32 to vector<16xi32>
    %gather3A_630 = tpu.vector_load_idx %arg8[%add3A_572, %broadcast_in_dim3A_629] : memref<128x16xf32, #tpu.memory_space<vmem>>[vector<16xi32>, vector<16xi32>], vector<16xf32>,
    %add3A_631 = arith.addf %add3A_627, %gather3A_630 : vector<16xf32>
    %broadcast_in_dim3A_632 = arith.constant 15 : i32
    %broadcast_in_dim3A_633 = vector.broadcast %broadcast_in_dim3A_632 : i32 to vector<16xi32>
    %gather3A_634 = tpu.vector_load_idx %arg8[%add3A_572, %broadcast_in_dim3A_633] : memref<128x16xf32, #tpu.memory_space<vmem>>[vector<16xi32>, vector<16xi32>], vector<16xf32>,
    %add3A_635 = arith.addf %add3A_631, %gather3A_634 : vector<16xf32>
    %get3A_636 = arith.constant 0 : index
    %get3A_637 = tpu.vector_load %arg5[%get3A_636] {strides = array<i32>} : memref<128xi32, #tpu.memory_space<vmem>>, vector<16xi32>,
    %get3A_638 = arith.constant 0 : index
    %get3A_639 = tpu.vector_load %arg9[%get3A_638] {strides = array<i32>} : memref<128xf32, #tpu.memory_space<vmem>>, vector<16xf32>,
    %mul3A_640 = arith.constant -3.12519524E-6 : f32
    %mul3A_641 = vector.broadcast %mul3A_640 : f32 to vector<16xf32>
    %mul3A_642 = arith.mulf %mul3A_641, %add3A_635 : vector<16xf32>
    %mul3A_643 = arith.constant -0.899996876 : f32
    %mul3A_644 = vector.broadcast %mul3A_643 : f32 to vector<16xf32>
    %mul3A_645 = arith.mulf %mul3A_644, %get3A_639 : vector<16xf32>
    %add3A_646 = arith.addf %mul3A_642, %mul3A_645 : vector<16xf32>
    %ne3A = arith.constant 0 : i32
    %ne3A_647 = vector.broadcast %ne3A : i32 to vector<16xi32>
    %ne3A_648 = arith.cmpi ne, %get3A_637, %ne3A_647 : vector<16xi32>
    %jit3A_649 = arith.constant 0.000000e+00 : f32
    %broadcast_in_dim3A_650 = vector.broadcast %jit3A_649 : f32 to vector<16xf32>
    %select_n3A_651 = arith.select %ne3A_648, %add3A_646, %broadcast_in_dim3A_650 : vector<16xi1>, vector<16xf32>
    %add3A_652 = arith.addf %broadcast_in_dim3A_568, %select_n3A_651 : vector<16xf32>
    %iota3A_653 = tpu.iota {dimensions = array<i32: 0>} : vector<16xi32>
    %add3A_654 = arith.constant 16 : i32
    %add3A_655 = vector.broadcast %add3A_654 : i32 to vector<16xi32>
    %add3A_656 = arith.addi %add3A_655, %iota3A_653 : vector<16xi32>
    %broadcast_in_dim3A_657 = arith.constant 0 : i32
    %broadcast_in_dim3A_658 = vector.broadcast %broadcast_in_dim3A_657 : i32 to vector<16xi32>
    %gather3A_659 = tpu.vector_load_idx %arg8[%add3A_656, %broadcast_in_dim3A_658] : memref<128x16xf32, #tpu.memory_space<vmem>>[vector<16xi32>, vector<16xi32>], vector<16xf32>,
    %broadcast_in_dim3A_660 = arith.constant 1 : i32
    %broadcast_in_dim3A_661 = vector.broadcast %broadcast_in_dim3A_660 : i32 to vector<16xi32>
    %gather3A_662 = tpu.vector_load_idx %arg8[%add3A_656, %broadcast_in_dim3A_661] : memref<128x16xf32, #tpu.memory_space<vmem>>[vector<16xi32>, vector<16xi32>], vector<16xf32>,
    %add3A_663 = arith.addf %gather3A_659, %gather3A_662 : vector<16xf32>
    %broadcast_in_dim3A_664 = arith.constant 2 : i32
    %broadcast_in_dim3A_665 = vector.broadcast %broadcast_in_dim3A_664 : i32 to vector<16xi32>
    %gather3A_666 = tpu.vector_load_idx %arg8[%add3A_656, %broadcast_in_dim3A_665] : memref<128x16xf32, #tpu.memory_space<vmem>>[vector<16xi32>, vector<16xi32>], vector<16xf32>,
    %add3A_667 = arith.addf %add3A_663, %gather3A_666 : vector<16xf32>
    %broadcast_in_dim3A_668 = arith.constant 3 : i32
    %broadcast_in_dim3A_669 = vector.broadcast %broadcast_in_dim3A_668 : i32 to vector<16xi32>
    %gather3A_670 = tpu.vector_load_idx %arg8[%add3A_656, %broadcast_in_dim3A_669] : memref<128x16xf32, #tpu.memory_space<vmem>>[vector<16xi32>, vector<16xi32>], vector<16xf32>,
    %add3A_671 = arith.addf %add3A_667, %gather3A_670 : vector<16xf32>
    %broadcast_in_dim3A_672 = arith.constant 4 : i32
    %broadcast_in_dim3A_673 = vector.broadcast %broadcast_in_dim3A_672 : i32 to vector<16xi32>
    %gather3A_674 = tpu.vector_load_idx %arg8[%add3A_656, %broadcast_in_dim3A_673] : memref<128x16xf32, #tpu.memory_space<vmem>>[vector<16xi32>, vector<16xi32>], vector<16xf32>,
    %add3A_675 = arith.addf %add3A_671, %gather3A_674 : vector<16xf32>
    %broadcast_in_dim3A_676 = arith.constant 5 : i32
    %broadcast_in_dim3A_677 = vector.broadcast %broadcast_in_dim3A_676 : i32 to vector<16xi32>
    %gather3A_678 = tpu.vector_load_idx %arg8[%add3A_656, %broadcast_in_dim3A_677] : memref<128x16xf32, #tpu.memory_space<vmem>>[vector<16xi32>, vector<16xi32>], vector<16xf32>,
    %add3A_679 = arith.addf %add3A_675, %gather3A_678 : vector<16xf32>
    %broadcast_in_dim3A_680 = arith.constant 6 : i32
    %broadcast_in_dim3A_681 = vector.broadcast %broadcast_in_dim3A_680 : i32 to vector<16xi32>
    %gather3A_682 = tpu.vector_load_idx %arg8[%add3A_656, %broadcast_in_dim3A_681] : memref<128x16xf32, #tpu.memory_space<vmem>>[vector<16xi32>, vector<16xi32>], vector<16xf32>,
    %add3A_683 = arith.addf %add3A_679, %gather3A_682 : vector<16xf32>
    %broadcast_in_dim3A_684 = arith.constant 7 : i32
    %broadcast_in_dim3A_685 = vector.broadcast %broadcast_in_dim3A_684 : i32 to vector<16xi32>
    %gather3A_686 = tpu.vector_load_idx %arg8[%add3A_656, %broadcast_in_dim3A_685] : memref<128x16xf32, #tpu.memory_space<vmem>>[vector<16xi32>, vector<16xi32>], vector<16xf32>,
    %add3A_687 = arith.addf %add3A_683, %gather3A_686 : vector<16xf32>
    %broadcast_in_dim3A_688 = arith.constant 8 : i32
    %broadcast_in_dim3A_689 = vector.broadcast %broadcast_in_dim3A_688 : i32 to vector<16xi32>
    %gather3A_690 = tpu.vector_load_idx %arg8[%add3A_656, %broadcast_in_dim3A_689] : memref<128x16xf32, #tpu.memory_space<vmem>>[vector<16xi32>, vector<16xi32>], vector<16xf32>,
    %add3A_691 = arith.addf %add3A_687, %gather3A_690 : vector<16xf32>
    %broadcast_in_dim3A_692 = arith.constant 9 : i32
    %broadcast_in_dim3A_693 = vector.broadcast %broadcast_in_dim3A_692 : i32 to vector<16xi32>
    %gather3A_694 = tpu.vector_load_idx %arg8[%add3A_656, %broadcast_in_dim3A_693] : memref<128x16xf32, #tpu.memory_space<vmem>>[vector<16xi32>, vector<16xi32>], vector<16xf32>,
    %add3A_695 = arith.addf %add3A_691, %gather3A_694 : vector<16xf32>
    %broadcast_in_dim3A_696 = arith.constant 10 : i32
    %broadcast_in_dim3A_697 = vector.broadcast %broadcast_in_dim3A_696 : i32 to vector<16xi32>
    %gather3A_698 = tpu.vector_load_idx %arg8[%add3A_656, %broadcast_in_dim3A_697] : memref<128x16xf32, #tpu.memory_space<vmem>>[vector<16xi32>, vector<16xi32>], vector<16xf32>,
    %add3A_699 = arith.addf %add3A_695, %gather3A_698 : vector<16xf32>
    %broadcast_in_dim3A_700 = arith.constant 11 : i32
    %broadcast_in_dim3A_701 = vector.broadcast %broadcast_in_dim3A_700 : i32 to vector<16xi32>
    %gather3A_702 = tpu.vector_load_idx %arg8[%add3A_656, %broadcast_in_dim3A_701] : memref<128x16xf32, #tpu.memory_space<vmem>>[vector<16xi32>, vector<16xi32>], vector<16xf32>,
    %add3A_703 = arith.addf %add3A_699, %gather3A_702 : vector<16xf32>
    %broadcast_in_dim3A_704 = arith.constant 12 : i32
    %broadcast_in_dim3A_705 = vector.broadcast %broadcast_in_dim3A_704 : i32 to vector<16xi32>
    %gather3A_706 = tpu.vector_load_idx %arg8[%add3A_656, %broadcast_in_dim3A_705] : memref<128x16xf32, #tpu.memory_space<vmem>>[vector<16xi32>, vector<16xi32>], vector<16xf32>,
    %add3A_707 = arith.addf %add3A_703, %gather3A_706 : vector<16xf32>
    %broadcast_in_dim3A_708 = arith.constant 13 : i32
    %broadcast_in_dim3A_709 = vector.broadcast %broadcast_in_dim3A_708 : i32 to vector<16xi32>
    %gather3A_710 = tpu.vector_load_idx %arg8[%add3A_656, %broadcast_in_dim3A_709] : memref<128x16xf32, #tpu.memory_space<vmem>>[vector<16xi32>, vector<16xi32>], vector<16xf32>,
    %add3A_711 = arith.addf %add3A_707, %gather3A_710 : vector<16xf32>
    %broadcast_in_dim3A_712 = arith.constant 14 : i32
    %broadcast_in_dim3A_713 = vector.broadcast %broadcast_in_dim3A_712 : i32 to vector<16xi32>
    %gather3A_714 = tpu.vector_load_idx %arg8[%add3A_656, %broadcast_in_dim3A_713] : memref<128x16xf32, #tpu.memory_space<vmem>>[vector<16xi32>, vector<16xi32>], vector<16xf32>,
    %add3A_715 = arith.addf %add3A_711, %gather3A_714 : vector<16xf32>
    %broadcast_in_dim3A_716 = arith.constant 15 : i32
    %broadcast_in_dim3A_717 = vector.broadcast %broadcast_in_dim3A_716 : i32 to vector<16xi32>
    %gather3A_718 = tpu.vector_load_idx %arg8[%add3A_656, %broadcast_in_dim3A_717] : memref<128x16xf32, #tpu.memory_space<vmem>>[vector<16xi32>, vector<16xi32>], vector<16xf32>,
    %add3A_719 = arith.addf %add3A_715, %gather3A_718 : vector<16xf32>
    %get3A_720 = arith.constant 16 : index
    %get3A_721 = tpu.vector_load %arg5[%get3A_720] {strides = array<i32>} : memref<128xi32, #tpu.memory_space<vmem>>, vector<16xi32>,
    %get3A_722 = arith.constant 16 : index
    %get3A_723 = tpu.vector_load %arg9[%get3A_722] {strides = array<i32>} : memref<128xf32, #tpu.memory_space<vmem>>, vector<16xf32>,
    %mul3A_724 = arith.constant -3.12519524E-6 : f32
    %mul3A_725 = vector.broadcast %mul3A_724 : f32 to vector<16xf32>
    %mul3A_726 = arith.mulf %mul3A_725, %add3A_719 : vector<16xf32>
    %mul3A_727 = arith.constant -0.899996876 : f32
    %mul3A_728 = vector.broadcast %mul3A_727 : f32 to vector<16xf32>
    %mul3A_729 = arith.mulf %mul3A_728, %get3A_723 : vector<16xf32>
    %add3A_730 = arith.addf %mul3A_726, %mul3A_729 : vector<16xf32>
    %ne3A_731 = arith.constant 0 : i32
    %ne3A_732 = vector.broadcast %ne3A_731 : i32 to vector<16xi32>
    %ne3A_733 = arith.cmpi ne, %get3A_721, %ne3A_732 : vector<16xi32>
    %jit3A_734 = arith.constant 0.000000e+00 : f32
    %broadcast_in_dim3A_735 = vector.broadcast %jit3A_734 : f32 to vector<16xf32>
    %select_n3A_736 = arith.select %ne3A_733, %add3A_730, %broadcast_in_dim3A_735 : vector<16xi1>, vector<16xf32>
    %add3A_737 = arith.addf %add3A_652, %select_n3A_736 : vector<16xf32>
    %iota3A_738 = tpu.iota {dimensions = array<i32: 0>} : vector<16xi32>
    %add3A_739 = arith.constant 32 : i32
    %add3A_740 = vector.broadcast %add3A_739 : i32 to vector<16xi32>
    %add3A_741 = arith.addi %add3A_740, %iota3A_738 : vector<16xi32>
    %broadcast_in_dim3A_742 = arith.constant 0 : i32
    %broadcast_in_dim3A_743 = vector.broadcast %broadcast_in_dim3A_742 : i32 to vector<16xi32>
    %gather3A_744 = tpu.vector_load_idx %arg8[%add3A_741, %broadcast_in_dim3A_743] : memref<128x16xf32, #tpu.memory_space<vmem>>[vector<16xi32>, vector<16xi32>], vector<16xf32>,
    %broadcast_in_dim3A_745 = arith.constant 1 : i32
    %broadcast_in_dim3A_746 = vector.broadcast %broadcast_in_dim3A_745 : i32 to vector<16xi32>
    %gather3A_747 = tpu.vector_load_idx %arg8[%add3A_741, %broadcast_in_dim3A_746] : memref<128x16xf32, #tpu.memory_space<vmem>>[vector<16xi32>, vector<16xi32>], vector<16xf32>,
    %add3A_748 = arith.addf %gather3A_744, %gather3A_747 : vector<16xf32>
    %broadcast_in_dim3A_749 = arith.constant 2 : i32
    %broadcast_in_dim3A_750 = vector.broadcast %broadcast_in_dim3A_749 : i32 to vector<16xi32>
    %gather3A_751 = tpu.vector_load_idx %arg8[%add3A_741, %broadcast_in_dim3A_750] : memref<128x16xf32, #tpu.memory_space<vmem>>[vector<16xi32>, vector<16xi32>], vector<16xf32>,
    %add3A_752 = arith.addf %add3A_748, %gather3A_751 : vector<16xf32>
    %broadcast_in_dim3A_753 = arith.constant 3 : i32
    %broadcast_in_dim3A_754 = vector.broadcast %broadcast_in_dim3A_753 : i32 to vector<16xi32>
    %gather3A_755 = tpu.vector_load_idx %arg8[%add3A_741, %broadcast_in_dim3A_754] : memref<128x16xf32, #tpu.memory_space<vmem>>[vector<16xi32>, vector<16xi32>], vector<16xf32>,
    %add3A_756 = arith.addf %add3A_752, %gather3A_755 : vector<16xf32>
    %broadcast_in_dim3A_757 = arith.constant 4 : i32
    %broadcast_in_dim3A_758 = vector.broadcast %broadcast_in_dim3A_757 : i32 to vector<16xi32>
    %gather3A_759 = tpu.vector_load_idx %arg8[%add3A_741, %broadcast_in_dim3A_758] : memref<128x16xf32, #tpu.memory_space<vmem>>[vector<16xi32>, vector<16xi32>], vector<16xf32>,
    %add3A_760 = arith.addf %add3A_756, %gather3A_759 : vector<16xf32>
    %broadcast_in_dim3A_761 = arith.constant 5 : i32
    %broadcast_in_dim3A_762 = vector.broadcast %broadcast_in_dim3A_761 : i32 to vector<16xi32>
    %gather3A_763 = tpu.vector_load_idx %arg8[%add3A_741, %broadcast_in_dim3A_762] : memref<128x16xf32, #tpu.memory_space<vmem>>[vector<16xi32>, vector<16xi32>], vector<16xf32>,
    %add3A_764 = arith.addf %add3A_760, %gather3A_763 : vector<16xf32>
    %broadcast_in_dim3A_765 = arith.constant 6 : i32
    %broadcast_in_dim3A_766 = vector.broadcast %broadcast_in_dim3A_765 : i32 to vector<16xi32>
    %gather3A_767 = tpu.vector_load_idx %arg8[%add3A_741, %broadcast_in_dim3A_766] : memref<128x16xf32, #tpu.memory_space<vmem>>[vector<16xi32>, vector<16xi32>], vector<16xf32>,
    %add3A_768 = arith.addf %add3A_764, %gather3A_767 : vector<16xf32>
    %broadcast_in_dim3A_769 = arith.constant 7 : i32
    %broadcast_in_dim3A_770 = vector.broadcast %broadcast_in_dim3A_769 : i32 to vector<16xi32>
    %gather3A_771 = tpu.vector_load_idx %arg8[%add3A_741, %broadcast_in_dim3A_770] : memref<128x16xf32, #tpu.memory_space<vmem>>[vector<16xi32>, vector<16xi32>], vector<16xf32>,
    %add3A_772 = arith.addf %add3A_768, %gather3A_771 : vector<16xf32>
    %broadcast_in_dim3A_773 = arith.constant 8 : i32
    %broadcast_in_dim3A_774 = vector.broadcast %broadcast_in_dim3A_773 : i32 to vector<16xi32>
    %gather3A_775 = tpu.vector_load_idx %arg8[%add3A_741, %broadcast_in_dim3A_774] : memref<128x16xf32, #tpu.memory_space<vmem>>[vector<16xi32>, vector<16xi32>], vector<16xf32>,
    %add3A_776 = arith.addf %add3A_772, %gather3A_775 : vector<16xf32>
    %broadcast_in_dim3A_777 = arith.constant 9 : i32
    %broadcast_in_dim3A_778 = vector.broadcast %broadcast_in_dim3A_777 : i32 to vector<16xi32>
    %gather3A_779 = tpu.vector_load_idx %arg8[%add3A_741, %broadcast_in_dim3A_778] : memref<128x16xf32, #tpu.memory_space<vmem>>[vector<16xi32>, vector<16xi32>], vector<16xf32>,
    %add3A_780 = arith.addf %add3A_776, %gather3A_779 : vector<16xf32>
    %broadcast_in_dim3A_781 = arith.constant 10 : i32
    %broadcast_in_dim3A_782 = vector.broadcast %broadcast_in_dim3A_781 : i32 to vector<16xi32>
    %gather3A_783 = tpu.vector_load_idx %arg8[%add3A_741, %broadcast_in_dim3A_782] : memref<128x16xf32, #tpu.memory_space<vmem>>[vector<16xi32>, vector<16xi32>], vector<16xf32>,
    %add3A_784 = arith.addf %add3A_780, %gather3A_783 : vector<16xf32>
    %broadcast_in_dim3A_785 = arith.constant 11 : i32
    %broadcast_in_dim3A_786 = vector.broadcast %broadcast_in_dim3A_785 : i32 to vector<16xi32>
    %gather3A_787 = tpu.vector_load_idx %arg8[%add3A_741, %broadcast_in_dim3A_786] : memref<128x16xf32, #tpu.memory_space<vmem>>[vector<16xi32>, vector<16xi32>], vector<16xf32>,
    %add3A_788 = arith.addf %add3A_784, %gather3A_787 : vector<16xf32>
    %broadcast_in_dim3A_789 = arith.constant 12 : i32
    %broadcast_in_dim3A_790 = vector.broadcast %broadcast_in_dim3A_789 : i32 to vector<16xi32>
    %gather3A_791 = tpu.vector_load_idx %arg8[%add3A_741, %broadcast_in_dim3A_790] : memref<128x16xf32, #tpu.memory_space<vmem>>[vector<16xi32>, vector<16xi32>], vector<16xf32>,
    %add3A_792 = arith.addf %add3A_788, %gather3A_791 : vector<16xf32>
    %broadcast_in_dim3A_793 = arith.constant 13 : i32
    %broadcast_in_dim3A_794 = vector.broadcast %broadcast_in_dim3A_793 : i32 to vector<16xi32>
    %gather3A_795 = tpu.vector_load_idx %arg8[%add3A_741, %broadcast_in_dim3A_794] : memref<128x16xf32, #tpu.memory_space<vmem>>[vector<16xi32>, vector<16xi32>], vector<16xf32>,
    %add3A_796 = arith.addf %add3A_792, %gather3A_795 : vector<16xf32>
    %broadcast_in_dim3A_797 = arith.constant 14 : i32
    %broadcast_in_dim3A_798 = vector.broadcast %broadcast_in_dim3A_797 : i32 to vector<16xi32>
    %gather3A_799 = tpu.vector_load_idx %arg8[%add3A_741, %broadcast_in_dim3A_798] : memref<128x16xf32, #tpu.memory_space<vmem>>[vector<16xi32>, vector<16xi32>], vector<16xf32>,
    %add3A_800 = arith.addf %add3A_796, %gather3A_799 : vector<16xf32>
    %broadcast_in_dim3A_801 = arith.constant 15 : i32
    %broadcast_in_dim3A_802 = vector.broadcast %broadcast_in_dim3A_801 : i32 to vector<16xi32>
    %gather3A_803 = tpu.vector_load_idx %arg8[%add3A_741, %broadcast_in_dim3A_802] : memref<128x16xf32, #tpu.memory_space<vmem>>[vector<16xi32>, vector<16xi32>], vector<16xf32>,
    %add3A_804 = arith.addf %add3A_800, %gather3A_803 : vector<16xf32>
    %get3A_805 = arith.constant 32 : index
    %get3A_806 = tpu.vector_load %arg5[%get3A_805] {strides = array<i32>} : memref<128xi32, #tpu.memory_space<vmem>>, vector<16xi32>,
    %get3A_807 = arith.constant 32 : index
    %get3A_808 = tpu.vector_load %arg9[%get3A_807] {strides = array<i32>} : memref<128xf32, #tpu.memory_space<vmem>>, vector<16xf32>,
    %mul3A_809 = arith.constant -3.12519524E-6 : f32
    %mul3A_810 = vector.broadcast %mul3A_809 : f32 to vector<16xf32>
    %mul3A_811 = arith.mulf %mul3A_810, %add3A_804 : vector<16xf32>
    %mul3A_812 = arith.constant -0.899996876 : f32
    %mul3A_813 = vector.broadcast %mul3A_812 : f32 to vector<16xf32>
    %mul3A_814 = arith.mulf %mul3A_813, %get3A_808 : vector<16xf32>
    %add3A_815 = arith.addf %mul3A_811, %mul3A_814 : vector<16xf32>
    %ne3A_816 = arith.constant 0 : i32
    %ne3A_817 = vector.broadcast %ne3A_816 : i32 to vector<16xi32>
    %ne3A_818 = arith.cmpi ne, %get3A_806, %ne3A_817 : vector<16xi32>
    %jit3A_819 = arith.constant 0.000000e+00 : f32
    %broadcast_in_dim3A_820 = vector.broadcast %jit3A_819 : f32 to vector<16xf32>
    %select_n3A_821 = arith.select %ne3A_818, %add3A_815, %broadcast_in_dim3A_820 : vector<16xi1>, vector<16xf32>
    %add3A_822 = arith.addf %add3A_737, %select_n3A_821 : vector<16xf32>
    %iota3A_823 = tpu.iota {dimensions = array<i32: 0>} : vector<16xi32>
    %add3A_824 = arith.constant 48 : i32
    %add3A_825 = vector.broadcast %add3A_824 : i32 to vector<16xi32>
    %add3A_826 = arith.addi %add3A_825, %iota3A_823 : vector<16xi32>
    %broadcast_in_dim3A_827 = arith.constant 0 : i32
    %broadcast_in_dim3A_828 = vector.broadcast %broadcast_in_dim3A_827 : i32 to vector<16xi32>
    %gather3A_829 = tpu.vector_load_idx %arg8[%add3A_826, %broadcast_in_dim3A_828] : memref<128x16xf32, #tpu.memory_space<vmem>>[vector<16xi32>, vector<16xi32>], vector<16xf32>,
    %broadcast_in_dim3A_830 = arith.constant 1 : i32
    %broadcast_in_dim3A_831 = vector.broadcast %broadcast_in_dim3A_830 : i32 to vector<16xi32>
    %gather3A_832 = tpu.vector_load_idx %arg8[%add3A_826, %broadcast_in_dim3A_831] : memref<128x16xf32, #tpu.memory_space<vmem>>[vector<16xi32>, vector<16xi32>], vector<16xf32>,
    %add3A_833 = arith.addf %gather3A_829, %gather3A_832 : vector<16xf32>
    %broadcast_in_dim3A_834 = arith.constant 2 : i32
    %broadcast_in_dim3A_835 = vector.broadcast %broadcast_in_dim3A_834 : i32 to vector<16xi32>
    %gather3A_836 = tpu.vector_load_idx %arg8[%add3A_826, %broadcast_in_dim3A_835] : memref<128x16xf32, #tpu.memory_space<vmem>>[vector<16xi32>, vector<16xi32>], vector<16xf32>,
    %add3A_837 = arith.addf %add3A_833, %gather3A_836 : vector<16xf32>
    %broadcast_in_dim3A_838 = arith.constant 3 : i32
    %broadcast_in_dim3A_839 = vector.broadcast %broadcast_in_dim3A_838 : i32 to vector<16xi32>
    %gather3A_840 = tpu.vector_load_idx %arg8[%add3A_826, %broadcast_in_dim3A_839] : memref<128x16xf32, #tpu.memory_space<vmem>>[vector<16xi32>, vector<16xi32>], vector<16xf32>,
    %add3A_841 = arith.addf %add3A_837, %gather3A_840 : vector<16xf32>
    %broadcast_in_dim3A_842 = arith.constant 4 : i32
    %broadcast_in_dim3A_843 = vector.broadcast %broadcast_in_dim3A_842 : i32 to vector<16xi32>
    %gather3A_844 = tpu.vector_load_idx %arg8[%add3A_826, %broadcast_in_dim3A_843] : memref<128x16xf32, #tpu.memory_space<vmem>>[vector<16xi32>, vector<16xi32>], vector<16xf32>,
    %add3A_845 = arith.addf %add3A_841, %gather3A_844 : vector<16xf32>
    %broadcast_in_dim3A_846 = arith.constant 5 : i32
    %broadcast_in_dim3A_847 = vector.broadcast %broadcast_in_dim3A_846 : i32 to vector<16xi32>
    %gather3A_848 = tpu.vector_load_idx %arg8[%add3A_826, %broadcast_in_dim3A_847] : memref<128x16xf32, #tpu.memory_space<vmem>>[vector<16xi32>, vector<16xi32>], vector<16xf32>,
    %add3A_849 = arith.addf %add3A_845, %gather3A_848 : vector<16xf32>
    %broadcast_in_dim3A_850 = arith.constant 6 : i32
    %broadcast_in_dim3A_851 = vector.broadcast %broadcast_in_dim3A_850 : i32 to vector<16xi32>
    %gather3A_852 = tpu.vector_load_idx %arg8[%add3A_826, %broadcast_in_dim3A_851] : memref<128x16xf32, #tpu.memory_space<vmem>>[vector<16xi32>, vector<16xi32>], vector<16xf32>,
    %add3A_853 = arith.addf %add3A_849, %gather3A_852 : vector<16xf32>
    %broadcast_in_dim3A_854 = arith.constant 7 : i32
    %broadcast_in_dim3A_855 = vector.broadcast %broadcast_in_dim3A_854 : i32 to vector<16xi32>
    %gather3A_856 = tpu.vector_load_idx %arg8[%add3A_826, %broadcast_in_dim3A_855] : memref<128x16xf32, #tpu.memory_space<vmem>>[vector<16xi32>, vector<16xi32>], vector<16xf32>,
    %add3A_857 = arith.addf %add3A_853, %gather3A_856 : vector<16xf32>
    %broadcast_in_dim3A_858 = arith.constant 8 : i32
    %broadcast_in_dim3A_859 = vector.broadcast %broadcast_in_dim3A_858 : i32 to vector<16xi32>
    %gather3A_860 = tpu.vector_load_idx %arg8[%add3A_826, %broadcast_in_dim3A_859] : memref<128x16xf32, #tpu.memory_space<vmem>>[vector<16xi32>, vector<16xi32>], vector<16xf32>,
    %add3A_861 = arith.addf %add3A_857, %gather3A_860 : vector<16xf32>
    %broadcast_in_dim3A_862 = arith.constant 9 : i32
    %broadcast_in_dim3A_863 = vector.broadcast %broadcast_in_dim3A_862 : i32 to vector<16xi32>
    %gather3A_864 = tpu.vector_load_idx %arg8[%add3A_826, %broadcast_in_dim3A_863] : memref<128x16xf32, #tpu.memory_space<vmem>>[vector<16xi32>, vector<16xi32>], vector<16xf32>,
    %add3A_865 = arith.addf %add3A_861, %gather3A_864 : vector<16xf32>
    %broadcast_in_dim3A_866 = arith.constant 10 : i32
    %broadcast_in_dim3A_867 = vector.broadcast %broadcast_in_dim3A_866 : i32 to vector<16xi32>
    %gather3A_868 = tpu.vector_load_idx %arg8[%add3A_826, %broadcast_in_dim3A_867] : memref<128x16xf32, #tpu.memory_space<vmem>>[vector<16xi32>, vector<16xi32>], vector<16xf32>,
    %add3A_869 = arith.addf %add3A_865, %gather3A_868 : vector<16xf32>
    %broadcast_in_dim3A_870 = arith.constant 11 : i32
    %broadcast_in_dim3A_871 = vector.broadcast %broadcast_in_dim3A_870 : i32 to vector<16xi32>
    %gather3A_872 = tpu.vector_load_idx %arg8[%add3A_826, %broadcast_in_dim3A_871] : memref<128x16xf32, #tpu.memory_space<vmem>>[vector<16xi32>, vector<16xi32>], vector<16xf32>,
    %add3A_873 = arith.addf %add3A_869, %gather3A_872 : vector<16xf32>
    %broadcast_in_dim3A_874 = arith.constant 12 : i32
    %broadcast_in_dim3A_875 = vector.broadcast %broadcast_in_dim3A_874 : i32 to vector<16xi32>
    %gather3A_876 = tpu.vector_load_idx %arg8[%add3A_826, %broadcast_in_dim3A_875] : memref<128x16xf32, #tpu.memory_space<vmem>>[vector<16xi32>, vector<16xi32>], vector<16xf32>,
    %add3A_877 = arith.addf %add3A_873, %gather3A_876 : vector<16xf32>
    %broadcast_in_dim3A_878 = arith.constant 13 : i32
    %broadcast_in_dim3A_879 = vector.broadcast %broadcast_in_dim3A_878 : i32 to vector<16xi32>
    %gather3A_880 = tpu.vector_load_idx %arg8[%add3A_826, %broadcast_in_dim3A_879] : memref<128x16xf32, #tpu.memory_space<vmem>>[vector<16xi32>, vector<16xi32>], vector<16xf32>,
    %add3A_881 = arith.addf %add3A_877, %gather3A_880 : vector<16xf32>
    %broadcast_in_dim3A_882 = arith.constant 14 : i32
    %broadcast_in_dim3A_883 = vector.broadcast %broadcast_in_dim3A_882 : i32 to vector<16xi32>
    %gather3A_884 = tpu.vector_load_idx %arg8[%add3A_826, %broadcast_in_dim3A_883] : memref<128x16xf32, #tpu.memory_space<vmem>>[vector<16xi32>, vector<16xi32>], vector<16xf32>,
    %add3A_885 = arith.addf %add3A_881, %gather3A_884 : vector<16xf32>
    %broadcast_in_dim3A_886 = arith.constant 15 : i32
    %broadcast_in_dim3A_887 = vector.broadcast %broadcast_in_dim3A_886 : i32 to vector<16xi32>
    %gather3A_888 = tpu.vector_load_idx %arg8[%add3A_826, %broadcast_in_dim3A_887] : memref<128x16xf32, #tpu.memory_space<vmem>>[vector<16xi32>, vector<16xi32>], vector<16xf32>,
    %add3A_889 = arith.addf %add3A_885, %gather3A_888 : vector<16xf32>
    %get3A_890 = arith.constant 48 : index
    %get3A_891 = tpu.vector_load %arg5[%get3A_890] {strides = array<i32>} : memref<128xi32, #tpu.memory_space<vmem>>, vector<16xi32>,
    %get3A_892 = arith.constant 48 : index
    %get3A_893 = tpu.vector_load %arg9[%get3A_892] {strides = array<i32>} : memref<128xf32, #tpu.memory_space<vmem>>, vector<16xf32>,
    %mul3A_894 = arith.constant -3.12519524E-6 : f32
    %mul3A_895 = vector.broadcast %mul3A_894 : f32 to vector<16xf32>
    %mul3A_896 = arith.mulf %mul3A_895, %add3A_889 : vector<16xf32>
    %mul3A_897 = arith.constant -0.899996876 : f32
    %mul3A_898 = vector.broadcast %mul3A_897 : f32 to vector<16xf32>
    %mul3A_899 = arith.mulf %mul3A_898, %get3A_893 : vector<16xf32>
    %add3A_900 = arith.addf %mul3A_896, %mul3A_899 : vector<16xf32>
    %ne3A_901 = arith.constant 0 : i32
    %ne3A_902 = vector.broadcast %ne3A_901 : i32 to vector<16xi32>
    %ne3A_903 = arith.cmpi ne, %get3A_891, %ne3A_902 : vector<16xi32>
    %jit3A_904 = arith.constant 0.000000e+00 : f32
    %broadcast_in_dim3A_905 = vector.broadcast %jit3A_904 : f32 to vector<16xf32>
    %select_n3A_906 = arith.select %ne3A_903, %add3A_900, %broadcast_in_dim3A_905 : vector<16xi1>, vector<16xf32>
    %add3A_907 = arith.addf %add3A_822, %select_n3A_906 : vector<16xf32>
    %iota3A_908 = tpu.iota {dimensions = array<i32: 0>} : vector<16xi32>
    %add3A_909 = arith.constant 64 : i32
    %add3A_910 = vector.broadcast %add3A_909 : i32 to vector<16xi32>
    %add3A_911 = arith.addi %add3A_910, %iota3A_908 : vector<16xi32>
    %broadcast_in_dim3A_912 = arith.constant 0 : i32
    %broadcast_in_dim3A_913 = vector.broadcast %broadcast_in_dim3A_912 : i32 to vector<16xi32>
    %gather3A_914 = tpu.vector_load_idx %arg8[%add3A_911, %broadcast_in_dim3A_913] : memref<128x16xf32, #tpu.memory_space<vmem>>[vector<16xi32>, vector<16xi32>], vector<16xf32>,
    %broadcast_in_dim3A_915 = arith.constant 1 : i32
    %broadcast_in_dim3A_916 = vector.broadcast %broadcast_in_dim3A_915 : i32 to vector<16xi32>
    %gather3A_917 = tpu.vector_load_idx %arg8[%add3A_911, %broadcast_in_dim3A_916] : memref<128x16xf32, #tpu.memory_space<vmem>>[vector<16xi32>, vector<16xi32>], vector<16xf32>,
    %add3A_918 = arith.addf %gather3A_914, %gather3A_917 : vector<16xf32>
    %broadcast_in_dim3A_919 = arith.constant 2 : i32
    %broadcast_in_dim3A_920 = vector.broadcast %broadcast_in_dim3A_919 : i32 to vector<16xi32>
    %gather3A_921 = tpu.vector_load_idx %arg8[%add3A_911, %broadcast_in_dim3A_920] : memref<128x16xf32, #tpu.memory_space<vmem>>[vector<16xi32>, vector<16xi32>], vector<16xf32>,
    %add3A_922 = arith.addf %add3A_918, %gather3A_921 : vector<16xf32>
    %broadcast_in_dim3A_923 = arith.constant 3 : i32
    %broadcast_in_dim3A_924 = vector.broadcast %broadcast_in_dim3A_923 : i32 to vector<16xi32>
    %gather3A_925 = tpu.vector_load_idx %arg8[%add3A_911, %broadcast_in_dim3A_924] : memref<128x16xf32, #tpu.memory_space<vmem>>[vector<16xi32>, vector<16xi32>], vector<16xf32>,
    %add3A_926 = arith.addf %add3A_922, %gather3A_925 : vector<16xf32>
    %broadcast_in_dim3A_927 = arith.constant 4 : i32
    %broadcast_in_dim3A_928 = vector.broadcast %broadcast_in_dim3A_927 : i32 to vector<16xi32>
    %gather3A_929 = tpu.vector_load_idx %arg8[%add3A_911, %broadcast_in_dim3A_928] : memref<128x16xf32, #tpu.memory_space<vmem>>[vector<16xi32>, vector<16xi32>], vector<16xf32>,
    %add3A_930 = arith.addf %add3A_926, %gather3A_929 : vector<16xf32>
    %broadcast_in_dim3A_931 = arith.constant 5 : i32
    %broadcast_in_dim3A_932 = vector.broadcast %broadcast_in_dim3A_931 : i32 to vector<16xi32>
    %gather3A_933 = tpu.vector_load_idx %arg8[%add3A_911, %broadcast_in_dim3A_932] : memref<128x16xf32, #tpu.memory_space<vmem>>[vector<16xi32>, vector<16xi32>], vector<16xf32>,
    %add3A_934 = arith.addf %add3A_930, %gather3A_933 : vector<16xf32>
    %broadcast_in_dim3A_935 = arith.constant 6 : i32
    %broadcast_in_dim3A_936 = vector.broadcast %broadcast_in_dim3A_935 : i32 to vector<16xi32>
    %gather3A_937 = tpu.vector_load_idx %arg8[%add3A_911, %broadcast_in_dim3A_936] : memref<128x16xf32, #tpu.memory_space<vmem>>[vector<16xi32>, vector<16xi32>], vector<16xf32>,
    %add3A_938 = arith.addf %add3A_934, %gather3A_937 : vector<16xf32>
    %broadcast_in_dim3A_939 = arith.constant 7 : i32
    %broadcast_in_dim3A_940 = vector.broadcast %broadcast_in_dim3A_939 : i32 to vector<16xi32>
    %gather3A_941 = tpu.vector_load_idx %arg8[%add3A_911, %broadcast_in_dim3A_940] : memref<128x16xf32, #tpu.memory_space<vmem>>[vector<16xi32>, vector<16xi32>], vector<16xf32>,
    %add3A_942 = arith.addf %add3A_938, %gather3A_941 : vector<16xf32>
    %broadcast_in_dim3A_943 = arith.constant 8 : i32
    %broadcast_in_dim3A_944 = vector.broadcast %broadcast_in_dim3A_943 : i32 to vector<16xi32>
    %gather3A_945 = tpu.vector_load_idx %arg8[%add3A_911, %broadcast_in_dim3A_944] : memref<128x16xf32, #tpu.memory_space<vmem>>[vector<16xi32>, vector<16xi32>], vector<16xf32>,
    %add3A_946 = arith.addf %add3A_942, %gather3A_945 : vector<16xf32>
    %broadcast_in_dim3A_947 = arith.constant 9 : i32
    %broadcast_in_dim3A_948 = vector.broadcast %broadcast_in_dim3A_947 : i32 to vector<16xi32>
    %gather3A_949 = tpu.vector_load_idx %arg8[%add3A_911, %broadcast_in_dim3A_948] : memref<128x16xf32, #tpu.memory_space<vmem>>[vector<16xi32>, vector<16xi32>], vector<16xf32>,
    %add3A_950 = arith.addf %add3A_946, %gather3A_949 : vector<16xf32>
    %broadcast_in_dim3A_951 = arith.constant 10 : i32
    %broadcast_in_dim3A_952 = vector.broadcast %broadcast_in_dim3A_951 : i32 to vector<16xi32>
    %gather3A_953 = tpu.vector_load_idx %arg8[%add3A_911, %broadcast_in_dim3A_952] : memref<128x16xf32, #tpu.memory_space<vmem>>[vector<16xi32>, vector<16xi32>], vector<16xf32>,
    %add3A_954 = arith.addf %add3A_950, %gather3A_953 : vector<16xf32>
    %broadcast_in_dim3A_955 = arith.constant 11 : i32
    %broadcast_in_dim3A_956 = vector.broadcast %broadcast_in_dim3A_955 : i32 to vector<16xi32>
    %gather3A_957 = tpu.vector_load_idx %arg8[%add3A_911, %broadcast_in_dim3A_956] : memref<128x16xf32, #tpu.memory_space<vmem>>[vector<16xi32>, vector<16xi32>], vector<16xf32>,
    %add3A_958 = arith.addf %add3A_954, %gather3A_957 : vector<16xf32>
    %broadcast_in_dim3A_959 = arith.constant 12 : i32
    %broadcast_in_dim3A_960 = vector.broadcast %broadcast_in_dim3A_959 : i32 to vector<16xi32>
    %gather3A_961 = tpu.vector_load_idx %arg8[%add3A_911, %broadcast_in_dim3A_960] : memref<128x16xf32, #tpu.memory_space<vmem>>[vector<16xi32>, vector<16xi32>], vector<16xf32>,
    %add3A_962 = arith.addf %add3A_958, %gather3A_961 : vector<16xf32>
    %broadcast_in_dim3A_963 = arith.constant 13 : i32
    %broadcast_in_dim3A_964 = vector.broadcast %broadcast_in_dim3A_963 : i32 to vector<16xi32>
    %gather3A_965 = tpu.vector_load_idx %arg8[%add3A_911, %broadcast_in_dim3A_964] : memref<128x16xf32, #tpu.memory_space<vmem>>[vector<16xi32>, vector<16xi32>], vector<16xf32>,
    %add3A_966 = arith.addf %add3A_962, %gather3A_965 : vector<16xf32>
    %broadcast_in_dim3A_967 = arith.constant 14 : i32
    %broadcast_in_dim3A_968 = vector.broadcast %broadcast_in_dim3A_967 : i32 to vector<16xi32>
    %gather3A_969 = tpu.vector_load_idx %arg8[%add3A_911, %broadcast_in_dim3A_968] : memref<128x16xf32, #tpu.memory_space<vmem>>[vector<16xi32>, vector<16xi32>], vector<16xf32>,
    %add3A_970 = arith.addf %add3A_966, %gather3A_969 : vector<16xf32>
    %broadcast_in_dim3A_971 = arith.constant 15 : i32
    %broadcast_in_dim3A_972 = vector.broadcast %broadcast_in_dim3A_971 : i32 to vector<16xi32>
    %gather3A_973 = tpu.vector_load_idx %arg8[%add3A_911, %broadcast_in_dim3A_972] : memref<128x16xf32, #tpu.memory_space<vmem>>[vector<16xi32>, vector<16xi32>], vector<16xf32>,
    %add3A_974 = arith.addf %add3A_970, %gather3A_973 : vector<16xf32>
    %get3A_975 = arith.constant 64 : index
    %get3A_976 = tpu.vector_load %arg5[%get3A_975] {strides = array<i32>} : memref<128xi32, #tpu.memory_space<vmem>>, vector<16xi32>,
    %get3A_977 = arith.constant 64 : index
    %get3A_978 = tpu.vector_load %arg9[%get3A_977] {strides = array<i32>} : memref<128xf32, #tpu.memory_space<vmem>>, vector<16xf32>,
    %mul3A_979 = arith.constant -3.12519524E-6 : f32
    %mul3A_980 = vector.broadcast %mul3A_979 : f32 to vector<16xf32>
    %mul3A_981 = arith.mulf %mul3A_980, %add3A_974 : vector<16xf32>
    %mul3A_982 = arith.constant -0.899996876 : f32
    %mul3A_983 = vector.broadcast %mul3A_982 : f32 to vector<16xf32>
    %mul3A_984 = arith.mulf %mul3A_983, %get3A_978 : vector<16xf32>
    %add3A_985 = arith.addf %mul3A_981, %mul3A_984 : vector<16xf32>
    %ne3A_986 = arith.constant 0 : i32
    %ne3A_987 = vector.broadcast %ne3A_986 : i32 to vector<16xi32>
    %ne3A_988 = arith.cmpi ne, %get3A_976, %ne3A_987 : vector<16xi32>
    %jit3A_989 = arith.constant 0.000000e+00 : f32
    %broadcast_in_dim3A_990 = vector.broadcast %jit3A_989 : f32 to vector<16xf32>
    %select_n3A_991 = arith.select %ne3A_988, %add3A_985, %broadcast_in_dim3A_990 : vector<16xi1>, vector<16xf32>
    %add3A_992 = arith.addf %add3A_907, %select_n3A_991 : vector<16xf32>
    %iota3A_993 = tpu.iota {dimensions = array<i32: 0>} : vector<16xi32>
    %add3A_994 = arith.constant 80 : i32
    %add3A_995 = vector.broadcast %add3A_994 : i32 to vector<16xi32>
    %add3A_996 = arith.addi %add3A_995, %iota3A_993 : vector<16xi32>
    %broadcast_in_dim3A_997 = arith.constant 0 : i32
    %broadcast_in_dim3A_998 = vector.broadcast %broadcast_in_dim3A_997 : i32 to vector<16xi32>
    %gather3A_999 = tpu.vector_load_idx %arg8[%add3A_996, %broadcast_in_dim3A_998] : memref<128x16xf32, #tpu.memory_space<vmem>>[vector<16xi32>, vector<16xi32>], vector<16xf32>,
    %broadcast_in_dim3A_1000 = arith.constant 1 : i32
    %broadcast_in_dim3A_1001 = vector.broadcast %broadcast_in_dim3A_1000 : i32 to vector<16xi32>
    %gather3A_1002 = tpu.vector_load_idx %arg8[%add3A_996, %broadcast_in_dim3A_1001] : memref<128x16xf32, #tpu.memory_space<vmem>>[vector<16xi32>, vector<16xi32>], vector<16xf32>,
    %add3A_1003 = arith.addf %gather3A_999, %gather3A_1002 : vector<16xf32>
    %broadcast_in_dim3A_1004 = arith.constant 2 : i32
    %broadcast_in_dim3A_1005 = vector.broadcast %broadcast_in_dim3A_1004 : i32 to vector<16xi32>
    %gather3A_1006 = tpu.vector_load_idx %arg8[%add3A_996, %broadcast_in_dim3A_1005] : memref<128x16xf32, #tpu.memory_space<vmem>>[vector<16xi32>, vector<16xi32>], vector<16xf32>,
    %add3A_1007 = arith.addf %add3A_1003, %gather3A_1006 : vector<16xf32>
    %broadcast_in_dim3A_1008 = arith.constant 3 : i32
    %broadcast_in_dim3A_1009 = vector.broadcast %broadcast_in_dim3A_1008 : i32 to vector<16xi32>
    %gather3A_1010 = tpu.vector_load_idx %arg8[%add3A_996, %broadcast_in_dim3A_1009] : memref<128x16xf32, #tpu.memory_space<vmem>>[vector<16xi32>, vector<16xi32>], vector<16xf32>,
    %add3A_1011 = arith.addf %add3A_1007, %gather3A_1010 : vector<16xf32>
    %broadcast_in_dim3A_1012 = arith.constant 4 : i32
    %broadcast_in_dim3A_1013 = vector.broadcast %broadcast_in_dim3A_1012 : i32 to vector<16xi32>
    %gather3A_1014 = tpu.vector_load_idx %arg8[%add3A_996, %broadcast_in_dim3A_1013] : memref<128x16xf32, #tpu.memory_space<vmem>>[vector<16xi32>, vector<16xi32>], vector<16xf32>,
    %add3A_1015 = arith.addf %add3A_1011, %gather3A_1014 : vector<16xf32>
    %broadcast_in_dim3A_1016 = arith.constant 5 : i32
    %broadcast_in_dim3A_1017 = vector.broadcast %broadcast_in_dim3A_1016 : i32 to vector<16xi32>
    %gather3A_1018 = tpu.vector_load_idx %arg8[%add3A_996, %broadcast_in_dim3A_1017] : memref<128x16xf32, #tpu.memory_space<vmem>>[vector<16xi32>, vector<16xi32>], vector<16xf32>,
    %add3A_1019 = arith.addf %add3A_1015, %gather3A_1018 : vector<16xf32>
    %broadcast_in_dim3A_1020 = arith.constant 6 : i32
    %broadcast_in_dim3A_1021 = vector.broadcast %broadcast_in_dim3A_1020 : i32 to vector<16xi32>
    %gather3A_1022 = tpu.vector_load_idx %arg8[%add3A_996, %broadcast_in_dim3A_1021] : memref<128x16xf32, #tpu.memory_space<vmem>>[vector<16xi32>, vector<16xi32>], vector<16xf32>,
    %add3A_1023 = arith.addf %add3A_1019, %gather3A_1022 : vector<16xf32>
    %broadcast_in_dim3A_1024 = arith.constant 7 : i32
    %broadcast_in_dim3A_1025 = vector.broadcast %broadcast_in_dim3A_1024 : i32 to vector<16xi32>
    %gather3A_1026 = tpu.vector_load_idx %arg8[%add3A_996, %broadcast_in_dim3A_1025] : memref<128x16xf32, #tpu.memory_space<vmem>>[vector<16xi32>, vector<16xi32>], vector<16xf32>,
    %add3A_1027 = arith.addf %add3A_1023, %gather3A_1026 : vector<16xf32>
    %broadcast_in_dim3A_1028 = arith.constant 8 : i32
    %broadcast_in_dim3A_1029 = vector.broadcast %broadcast_in_dim3A_1028 : i32 to vector<16xi32>
    %gather3A_1030 = tpu.vector_load_idx %arg8[%add3A_996, %broadcast_in_dim3A_1029] : memref<128x16xf32, #tpu.memory_space<vmem>>[vector<16xi32>, vector<16xi32>], vector<16xf32>,
    %add3A_1031 = arith.addf %add3A_1027, %gather3A_1030 : vector<16xf32>
    %broadcast_in_dim3A_1032 = arith.constant 9 : i32
    %broadcast_in_dim3A_1033 = vector.broadcast %broadcast_in_dim3A_1032 : i32 to vector<16xi32>
    %gather3A_1034 = tpu.vector_load_idx %arg8[%add3A_996, %broadcast_in_dim3A_1033] : memref<128x16xf32, #tpu.memory_space<vmem>>[vector<16xi32>, vector<16xi32>], vector<16xf32>,
    %add3A_1035 = arith.addf %add3A_1031, %gather3A_1034 : vector<16xf32>
    %broadcast_in_dim3A_1036 = arith.constant 10 : i32
    %broadcast_in_dim3A_1037 = vector.broadcast %broadcast_in_dim3A_1036 : i32 to vector<16xi32>
    %gather3A_1038 = tpu.vector_load_idx %arg8[%add3A_996, %broadcast_in_dim3A_1037] : memref<128x16xf32, #tpu.memory_space<vmem>>[vector<16xi32>, vector<16xi32>], vector<16xf32>,
    %add3A_1039 = arith.addf %add3A_1035, %gather3A_1038 : vector<16xf32>
    %broadcast_in_dim3A_1040 = arith.constant 11 : i32
    %broadcast_in_dim3A_1041 = vector.broadcast %broadcast_in_dim3A_1040 : i32 to vector<16xi32>
    %gather3A_1042 = tpu.vector_load_idx %arg8[%add3A_996, %broadcast_in_dim3A_1041] : memref<128x16xf32, #tpu.memory_space<vmem>>[vector<16xi32>, vector<16xi32>], vector<16xf32>,
    %add3A_1043 = arith.addf %add3A_1039, %gather3A_1042 : vector<16xf32>
    %broadcast_in_dim3A_1044 = arith.constant 12 : i32
    %broadcast_in_dim3A_1045 = vector.broadcast %broadcast_in_dim3A_1044 : i32 to vector<16xi32>
    %gather3A_1046 = tpu.vector_load_idx %arg8[%add3A_996, %broadcast_in_dim3A_1045] : memref<128x16xf32, #tpu.memory_space<vmem>>[vector<16xi32>, vector<16xi32>], vector<16xf32>,
    %add3A_1047 = arith.addf %add3A_1043, %gather3A_1046 : vector<16xf32>
    %broadcast_in_dim3A_1048 = arith.constant 13 : i32
    %broadcast_in_dim3A_1049 = vector.broadcast %broadcast_in_dim3A_1048 : i32 to vector<16xi32>
    %gather3A_1050 = tpu.vector_load_idx %arg8[%add3A_996, %broadcast_in_dim3A_1049] : memref<128x16xf32, #tpu.memory_space<vmem>>[vector<16xi32>, vector<16xi32>], vector<16xf32>,
    %add3A_1051 = arith.addf %add3A_1047, %gather3A_1050 : vector<16xf32>
    %broadcast_in_dim3A_1052 = arith.constant 14 : i32
    %broadcast_in_dim3A_1053 = vector.broadcast %broadcast_in_dim3A_1052 : i32 to vector<16xi32>
    %gather3A_1054 = tpu.vector_load_idx %arg8[%add3A_996, %broadcast_in_dim3A_1053] : memref<128x16xf32, #tpu.memory_space<vmem>>[vector<16xi32>, vector<16xi32>], vector<16xf32>,
    %add3A_1055 = arith.addf %add3A_1051, %gather3A_1054 : vector<16xf32>
    %broadcast_in_dim3A_1056 = arith.constant 15 : i32
    %broadcast_in_dim3A_1057 = vector.broadcast %broadcast_in_dim3A_1056 : i32 to vector<16xi32>
    %gather3A_1058 = tpu.vector_load_idx %arg8[%add3A_996, %broadcast_in_dim3A_1057] : memref<128x16xf32, #tpu.memory_space<vmem>>[vector<16xi32>, vector<16xi32>], vector<16xf32>,
    %add3A_1059 = arith.addf %add3A_1055, %gather3A_1058 : vector<16xf32>
    %get3A_1060 = arith.constant 80 : index
    %get3A_1061 = tpu.vector_load %arg5[%get3A_1060] {strides = array<i32>} : memref<128xi32, #tpu.memory_space<vmem>>, vector<16xi32>,
    %get3A_1062 = arith.constant 80 : index
    %get3A_1063 = tpu.vector_load %arg9[%get3A_1062] {strides = array<i32>} : memref<128xf32, #tpu.memory_space<vmem>>, vector<16xf32>,
    %mul3A_1064 = arith.constant -3.12519524E-6 : f32
    %mul3A_1065 = vector.broadcast %mul3A_1064 : f32 to vector<16xf32>
    %mul3A_1066 = arith.mulf %mul3A_1065, %add3A_1059 : vector<16xf32>
    %mul3A_1067 = arith.constant -0.899996876 : f32
    %mul3A_1068 = vector.broadcast %mul3A_1067 : f32 to vector<16xf32>
    %mul3A_1069 = arith.mulf %mul3A_1068, %get3A_1063 : vector<16xf32>
    %add3A_1070 = arith.addf %mul3A_1066, %mul3A_1069 : vector<16xf32>
    %ne3A_1071 = arith.constant 0 : i32
    %ne3A_1072 = vector.broadcast %ne3A_1071 : i32 to vector<16xi32>
    %ne3A_1073 = arith.cmpi ne, %get3A_1061, %ne3A_1072 : vector<16xi32>
    %jit3A_1074 = arith.constant 0.000000e+00 : f32
    %broadcast_in_dim3A_1075 = vector.broadcast %jit3A_1074 : f32 to vector<16xf32>
    %select_n3A_1076 = arith.select %ne3A_1073, %add3A_1070, %broadcast_in_dim3A_1075 : vector<16xi1>, vector<16xf32>
    %add3A_1077 = arith.addf %add3A_992, %select_n3A_1076 : vector<16xf32>
    %iota3A_1078 = tpu.iota {dimensions = array<i32: 0>} : vector<16xi32>
    %add3A_1079 = arith.constant 96 : i32
    %add3A_1080 = vector.broadcast %add3A_1079 : i32 to vector<16xi32>
    %add3A_1081 = arith.addi %add3A_1080, %iota3A_1078 : vector<16xi32>
    %broadcast_in_dim3A_1082 = arith.constant 0 : i32
    %broadcast_in_dim3A_1083 = vector.broadcast %broadcast_in_dim3A_1082 : i32 to vector<16xi32>
    %gather3A_1084 = tpu.vector_load_idx %arg8[%add3A_1081, %broadcast_in_dim3A_1083] : memref<128x16xf32, #tpu.memory_space<vmem>>[vector<16xi32>, vector<16xi32>], vector<16xf32>,
    %broadcast_in_dim3A_1085 = arith.constant 1 : i32
    %broadcast_in_dim3A_1086 = vector.broadcast %broadcast_in_dim3A_1085 : i32 to vector<16xi32>
    %gather3A_1087 = tpu.vector_load_idx %arg8[%add3A_1081, %broadcast_in_dim3A_1086] : memref<128x16xf32, #tpu.memory_space<vmem>>[vector<16xi32>, vector<16xi32>], vector<16xf32>,
    %add3A_1088 = arith.addf %gather3A_1084, %gather3A_1087 : vector<16xf32>
    %broadcast_in_dim3A_1089 = arith.constant 2 : i32
    %broadcast_in_dim3A_1090 = vector.broadcast %broadcast_in_dim3A_1089 : i32 to vector<16xi32>
    %gather3A_1091 = tpu.vector_load_idx %arg8[%add3A_1081, %broadcast_in_dim3A_1090] : memref<128x16xf32, #tpu.memory_space<vmem>>[vector<16xi32>, vector<16xi32>], vector<16xf32>,
    %add3A_1092 = arith.addf %add3A_1088, %gather3A_1091 : vector<16xf32>
    %broadcast_in_dim3A_1093 = arith.constant 3 : i32
    %broadcast_in_dim3A_1094 = vector.broadcast %broadcast_in_dim3A_1093 : i32 to vector<16xi32>
    %gather3A_1095 = tpu.vector_load_idx %arg8[%add3A_1081, %broadcast_in_dim3A_1094] : memref<128x16xf32, #tpu.memory_space<vmem>>[vector<16xi32>, vector<16xi32>], vector<16xf32>,
    %add3A_1096 = arith.addf %add3A_1092, %gather3A_1095 : vector<16xf32>
    %broadcast_in_dim3A_1097 = arith.constant 4 : i32
    %broadcast_in_dim3A_1098 = vector.broadcast %broadcast_in_dim3A_1097 : i32 to vector<16xi32>
    %gather3A_1099 = tpu.vector_load_idx %arg8[%add3A_1081, %broadcast_in_dim3A_1098] : memref<128x16xf32, #tpu.memory_space<vmem>>[vector<16xi32>, vector<16xi32>], vector<16xf32>,
    %add3A_1100 = arith.addf %add3A_1096, %gather3A_1099 : vector<16xf32>
    %broadcast_in_dim3A_1101 = arith.constant 5 : i32
    %broadcast_in_dim3A_1102 = vector.broadcast %broadcast_in_dim3A_1101 : i32 to vector<16xi32>
    %gather3A_1103 = tpu.vector_load_idx %arg8[%add3A_1081, %broadcast_in_dim3A_1102] : memref<128x16xf32, #tpu.memory_space<vmem>>[vector<16xi32>, vector<16xi32>], vector<16xf32>,
    %add3A_1104 = arith.addf %add3A_1100, %gather3A_1103 : vector<16xf32>
    %broadcast_in_dim3A_1105 = arith.constant 6 : i32
    %broadcast_in_dim3A_1106 = vector.broadcast %broadcast_in_dim3A_1105 : i32 to vector<16xi32>
    %gather3A_1107 = tpu.vector_load_idx %arg8[%add3A_1081, %broadcast_in_dim3A_1106] : memref<128x16xf32, #tpu.memory_space<vmem>>[vector<16xi32>, vector<16xi32>], vector<16xf32>,
    %add3A_1108 = arith.addf %add3A_1104, %gather3A_1107 : vector<16xf32>
    %broadcast_in_dim3A_1109 = arith.constant 7 : i32
    %broadcast_in_dim3A_1110 = vector.broadcast %broadcast_in_dim3A_1109 : i32 to vector<16xi32>
    %gather3A_1111 = tpu.vector_load_idx %arg8[%add3A_1081, %broadcast_in_dim3A_1110] : memref<128x16xf32, #tpu.memory_space<vmem>>[vector<16xi32>, vector<16xi32>], vector<16xf32>,
    %add3A_1112 = arith.addf %add3A_1108, %gather3A_1111 : vector<16xf32>
    %broadcast_in_dim3A_1113 = arith.constant 8 : i32
    %broadcast_in_dim3A_1114 = vector.broadcast %broadcast_in_dim3A_1113 : i32 to vector<16xi32>
    %gather3A_1115 = tpu.vector_load_idx %arg8[%add3A_1081, %broadcast_in_dim3A_1114] : memref<128x16xf32, #tpu.memory_space<vmem>>[vector<16xi32>, vector<16xi32>], vector<16xf32>,
    %add3A_1116 = arith.addf %add3A_1112, %gather3A_1115 : vector<16xf32>
    %broadcast_in_dim3A_1117 = arith.constant 9 : i32
    %broadcast_in_dim3A_1118 = vector.broadcast %broadcast_in_dim3A_1117 : i32 to vector<16xi32>
    %gather3A_1119 = tpu.vector_load_idx %arg8[%add3A_1081, %broadcast_in_dim3A_1118] : memref<128x16xf32, #tpu.memory_space<vmem>>[vector<16xi32>, vector<16xi32>], vector<16xf32>,
    %add3A_1120 = arith.addf %add3A_1116, %gather3A_1119 : vector<16xf32>
    %broadcast_in_dim3A_1121 = arith.constant 10 : i32
    %broadcast_in_dim3A_1122 = vector.broadcast %broadcast_in_dim3A_1121 : i32 to vector<16xi32>
    %gather3A_1123 = tpu.vector_load_idx %arg8[%add3A_1081, %broadcast_in_dim3A_1122] : memref<128x16xf32, #tpu.memory_space<vmem>>[vector<16xi32>, vector<16xi32>], vector<16xf32>,
    %add3A_1124 = arith.addf %add3A_1120, %gather3A_1123 : vector<16xf32>
    %broadcast_in_dim3A_1125 = arith.constant 11 : i32
    %broadcast_in_dim3A_1126 = vector.broadcast %broadcast_in_dim3A_1125 : i32 to vector<16xi32>
    %gather3A_1127 = tpu.vector_load_idx %arg8[%add3A_1081, %broadcast_in_dim3A_1126] : memref<128x16xf32, #tpu.memory_space<vmem>>[vector<16xi32>, vector<16xi32>], vector<16xf32>,
    %add3A_1128 = arith.addf %add3A_1124, %gather3A_1127 : vector<16xf32>
    %broadcast_in_dim3A_1129 = arith.constant 12 : i32
    %broadcast_in_dim3A_1130 = vector.broadcast %broadcast_in_dim3A_1129 : i32 to vector<16xi32>
    %gather3A_1131 = tpu.vector_load_idx %arg8[%add3A_1081, %broadcast_in_dim3A_1130] : memref<128x16xf32, #tpu.memory_space<vmem>>[vector<16xi32>, vector<16xi32>], vector<16xf32>,
    %add3A_1132 = arith.addf %add3A_1128, %gather3A_1131 : vector<16xf32>
    %broadcast_in_dim3A_1133 = arith.constant 13 : i32
    %broadcast_in_dim3A_1134 = vector.broadcast %broadcast_in_dim3A_1133 : i32 to vector<16xi32>
    %gather3A_1135 = tpu.vector_load_idx %arg8[%add3A_1081, %broadcast_in_dim3A_1134] : memref<128x16xf32, #tpu.memory_space<vmem>>[vector<16xi32>, vector<16xi32>], vector<16xf32>,
    %add3A_1136 = arith.addf %add3A_1132, %gather3A_1135 : vector<16xf32>
    %broadcast_in_dim3A_1137 = arith.constant 14 : i32
    %broadcast_in_dim3A_1138 = vector.broadcast %broadcast_in_dim3A_1137 : i32 to vector<16xi32>
    %gather3A_1139 = tpu.vector_load_idx %arg8[%add3A_1081, %broadcast_in_dim3A_1138] : memref<128x16xf32, #tpu.memory_space<vmem>>[vector<16xi32>, vector<16xi32>], vector<16xf32>,
    %add3A_1140 = arith.addf %add3A_1136, %gather3A_1139 : vector<16xf32>
    %broadcast_in_dim3A_1141 = arith.constant 15 : i32
    %broadcast_in_dim3A_1142 = vector.broadcast %broadcast_in_dim3A_1141 : i32 to vector<16xi32>
    %gather3A_1143 = tpu.vector_load_idx %arg8[%add3A_1081, %broadcast_in_dim3A_1142] : memref<128x16xf32, #tpu.memory_space<vmem>>[vector<16xi32>, vector<16xi32>], vector<16xf32>,
    %add3A_1144 = arith.addf %add3A_1140, %gather3A_1143 : vector<16xf32>
    %get3A_1145 = arith.constant 96 : index
    %get3A_1146 = tpu.vector_load %arg5[%get3A_1145] {strides = array<i32>} : memref<128xi32, #tpu.memory_space<vmem>>, vector<16xi32>,
    %get3A_1147 = arith.constant 96 : index
    %get3A_1148 = tpu.vector_load %arg9[%get3A_1147] {strides = array<i32>} : memref<128xf32, #tpu.memory_space<vmem>>, vector<16xf32>,
    %mul3A_1149 = arith.constant -3.12519524E-6 : f32
    %mul3A_1150 = vector.broadcast %mul3A_1149 : f32 to vector<16xf32>
    %mul3A_1151 = arith.mulf %mul3A_1150, %add3A_1144 : vector<16xf32>
    %mul3A_1152 = arith.constant -0.899996876 : f32
    %mul3A_1153 = vector.broadcast %mul3A_1152 : f32 to vector<16xf32>
    %mul3A_1154 = arith.mulf %mul3A_1153, %get3A_1148 : vector<16xf32>
    %add3A_1155 = arith.addf %mul3A_1151, %mul3A_1154 : vector<16xf32>
    %ne3A_1156 = arith.constant 0 : i32
    %ne3A_1157 = vector.broadcast %ne3A_1156 : i32 to vector<16xi32>
    %ne3A_1158 = arith.cmpi ne, %get3A_1146, %ne3A_1157 : vector<16xi32>
    %jit3A_1159 = arith.constant 0.000000e+00 : f32
    %broadcast_in_dim3A_1160 = vector.broadcast %jit3A_1159 : f32 to vector<16xf32>
    %select_n3A_1161 = arith.select %ne3A_1158, %add3A_1155, %broadcast_in_dim3A_1160 : vector<16xi1>, vector<16xf32>
    %add3A_1162 = arith.addf %add3A_1077, %select_n3A_1161 : vector<16xf32>
    %iota3A_1163 = tpu.iota {dimensions = array<i32: 0>} : vector<16xi32>
    %add3A_1164 = arith.constant 112 : i32
    %add3A_1165 = vector.broadcast %add3A_1164 : i32 to vector<16xi32>
    %add3A_1166 = arith.addi %add3A_1165, %iota3A_1163 : vector<16xi32>
    %broadcast_in_dim3A_1167 = arith.constant 0 : i32
    %broadcast_in_dim3A_1168 = vector.broadcast %broadcast_in_dim3A_1167 : i32 to vector<16xi32>
    %gather3A_1169 = tpu.vector_load_idx %arg8[%add3A_1166, %broadcast_in_dim3A_1168] : memref<128x16xf32, #tpu.memory_space<vmem>>[vector<16xi32>, vector<16xi32>], vector<16xf32>,
    %broadcast_in_dim3A_1170 = arith.constant 1 : i32
    %broadcast_in_dim3A_1171 = vector.broadcast %broadcast_in_dim3A_1170 : i32 to vector<16xi32>
    %gather3A_1172 = tpu.vector_load_idx %arg8[%add3A_1166, %broadcast_in_dim3A_1171] : memref<128x16xf32, #tpu.memory_space<vmem>>[vector<16xi32>, vector<16xi32>], vector<16xf32>,
    %add3A_1173 = arith.addf %gather3A_1169, %gather3A_1172 : vector<16xf32>
    %broadcast_in_dim3A_1174 = arith.constant 2 : i32
    %broadcast_in_dim3A_1175 = vector.broadcast %broadcast_in_dim3A_1174 : i32 to vector<16xi32>
    %gather3A_1176 = tpu.vector_load_idx %arg8[%add3A_1166, %broadcast_in_dim3A_1175] : memref<128x16xf32, #tpu.memory_space<vmem>>[vector<16xi32>, vector<16xi32>], vector<16xf32>,
    %add3A_1177 = arith.addf %add3A_1173, %gather3A_1176 : vector<16xf32>
    %broadcast_in_dim3A_1178 = arith.constant 3 : i32
    %broadcast_in_dim3A_1179 = vector.broadcast %broadcast_in_dim3A_1178 : i32 to vector<16xi32>
    %gather3A_1180 = tpu.vector_load_idx %arg8[%add3A_1166, %broadcast_in_dim3A_1179] : memref<128x16xf32, #tpu.memory_space<vmem>>[vector<16xi32>, vector<16xi32>], vector<16xf32>,
    %add3A_1181 = arith.addf %add3A_1177, %gather3A_1180 : vector<16xf32>
    %broadcast_in_dim3A_1182 = arith.constant 4 : i32
    %broadcast_in_dim3A_1183 = vector.broadcast %broadcast_in_dim3A_1182 : i32 to vector<16xi32>
    %gather3A_1184 = tpu.vector_load_idx %arg8[%add3A_1166, %broadcast_in_dim3A_1183] : memref<128x16xf32, #tpu.memory_space<vmem>>[vector<16xi32>, vector<16xi32>], vector<16xf32>,
    %add3A_1185 = arith.addf %add3A_1181, %gather3A_1184 : vector<16xf32>
    %broadcast_in_dim3A_1186 = arith.constant 5 : i32
    %broadcast_in_dim3A_1187 = vector.broadcast %broadcast_in_dim3A_1186 : i32 to vector<16xi32>
    %gather3A_1188 = tpu.vector_load_idx %arg8[%add3A_1166, %broadcast_in_dim3A_1187] : memref<128x16xf32, #tpu.memory_space<vmem>>[vector<16xi32>, vector<16xi32>], vector<16xf32>,
    %add3A_1189 = arith.addf %add3A_1185, %gather3A_1188 : vector<16xf32>
    %broadcast_in_dim3A_1190 = arith.constant 6 : i32
    %broadcast_in_dim3A_1191 = vector.broadcast %broadcast_in_dim3A_1190 : i32 to vector<16xi32>
    %gather3A_1192 = tpu.vector_load_idx %arg8[%add3A_1166, %broadcast_in_dim3A_1191] : memref<128x16xf32, #tpu.memory_space<vmem>>[vector<16xi32>, vector<16xi32>], vector<16xf32>,
    %add3A_1193 = arith.addf %add3A_1189, %gather3A_1192 : vector<16xf32>
    %broadcast_in_dim3A_1194 = arith.constant 7 : i32
    %broadcast_in_dim3A_1195 = vector.broadcast %broadcast_in_dim3A_1194 : i32 to vector<16xi32>
    %gather3A_1196 = tpu.vector_load_idx %arg8[%add3A_1166, %broadcast_in_dim3A_1195] : memref<128x16xf32, #tpu.memory_space<vmem>>[vector<16xi32>, vector<16xi32>], vector<16xf32>,
    %add3A_1197 = arith.addf %add3A_1193, %gather3A_1196 : vector<16xf32>
    %broadcast_in_dim3A_1198 = arith.constant 8 : i32
    %broadcast_in_dim3A_1199 = vector.broadcast %broadcast_in_dim3A_1198 : i32 to vector<16xi32>
    %gather3A_1200 = tpu.vector_load_idx %arg8[%add3A_1166, %broadcast_in_dim3A_1199] : memref<128x16xf32, #tpu.memory_space<vmem>>[vector<16xi32>, vector<16xi32>], vector<16xf32>,
    %add3A_1201 = arith.addf %add3A_1197, %gather3A_1200 : vector<16xf32>
    %broadcast_in_dim3A_1202 = arith.constant 9 : i32
    %broadcast_in_dim3A_1203 = vector.broadcast %broadcast_in_dim3A_1202 : i32 to vector<16xi32>
    %gather3A_1204 = tpu.vector_load_idx %arg8[%add3A_1166, %broadcast_in_dim3A_1203] : memref<128x16xf32, #tpu.memory_space<vmem>>[vector<16xi32>, vector<16xi32>], vector<16xf32>,
    %add3A_1205 = arith.addf %add3A_1201, %gather3A_1204 : vector<16xf32>
    %broadcast_in_dim3A_1206 = arith.constant 10 : i32
    %broadcast_in_dim3A_1207 = vector.broadcast %broadcast_in_dim3A_1206 : i32 to vector<16xi32>
    %gather3A_1208 = tpu.vector_load_idx %arg8[%add3A_1166, %broadcast_in_dim3A_1207] : memref<128x16xf32, #tpu.memory_space<vmem>>[vector<16xi32>, vector<16xi32>], vector<16xf32>,
    %add3A_1209 = arith.addf %add3A_1205, %gather3A_1208 : vector<16xf32>
    %broadcast_in_dim3A_1210 = arith.constant 11 : i32
    %broadcast_in_dim3A_1211 = vector.broadcast %broadcast_in_dim3A_1210 : i32 to vector<16xi32>
    %gather3A_1212 = tpu.vector_load_idx %arg8[%add3A_1166, %broadcast_in_dim3A_1211] : memref<128x16xf32, #tpu.memory_space<vmem>>[vector<16xi32>, vector<16xi32>], vector<16xf32>,
    %add3A_1213 = arith.addf %add3A_1209, %gather3A_1212 : vector<16xf32>
    %broadcast_in_dim3A_1214 = arith.constant 12 : i32
    %broadcast_in_dim3A_1215 = vector.broadcast %broadcast_in_dim3A_1214 : i32 to vector<16xi32>
    %gather3A_1216 = tpu.vector_load_idx %arg8[%add3A_1166, %broadcast_in_dim3A_1215] : memref<128x16xf32, #tpu.memory_space<vmem>>[vector<16xi32>, vector<16xi32>], vector<16xf32>,
    %add3A_1217 = arith.addf %add3A_1213, %gather3A_1216 : vector<16xf32>
    %broadcast_in_dim3A_1218 = arith.constant 13 : i32
    %broadcast_in_dim3A_1219 = vector.broadcast %broadcast_in_dim3A_1218 : i32 to vector<16xi32>
    %gather3A_1220 = tpu.vector_load_idx %arg8[%add3A_1166, %broadcast_in_dim3A_1219] : memref<128x16xf32, #tpu.memory_space<vmem>>[vector<16xi32>, vector<16xi32>], vector<16xf32>,
    %add3A_1221 = arith.addf %add3A_1217, %gather3A_1220 : vector<16xf32>
    %broadcast_in_dim3A_1222 = arith.constant 14 : i32
    %broadcast_in_dim3A_1223 = vector.broadcast %broadcast_in_dim3A_1222 : i32 to vector<16xi32>
    %gather3A_1224 = tpu.vector_load_idx %arg8[%add3A_1166, %broadcast_in_dim3A_1223] : memref<128x16xf32, #tpu.memory_space<vmem>>[vector<16xi32>, vector<16xi32>], vector<16xf32>,
    %add3A_1225 = arith.addf %add3A_1221, %gather3A_1224 : vector<16xf32>
    %broadcast_in_dim3A_1226 = arith.constant 15 : i32
    %broadcast_in_dim3A_1227 = vector.broadcast %broadcast_in_dim3A_1226 : i32 to vector<16xi32>
    %gather3A_1228 = tpu.vector_load_idx %arg8[%add3A_1166, %broadcast_in_dim3A_1227] : memref<128x16xf32, #tpu.memory_space<vmem>>[vector<16xi32>, vector<16xi32>], vector<16xf32>,
    %add3A_1229 = arith.addf %add3A_1225, %gather3A_1228 : vector<16xf32>
    %get3A_1230 = arith.constant 112 : index
    %get3A_1231 = tpu.vector_load %arg5[%get3A_1230] {strides = array<i32>} : memref<128xi32, #tpu.memory_space<vmem>>, vector<16xi32>,
    %get3A_1232 = arith.constant 112 : index
    %get3A_1233 = tpu.vector_load %arg9[%get3A_1232] {strides = array<i32>} : memref<128xf32, #tpu.memory_space<vmem>>, vector<16xf32>,
    %mul3A_1234 = arith.constant -3.12519524E-6 : f32
    %mul3A_1235 = vector.broadcast %mul3A_1234 : f32 to vector<16xf32>
    %mul3A_1236 = arith.mulf %mul3A_1235, %add3A_1229 : vector<16xf32>
    %mul3A_1237 = arith.constant -0.899996876 : f32
    %mul3A_1238 = vector.broadcast %mul3A_1237 : f32 to vector<16xf32>
    %mul3A_1239 = arith.mulf %mul3A_1238, %get3A_1233 : vector<16xf32>
    %add3A_1240 = arith.addf %mul3A_1236, %mul3A_1239 : vector<16xf32>
    %ne3A_1241 = arith.constant 0 : i32
    %ne3A_1242 = vector.broadcast %ne3A_1241 : i32 to vector<16xi32>
    %ne3A_1243 = arith.cmpi ne, %get3A_1231, %ne3A_1242 : vector<16xi32>
    %jit3A_1244 = arith.constant 0.000000e+00 : f32
    %broadcast_in_dim3A_1245 = vector.broadcast %jit3A_1244 : f32 to vector<16xf32>
    %select_n3A_1246 = arith.select %ne3A_1243, %add3A_1240, %broadcast_in_dim3A_1245 : vector<16xi1>, vector<16xf32>
    %add3A_1247 = arith.addf %add3A_1162, %select_n3A_1246 : vector<16xf32>
    %swap3A_1248 = arith.constant 0 : index
    %swap3A_1249 = tpu.vector_load %arg10[%swap3A_1248] {strides = array<i32>} : memref<16xf32, #tpu.memory_space<vmem>>, vector<16xf32>,
    tpu.vector_store %arg10[%swap3A_1248], %add3A_1247 {strides = array<i32>} : memref<16xf32, #tpu.memory_space<vmem>>, vector<16xf32>,
    "tpu.region"() ({
      %run_scoped3A = tpu.sem_alloc : memref<!tpu.dma_semaphore, #tpu.memory_space<semaphore_mem>>
      %dma_start3A_1250 = arith.constant 0 : i32
      %dma_start3A_1251 = tpu.memref_slice %arg4[%add3A, %dma_start3A_1250] : memref<32x16xf32, #tpu.memory_space<hbm>> -> memref<1x16xf32, #tpu.memory_space<hbm>>
      %dma_start3A_1252 = tpu.memref_squeeze %dma_start3A_1251 : memref<1x16xf32, #tpu.memory_space<hbm>> -> memref<16xf32, #tpu.memory_space<hbm>>
      %dma_start3A_1253 = arith.constant 0 : i32
      %dma_start3A_1254 = tpu.memref_slice %arg4[%add3A, %dma_start3A_1253] : memref<32x16xf32, #tpu.memory_space<hbm>> -> memref<1x16xf32, #tpu.memory_space<hbm>>
      %dma_start3A_1255 = tpu.memref_squeeze %dma_start3A_1254 : memref<1x16xf32, #tpu.memory_space<hbm>> -> memref<16xf32, #tpu.memory_space<hbm>>
      tpu.enqueue_dma source(%arg10 : memref<16xf32, #tpu.memory_space<vmem>>) target(%dma_start3A_1255 : memref<16xf32, #tpu.memory_space<hbm>>) target_semaphore(%run_scoped3A : memref<!tpu.dma_semaphore, #tpu.memory_space<semaphore_mem>>)
      %dma_wait3A_1256 = arith.constant 0 : i32
      %dma_wait3A_1257 = tpu.memref_slice %arg4[%add3A, %dma_wait3A_1256] : memref<32x16xf32, #tpu.memory_space<hbm>> -> memref<1x16xf32, #tpu.memory_space<hbm>>
      %dma_wait3A_1258 = tpu.memref_squeeze %dma_wait3A_1257 : memref<1x16xf32, #tpu.memory_space<hbm>> -> memref<16xf32, #tpu.memory_space<hbm>>
      %dma_wait3A_1259 = arith.constant 0 : i32
      %dma_wait3A_1260 = tpu.memref_slice %arg4[%add3A, %dma_wait3A_1259] : memref<32x16xf32, #tpu.memory_space<hbm>> -> memref<1x16xf32, #tpu.memory_space<hbm>>
      %dma_wait3A_1261 = tpu.memref_squeeze %dma_wait3A_1260 : memref<1x16xf32, #tpu.memory_space<hbm>> -> memref<16xf32, #tpu.memory_space<hbm>>
      tpu.wait_dma2 semaphore(%run_scoped3A : memref<!tpu.dma_semaphore, #tpu.memory_space<semaphore_mem>>) src(%arg10 : memref<16xf32, #tpu.memory_space<vmem>>) dst(%dma_wait3A_1261 : memref<16xf32, #tpu.memory_space<hbm>>)
      tpu.yield
    }) : () -> ()
    return
  }
}

module attributes {stable_mosaic.version = 14 : i64} {
  func.func @_partial_body(%arg0: i32, %arg1: memref<4096x640xf32, #tpu.memory_space<vmem>>, %arg2: memref<4096x1xi32, #tpu.memory_space<vmem>>, %arg3: memref<1x1xf32, #tpu.memory_space<smem>>, %arg4: memref<4096x128xf32, #tpu.memory_space<vmem>>, %arg5: memref<4096x128xf32, #tpu.memory_space<vmem>>, %arg6: memref<4096x1xf32, #tpu.memory_space<vmem>>) attributes {dimension_semantics = [#tpu.dimension_semantics<arbitrary>], iteration_bounds = array<i64: 48>, scalar_prefetch = 0 : i64, scratch_operands = 3 : i64, tpu.core_type = #tpu.core_type<tc>, window_params = [{transform_indices = @transform_0, window_bounds = array<i64: 4096, 640>}, {pipeline_mode = #tpu.pipeline_mode<synchronous>, transform_indices = @transform_1, window_bounds = array<i64: 4096, 1>}, {transform_indices = @transform_2, window_bounds = array<i64: 1, 1>}]} {
    %eq3A = arith.constant 0 : i32
    %eq3A_0 = arith.cmpi eq, %arg0, %eq3A : i32
    %convert_element_type3A = arith.extui %eq3A_0 : i1 to i32
    %cond3A = arith.constant 0 : i32
    %cond3A_1 = arith.cmpi ne, %convert_element_type3A, %cond3A : i32
    scf.if %cond3A_1 {
      %broadcast_in_dim3A_83 = arith.constant 0.000000e+00 : f32
      %broadcast_in_dim3A_84 = vector.broadcast %broadcast_in_dim3A_83 : f32 to vector<4096x128xf32>
      %swap3A_85 = arith.constant 0 : index
      %swap3A_86 = arith.constant 0 : index
      %swap3A_87 = vector.load %arg4[%swap3A_85, %swap3A_86] : memref<4096x128xf32, #tpu.memory_space<vmem>>, vector<4096x128xf32>
      tpu.vector_store %arg4[%swap3A_85, %swap3A_86], %broadcast_in_dim3A_84 {strides = array<i32>} : memref<4096x128xf32, #tpu.memory_space<vmem>>, vector<4096x128xf32>,
      %broadcast_in_dim3A_88 = arith.constant 0.000000e+00 : f32
      %broadcast_in_dim3A_89 = vector.broadcast %broadcast_in_dim3A_88 : f32 to vector<4096x128xf32>
      %swap3A_90 = arith.constant 0 : index
      %swap3A_91 = arith.constant 0 : index
      %swap3A_92 = vector.load %arg5[%swap3A_90, %swap3A_91] : memref<4096x128xf32, #tpu.memory_space<vmem>>, vector<4096x128xf32>
      tpu.vector_store %arg5[%swap3A_90, %swap3A_91], %broadcast_in_dim3A_89 {strides = array<i32>} : memref<4096x128xf32, #tpu.memory_space<vmem>>, vector<4096x128xf32>,
      %get3A_93 = arith.constant 0 : index
      %get3A_94 = arith.constant 0 : index
      %get3A_95 = vector.load %arg1[%get3A_93, %get3A_94] : memref<4096x640xf32, #tpu.memory_space<vmem>>, vector<4096x1xf32>
      %swap3A_96 = arith.constant 0 : index
      %swap3A_97 = arith.constant 0 : index
      %swap3A_98 = vector.load %arg6[%swap3A_96, %swap3A_97] : memref<4096x1xf32, #tpu.memory_space<vmem>>, vector<4096x1xf32>
      tpu.vector_store %arg6[%swap3A_96, %swap3A_97], %get3A_95 {strides = array<i32>} : memref<4096x1xf32, #tpu.memory_space<vmem>>, vector<4096x1xf32>,
    } else {
    }
    %get3A = arith.constant 0 : index
    %get3A_2 = arith.constant 0 : index
    %get3A_3 = vector.load %arg2[%get3A, %get3A_2] : memref<4096x1xi32, #tpu.memory_space<vmem>>, vector<4096x1xi32>
    %mul3A = arith.constant 640 : i32
    %mul3A_4 = arith.muli %arg0, %mul3A : i32
    %get3A_5 = arith.constant 0 : index
    %get3A_6 = arith.constant 0 : index
    %get3A_7 = vector.load %arg1[%get3A_5, %get3A_6] : memref<4096x640xf32, #tpu.memory_space<vmem>>, vector<4096x640xf32>
    %slice3A = vector.extract_strided_slice %get3A_7 {offsets = [0, 0], sizes = [4096, 128], strides = [1, 1]} : vector<4096x640xf32> to vector<4096x128xf32>
    %add3A = arith.constant 0 : i32
    %add3A_8 = arith.addi %mul3A_4, %add3A : i32
    %iota3A = tpu.iota {dimensions = array<i32: 1>} : vector<4096x128xi32>
    %add3A_9 = vector.broadcast %add3A_8 : i32 to vector<4096x128xi32>
    %add3A_10 = arith.addi %add3A_9, %iota3A : vector<4096x128xi32>
    %eq3A_11 = vector.broadcast %get3A_3 : vector<4096x1xi32> to vector<4096x128xi32>
    %eq3A_12 = arith.cmpi eq, %add3A_10, %eq3A_11 : vector<4096x128xi32>
    %jit3A = arith.constant 0.000000e+00 : f32
    %broadcast_in_dim3A = vector.broadcast %jit3A : f32 to vector<4096x128xf32>
    %select_n3A = arith.select %eq3A_12, %slice3A, %broadcast_in_dim3A : vector<4096x128xi1>, vector<4096x128xf32>
    %slice3A_13 = vector.extract_strided_slice %get3A_7 {offsets = [0, 128], sizes = [4096, 128], strides = [1, 1]} : vector<4096x640xf32> to vector<4096x128xf32>
    %add3A_14 = arith.constant 128 : i32
    %add3A_15 = arith.addi %mul3A_4, %add3A_14 : i32
    %iota3A_16 = tpu.iota {dimensions = array<i32: 1>} : vector<4096x128xi32>
    %add3A_17 = vector.broadcast %add3A_15 : i32 to vector<4096x128xi32>
    %add3A_18 = arith.addi %add3A_17, %iota3A_16 : vector<4096x128xi32>
    %eq3A_19 = vector.broadcast %get3A_3 : vector<4096x1xi32> to vector<4096x128xi32>
    %eq3A_20 = arith.cmpi eq, %add3A_18, %eq3A_19 : vector<4096x128xi32>
    %jit3A_21 = arith.constant 0.000000e+00 : f32
    %broadcast_in_dim3A_22 = vector.broadcast %jit3A_21 : f32 to vector<4096x128xf32>
    %select_n3A_23 = arith.select %eq3A_20, %slice3A_13, %broadcast_in_dim3A_22 : vector<4096x128xi1>, vector<4096x128xf32>
    %add3A_24 = arith.addf %slice3A, %slice3A_13 : vector<4096x128xf32>
    %add3A_25 = arith.addf %select_n3A, %select_n3A_23 : vector<4096x128xf32>
    %slice3A_26 = vector.extract_strided_slice %get3A_7 {offsets = [0, 256], sizes = [4096, 128], strides = [1, 1]} : vector<4096x640xf32> to vector<4096x128xf32>
    %add3A_27 = arith.constant 256 : i32
    %add3A_28 = arith.addi %mul3A_4, %add3A_27 : i32
    %iota3A_29 = tpu.iota {dimensions = array<i32: 1>} : vector<4096x128xi32>
    %add3A_30 = vector.broadcast %add3A_28 : i32 to vector<4096x128xi32>
    %add3A_31 = arith.addi %add3A_30, %iota3A_29 : vector<4096x128xi32>
    %eq3A_32 = vector.broadcast %get3A_3 : vector<4096x1xi32> to vector<4096x128xi32>
    %eq3A_33 = arith.cmpi eq, %add3A_31, %eq3A_32 : vector<4096x128xi32>
    %jit3A_34 = arith.constant 0.000000e+00 : f32
    %broadcast_in_dim3A_35 = vector.broadcast %jit3A_34 : f32 to vector<4096x128xf32>
    %select_n3A_36 = arith.select %eq3A_33, %slice3A_26, %broadcast_in_dim3A_35 : vector<4096x128xi1>, vector<4096x128xf32>
    %add3A_37 = arith.addf %add3A_24, %slice3A_26 : vector<4096x128xf32>
    %add3A_38 = arith.addf %add3A_25, %select_n3A_36 : vector<4096x128xf32>
    %slice3A_39 = vector.extract_strided_slice %get3A_7 {offsets = [0, 384], sizes = [4096, 128], strides = [1, 1]} : vector<4096x640xf32> to vector<4096x128xf32>
    %add3A_40 = arith.constant 384 : i32
    %add3A_41 = arith.addi %mul3A_4, %add3A_40 : i32
    %iota3A_42 = tpu.iota {dimensions = array<i32: 1>} : vector<4096x128xi32>
    %add3A_43 = vector.broadcast %add3A_41 : i32 to vector<4096x128xi32>
    %add3A_44 = arith.addi %add3A_43, %iota3A_42 : vector<4096x128xi32>
    %eq3A_45 = vector.broadcast %get3A_3 : vector<4096x1xi32> to vector<4096x128xi32>
    %eq3A_46 = arith.cmpi eq, %add3A_44, %eq3A_45 : vector<4096x128xi32>
    %jit3A_47 = arith.constant 0.000000e+00 : f32
    %broadcast_in_dim3A_48 = vector.broadcast %jit3A_47 : f32 to vector<4096x128xf32>
    %select_n3A_49 = arith.select %eq3A_46, %slice3A_39, %broadcast_in_dim3A_48 : vector<4096x128xi1>, vector<4096x128xf32>
    %add3A_50 = arith.addf %add3A_37, %slice3A_39 : vector<4096x128xf32>
    %add3A_51 = arith.addf %add3A_38, %select_n3A_49 : vector<4096x128xf32>
    %slice3A_52 = vector.extract_strided_slice %get3A_7 {offsets = [0, 512], sizes = [4096, 128], strides = [1, 1]} : vector<4096x640xf32> to vector<4096x128xf32>
    %add3A_53 = arith.constant 512 : i32
    %add3A_54 = arith.addi %mul3A_4, %add3A_53 : i32
    %iota3A_55 = tpu.iota {dimensions = array<i32: 1>} : vector<4096x128xi32>
    %add3A_56 = vector.broadcast %add3A_54 : i32 to vector<4096x128xi32>
    %add3A_57 = arith.addi %add3A_56, %iota3A_55 : vector<4096x128xi32>
    %eq3A_58 = vector.broadcast %get3A_3 : vector<4096x1xi32> to vector<4096x128xi32>
    %eq3A_59 = arith.cmpi eq, %add3A_57, %eq3A_58 : vector<4096x128xi32>
    %jit3A_60 = arith.constant 0.000000e+00 : f32
    %broadcast_in_dim3A_61 = vector.broadcast %jit3A_60 : f32 to vector<4096x128xf32>
    %select_n3A_62 = arith.select %eq3A_59, %slice3A_52, %broadcast_in_dim3A_61 : vector<4096x128xi1>, vector<4096x128xf32>
    %add3A_63 = arith.addf %add3A_50, %slice3A_52 : vector<4096x128xf32>
    %add3A_64 = arith.addf %add3A_51, %select_n3A_62 : vector<4096x128xf32>
    %get3A_65 = arith.constant 0 : index
    %get3A_66 = arith.constant 0 : index
    %get3A_67 = vector.load %arg4[%get3A_65, %get3A_66] : memref<4096x128xf32, #tpu.memory_space<vmem>>, vector<4096x128xf32>
    %add3A_68 = arith.addf %get3A_67, %add3A_63 : vector<4096x128xf32>
    %swap3A = arith.constant 0 : index
    %swap3A_69 = arith.constant 0 : index
    %swap3A_70 = vector.load %arg4[%swap3A, %swap3A_69] : memref<4096x128xf32, #tpu.memory_space<vmem>>, vector<4096x128xf32>
    tpu.vector_store %arg4[%swap3A, %swap3A_69], %add3A_68 {strides = array<i32>} : memref<4096x128xf32, #tpu.memory_space<vmem>>, vector<4096x128xf32>,
    %get3A_71 = arith.constant 0 : index
    %get3A_72 = arith.constant 0 : index
    %get3A_73 = vector.load %arg5[%get3A_71, %get3A_72] : memref<4096x128xf32, #tpu.memory_space<vmem>>, vector<4096x128xf32>
    %add3A_74 = arith.addf %get3A_73, %add3A_64 : vector<4096x128xf32>
    %swap3A_75 = arith.constant 0 : index
    %swap3A_76 = arith.constant 0 : index
    %swap3A_77 = vector.load %arg5[%swap3A_75, %swap3A_76] : memref<4096x128xf32, #tpu.memory_space<vmem>>, vector<4096x128xf32>
    tpu.vector_store %arg5[%swap3A_75, %swap3A_76], %add3A_74 {strides = array<i32>} : memref<4096x128xf32, #tpu.memory_space<vmem>>, vector<4096x128xf32>,
    %eq3A_78 = arith.constant 47 : i32
    %eq3A_79 = arith.cmpi eq, %arg0, %eq3A_78 : i32
    %convert_element_type3A_80 = arith.extui %eq3A_79 : i1 to i32
    %cond3A_81 = arith.constant 0 : i32
    %cond3A_82 = arith.cmpi ne, %convert_element_type3A_80, %cond3A_81 : i32
    scf.if %cond3A_82 {
      %ne3A = arith.constant 0 : i32
      %ne3A_83 = vector.broadcast %ne3A : i32 to vector<4096x1xi32>
      %ne3A_84 = arith.cmpi ne, %get3A_3, %ne3A_83 : vector<4096x1xi32>
      %convert_element_type3A_85 = arith.extui %ne3A_84 : vector<4096x1xi1> to vector<4096x1xi32>
      %convert_element_type3A_86 = arith.sitofp %convert_element_type3A_85 : vector<4096x1xi32> to vector<4096x1xf32>
      %reduce_sum3A = vector.shape_cast %convert_element_type3A_86 : vector<4096x1xf32> to vector<1x4096x1xf32>
      %reduce_sum3A_87 = arith.constant dense<0.000000e+00> : vector<1xf32>
      %reduce_sum3A_88 = vector.multi_reduction <add>, %reduce_sum3A, %reduce_sum3A_87 [1, 2] : vector<1x4096x1xf32> to vector<1xf32>
      %reduce_sum3A_89 = vector.shape_cast %reduce_sum3A_88 : vector<1xf32> to vector<1x1x1xf32>
      %reduce_sum3A_90 = vector.extract %reduce_sum3A_89[0, 0, 0] : f32 from vector<1x1x1xf32>
      %get3A_91 = arith.constant 0 : index
      %get3A_92 = arith.constant 0 : index
      %get3A_93 = vector.load %arg6[%get3A_91, %get3A_92] : memref<4096x1xf32, #tpu.memory_space<vmem>>, vector<4096x1xf32>
      %mul3A_94 = arith.mulf %convert_element_type3A_86, %get3A_93 : vector<4096x1xf32>
      %reduce_sum3A_95 = vector.shape_cast %mul3A_94 : vector<4096x1xf32> to vector<1x4096x1xf32>
      %reduce_sum3A_96 = arith.constant dense<0.000000e+00> : vector<1xf32>
      %reduce_sum3A_97 = vector.multi_reduction <add>, %reduce_sum3A_95, %reduce_sum3A_96 [1, 2] : vector<1x4096x1xf32> to vector<1xf32>
      %reduce_sum3A_98 = vector.shape_cast %reduce_sum3A_97 : vector<1xf32> to vector<1x1x1xf32>
      %reduce_sum3A_99 = vector.extract %reduce_sum3A_98[0, 0, 0] : f32 from vector<1x1x1xf32>
      %get3A_100 = arith.constant 0 : index
      %get3A_101 = arith.constant 0 : index
      %get3A_102 = vector.load %arg4[%get3A_100, %get3A_101] : memref<4096x128xf32, #tpu.memory_space<vmem>>, vector<4096x128xf32>
      %mul3A_103 = vector.broadcast %convert_element_type3A_86 : vector<4096x1xf32> to vector<4096x128xf32>
      %mul3A_104 = arith.mulf %mul3A_103, %get3A_102 : vector<4096x128xf32>
      %reduce_sum3A_105 = vector.shape_cast %mul3A_104 : vector<4096x128xf32> to vector<1x4096x128xf32>
      %reduce_sum3A_106 = arith.constant dense<0.000000e+00> : vector<1xf32>
      %reduce_sum3A_107 = vector.multi_reduction <add>, %reduce_sum3A_105, %reduce_sum3A_106 [1, 2] : vector<1x4096x128xf32> to vector<1xf32>
      %reduce_sum3A_108 = vector.shape_cast %reduce_sum3A_107 : vector<1xf32> to vector<1x1x1xf32>
      %reduce_sum3A_109 = vector.extract %reduce_sum3A_108[0, 0, 0] : f32 from vector<1x1x1xf32>
      %get3A_110 = arith.constant 0 : index
      %get3A_111 = arith.constant 0 : index
      %get3A_112 = vector.load %arg5[%get3A_110, %get3A_111] : memref<4096x128xf32, #tpu.memory_space<vmem>>, vector<4096x128xf32>
      %mul3A_113 = vector.broadcast %convert_element_type3A_86 : vector<4096x1xf32> to vector<4096x128xf32>
      %mul3A_114 = arith.mulf %mul3A_113, %get3A_112 : vector<4096x128xf32>
      %reduce_sum3A_115 = vector.shape_cast %mul3A_114 : vector<4096x128xf32> to vector<1x4096x128xf32>
      %reduce_sum3A_116 = arith.constant dense<0.000000e+00> : vector<1xf32>
      %reduce_sum3A_117 = vector.multi_reduction <add>, %reduce_sum3A_115, %reduce_sum3A_116 [1, 2] : vector<1x4096x128xf32> to vector<1xf32>
      %reduce_sum3A_118 = vector.shape_cast %reduce_sum3A_117 : vector<1xf32> to vector<1x1x1xf32>
      %reduce_sum3A_119 = vector.extract %reduce_sum3A_118[0, 0, 0] : f32 from vector<1x1x1xf32>
      %mul3A_120 = arith.constant -1.3624258 : f32
      %mul3A_121 = arith.mulf %mul3A_120, %reduce_sum3A_90 : f32
      %mul3A_122 = arith.constant 3.12519524E-6 : f32
      %mul3A_123 = arith.mulf %mul3A_122, %reduce_sum3A_99 : f32
      %add3A_124 = arith.addf %mul3A_121, %mul3A_123 : f32
      %mul3A_125 = arith.constant 3.12519524E-6 : f32
      %mul3A_126 = arith.mulf %mul3A_125, %reduce_sum3A_109 : f32
      %sub3A = arith.subf %add3A_124, %mul3A_126 : f32
      %mul3A_127 = arith.constant -0.899996876 : f32
      %mul3A_128 = arith.mulf %mul3A_127, %reduce_sum3A_119 : f32
      %add3A_129 = arith.addf %sub3A, %mul3A_128 : f32
      %swap3A_130 = arith.constant 0 : index
      %swap3A_131 = arith.constant 0 : index
      %swap3A_132 = memref.load %arg3[%swap3A_130, %swap3A_131] : memref<1x1xf32, #tpu.memory_space<smem>>
      memref.store %add3A_129, %arg3[%swap3A_130, %swap3A_131] : memref<1x1xf32, #tpu.memory_space<smem>>
    } else {
    }
    return
  }
  func.func @transform_0(%arg0: i32) -> (i32, i32) {
    %c0_i32 = arith.constant 0 : i32
    %c0_i32_0 = arith.constant 0 : i32
    return %c0_i32, %arg0 : i32, i32
  }
  func.func @transform_1(%arg0: i32) -> (i32, i32) {
    %c0_i32 = arith.constant 0 : i32
    %c0_i32_0 = arith.constant 0 : i32
    %c0_i32_1 = arith.constant 0 : i32
    return %c0_i32, %c0_i32_0 : i32, i32
  }
  func.func @transform_2(%arg0: i32) -> (i32, i32) {
    %c0_i32 = arith.constant 0 : i32
    %c0_i32_0 = arith.constant 0 : i32
    %c0_i32_1 = arith.constant 0 : i32
    return %c0_i32, %c0_i32_0 : i32, i32
  }
}

module attributes {stable_mosaic.version = 14 : i64} {
  func.func @_combine_body(%arg0: memref<1x1xf32, #tpu.memory_space<smem>>, %arg1: memref<32x16xf32, #tpu.memory_space<vmem>>, %arg2: memref<1x1xf32, #tpu.memory_space<smem>>) attributes {dimension_semantics = [], scalar_prefetch = 0 : i64, scratch_operands = 0 : i64, tpu.core_type = #tpu.core_type<tc>} {
    %get3A = arith.constant 0 : index
    %get3A_0 = arith.constant 0 : index
    %get3A_1 = memref.load %arg0[%get3A, %get3A_0] : memref<1x1xf32, #tpu.memory_space<smem>>
    %get3A_2 = arith.constant 0 : index
    %get3A_3 = arith.constant 0 : index
    %get3A_4 = vector.load %arg1[%get3A_2, %get3A_3] : memref<32x16xf32, #tpu.memory_space<vmem>>, vector<32x16xf32>
    %reduce_sum3A = vector.shape_cast %get3A_4 : vector<32x16xf32> to vector<1x32x16xf32>
    %reduce_sum3A_5 = arith.constant dense<0.000000e+00> : vector<1xf32>
    %reduce_sum3A_6 = vector.multi_reduction <add>, %reduce_sum3A, %reduce_sum3A_5 [1, 2] : vector<1x32x16xf32> to vector<1xf32>
    %reduce_sum3A_7 = vector.shape_cast %reduce_sum3A_6 : vector<1xf32> to vector<1x1x1xf32>
    %reduce_sum3A_8 = vector.extract %reduce_sum3A_7[0, 0, 0] : f32 from vector<1x1x1xf32>
    %add3A = arith.addf %get3A_1, %reduce_sum3A_8 : f32
    %swap3A = arith.constant 0 : index
    %swap3A_9 = arith.constant 0 : index
    %swap3A_10 = memref.load %arg2[%swap3A, %swap3A_9] : memref<1x1xf32, #tpu.memory_space<smem>>
    memref.store %add3A, %arg2[%swap3A, %swap3A_9] : memref<1x1xf32, #tpu.memory_space<smem>>
    return
  }
}

</mosaic_0001>

<sc_bundles>
// kernel: kernel.5.cloned.1.call-start
scs
__scs_entry_jumppad:
0x0: {  	(pc) =	sbr.rel $0x88, $3  }
0x1: {  	(tag) =	ssettag $0x0;
	lr =	simm.s32 $0x1  }
0x2: {  	[smem:$0x3F9F] =	sst lr;
	_ =	strace $0xD0000000  }
0x3: {  	_ = 	snop  }
0x4: {  	_ = 	snop  }
0x5: {  	_ = 	snop  }
0x6: {  	_ = 	snop  }
0x7: {  	_ = 	snop  }
__scs_overlays_trampoline_lowered:
0x8: {  	[smem:$0x3FAE] =	sst s0  }
0x9: {  	[smem:$0x3FAF] =	sst s1  }
0xa: {  	[smem:$0x3FB0] =	sst s2  }
0xb: {  	[smem:$0x3FB1] =	sst s3  }
0xc: {  	[smem:$0x3FB2] =	sst s4  }
0xd: {  	[smem:$0x3FB3] =	sst s5  }
0xe: {  	[smem:$0x3FB4] =	sst s6  }
0xf: {  	[smem:$0x3FB5] =	sst s7  }
0x10: {  	[smem:$0x3FB6] =	sst s8  }
0x11: {  	[smem:$0x3FB7] =	sst s9;
	s0 =	simm.s32 @!p0 $0x0  }
0x12: {  	s1 =	sld [smem:$0x3F9D];
	s0 =	simm.s32 @p0 $0x1  }
0x13: {  	[smem:$0x3FB8] =	sst s0;
	s0 =	simm.s32 @!p1 $0x0  }
0x14: {  	s2 =	sld [smem:$0x3F9C];
	s0 =	simm.s32 @p1 $0x1  }
0x15: {  	[smem:$0x3FB9] =	sst s0;
	s0 =	simm.s32 @!p2 $0x0  }
0x16: {  	s3 =	sld [smem:$0x3FDB];
	s0 =	simm.s32 @p2 $0x1  }
0x17: {  	s4 =	simm.s32 $0x1BF5;
	[smem:$0x3FBB] =	sst s0  }
0x18: {  	s0 =	sld [smem:$0x3F9E];
	_ =	swait.ge [sflag:s4], $0x0  }
0x19: {  	s7 =	sld [smem:$0x3F9F]  }
0x1a: {  	s8 =	sadd.s32 $0xFFFFE003, lr  }
0x1b: {  	s9 =	sadd.s32 $0xFFFFFEF7, lr;
	s5 =	simm.s32 $0xFFFFFFFF;
	p2 =	slt.u32 s8, $0xFFFFF086  }
0x1c: {  	p1 =	slt.u32 s9, $0xF7A;
	s5 =	simm.s32 @!p2 $0x0  }
0x1d: {  	s5 =	simm.s32 @p1 $0x1;
	p0 =	seq.s32 s7, s2  }
0x1e: {  	s7 =	smul.u32 @!p0 $0xF7A, s2;
	p2 =	seq.s32 @!p0 s5, $0x0  }
0x1f: {  	s9 =	smul.u32 $0xF7A, s1;
	s8 =	simm.s32 @!p0 $0x1BF5;
	p2 =	por !p2, p0  }
0x20: {  	[sflag:s8] =	ssyncset.s32 @!p0 $0xFFFFF086;
	s6 =	sadd.s32 @!p0 s3, s7;
	s7 =	simm.s32 @!p0 $0x108  }
0x21: {  	s3 =	sadd.s32 s3, s9;
	s6 =	sadd.s32 @!p0 $0x88, s6;
	s7 =	simm.s32 @p2 $0x1082  }
0x22: {  	[simem:s7], [sflag:s8] =	dma.local @!p0 [hbm:s6], $0xF7A  }
0x23: {  	s9 =	sor.u32 $0xD0000000, s2;
	s6 =	simm.s32 $0x108;
	_ =	swait.ge @!p0 [sflag:s8], $0x0  }
0x24: {  	s3 =	sadd.s32 $0x88, s3;
	s6 =	simm.s32 @!p1 $0x1082;
	[sflag:s4] =	ssyncset.s32 $0xFFFFF086  }
0x25: {  	[simem:s6], [sflag:s4] =	dma.local [hbm:s3], $0xF7A  }
0x26: {  	[smem:$0x3F9F] =	sst s1;
	(tag) =	ssettag s2;
	_ =	strace s9  }
0x27: {  	s1 =	sld [smem:$0x3FAF]  }
0x28: {  	s2 =	sld [smem:$0x3FB0]  }
0x29: {  	s4 =	sld [smem:$0x3FB2]  }
0x2a: {  	p0 =	seq.s32 s5, $0x0;
	s5 =	sld [smem:$0x3FB3]  }
0x2b: {  	s6 =	sld [smem:$0x3FB4]  }
0x2c: {  	s7 =	sld [smem:$0x3FB5]  }
0x2d: {  	s3 =	simm.s32 $0x108;
	s8 =	sld [smem:$0x3FB6]  }
0x2e: {  	s3 =	simm.s32 @!p0 $0x1082;
	s9 =	sld [smem:$0x3FB7]  }
0x2f: {  	lr =	sadd.s32 s0, s3;
	s0 =	sld [smem:$0x3FAE]  }
0x30: {  	s3 =	sld [smem:$0x3FB1]  }
0x31: {  	[smem:$0x3FBA] =	sst s10  }
0x32: {  	s10 =	sld [smem:$0x3FB8];
	_ =	sdelay $0x3  }
0x33: {  	p0 =	seq.s32 s10, $0x1;
	s10 =	sld [smem:$0x3FBA];
	_ =	sdelay $0x3  }
0x34: {  	[smem:$0x3FBA] =	sst s10  }
0x35: {  	s10 =	sld [smem:$0x3FB9];
	_ =	sdelay $0x3  }
0x36: {  	p1 =	seq.s32 s10, $0x1;
	s10 =	sld [smem:$0x3FBA];
	_ =	sdelay $0x3  }
0x37: {  	[smem:$0x3FBA] =	sst s10  }
0x38: {  	s10 =	sld [smem:$0x3FBB]  }
0x39: {  	_ = 	snop;
	(pc) =	sbr.ind lr, $3  }
0x3a: {  	_ = 	snop  }
0x3b: {  	_ = 	snop  }
0x3c: {  	p2 =	seq.s32 s10, $0x1;
	s10 =	sld [smem:$0x3FBA]  }
0x3d: {  	_ =	shalt  }
0x3e: {  	_ =	shalt  }
0x3f: {  	_ =	shalt  }
0x40: {  	_ =	shalt  }
0x41: {  	_ =	shalt  }
0x42: {  	_ =	shalt  }
0x43: {  	_ =	shalt  }
0x44: {  	_ =	shalt  }
0x45: {  	_ =	shalt  }
0x46: {  	_ =	shalt  }
0x47: {  	_ =	shalt  }
0x48: {  	_ =	shalt  }
0x49: {  	_ =	shalt  }
0x4a: {  	_ =	shalt  }
0x4b: {  	_ =	shalt  }
0x4c: {  	_ =	shalt  }
0x4d: {  	_ =	shalt  }
0x4e: {  	_ =	shalt  }
0x4f: {  	_ =	shalt  }
0x50: {  	_ =	shalt  }
0x51: {  	_ =	shalt  }
0x52: {  	_ =	shalt  }
0x53: {  	_ =	shalt  }
0x54: {  	_ =	shalt  }
0x55: {  	_ =	shalt  }
0x56: {  	_ =	shalt  }
0x57: {  	_ =	shalt  }
0x58: {  	_ =	shalt  }
0x59: {  	_ =	shalt  }
0x5a: {  	_ =	shalt  }
0x5b: {  	_ =	shalt  }
0x5c: {  	_ =	shalt  }
0x5d: {  	_ =	shalt  }
0x5e: {  	_ =	shalt  }
0x5f: {  	_ =	shalt  }
0x60: {  	_ =	shalt  }
0x61: {  	_ =	shalt  }
0x62: {  	_ =	shalt  }
0x63: {  	_ =	shalt  }
0x64: {  	_ =	shalt  }
0x65: {  	_ =	shalt  }
0x66: {  	_ =	shalt  }
0x67: {  	_ =	shalt  }
0x68: {  	_ =	shalt  }
0x69: {  	_ =	shalt  }
0x6a: {  	_ =	shalt  }
0x6b: {  	_ =	shalt  }
0x6c: {  	_ =	shalt  }
0x6d: {  	_ =	shalt  }
0x6e: {  	_ =	shalt  }
0x6f: {  	_ =	shalt  }
0x70: {  	_ =	shalt  }
0x71: {  	_ =	shalt  }
0x72: {  	_ =	shalt  }
0x73: {  	_ =	shalt  }
0x74: {  	_ =	shalt  }
0x75: {  	_ =	shalt  }
0x76: {  	_ =	shalt  }
0x77: {  	_ =	shalt  }
0x78: {  	_ =	shalt  }
0x79: {  	_ =	shalt  }
0x7a: {  	_ =	shalt  }
0x7b: {  	_ =	shalt  }
0x7c: {  	_ =	shalt  }
0x7d: {  	_ =	shalt  }
0x7e: {  	_ =	shalt  }
0x7f: {  	_ =	shalt  }
0x80: {  	_ =	shalt  }
0x81: {  	_ =	shalt  }
0x82: {  	_ =	shalt  }
0x83: {  	_ =	shalt  }
0x84: {  	_ =	shalt  }
0x85: {  	_ =	shalt  }
0x86: {  	_ =	shalt  }
0x87: {  	_ =	shalt  }
.Lfunc_end0:
.L_simem_size_0:
called_computation_lowered:
.L_overlay_start_0:
0x88: {  	s2 =	sld [smem:$0x3FD9]  }
0x89: {  	s3 =	sld [smem:$0x3FFE];
	_ =	sdelay $0x1  }
0x8a: {  	s1 =	srdreg.scid  }
0x8b: {  	s0 =	sand.u32 $0x1, s1  }
0x8c: {  	s17 =	sshll.u32 s0, $0xA;
	s2 =	sadd.s32 s3, s2  }
0x8d: {  	s2 =	sadd.s32 s2, s17  }
0x8e: {  	[smem:$0x3FC6] =	sst s2  }
0x8f: {  	_ = 	snop  }
0x90: {  	s2 =	sld [smem:$0x3FC9]  }
0x91: {  	s18 =	sld [smem:$0x3FC8];
	(tm) =	ssettm $0x1  }
0x92: {  	s4 =	sld [smem:$0x3FFB];
	_ =	sdelay $0x3  }
0x93: {  	_ =	strace s4  }
0x94: {  	s4 =	sld [smem:$0x3FFC];
	_ =	sdelay $0x3  }
0x95: {  	_ =	strace s4  }
0x96: {  	s4 =	sld [smem:$0x3FFD];
	_ =	sdelay $0x3  }
0x97: {  	_ =	strace s4  }
0x98: {  	_ =	strace $0x8FFFFFFF  }
0x99: {  	s19 =	sld [smem:$0x3FDB];
	_ =	sdelay $0x1  }
0x9a: {  	s5 =	simm.s32 $_scs_section_size  }
0x9b: {  	s6 =	simm.s32 $_size__tile_overlayer_lowered;
	s7 =	simm.s32 $_tile_overlayer_lowered  }
0x9c: {  	s22 =	simm.s32 $0x1BFF;
	s21 =	sshll.u32 s7, $0x1;
	s4 =	sadd.s32 s5, s19  }
0x9d: {  	s8 =	simm.s32 $0x0;
	s20 =	sshll.u32 s6, $0x1;
	s6 =	sadd.s32 s21, s4  }
0x9e: {  	[timem:s8], [sflag:s22] =	dma.local [hbm:s6], s20  }
0x9f: {  	_ =	swait.ge [sflag:s22], s20  }
0xa0: {  	s5 =	ssub.s32 $0x0, s20;
	[sflag:s22] =	ssyncset.done $0x0  }
0xa1: {  	[sflag:s22] =	ssyncadd.s32 s5;
	_ =	sdelay $0x1  }
0xa2: {  	s23 =	simm.s32 $0x1B8B  }
0xa3: {  	_ =	swait.ge [sflag:s23], $0x1  }
0xa4: {  	[sflag:s23] =	ssyncset.done $0x0  }
0xa5: {  	s25 =	simm.s32 $0x1B8E;
	s24 =	sld [smem:$0x3FFE];
	[sflag:s23] =	ssyncadd.s32 $0xFFFFFFFF  }
0xa6: {  	s26 =	simm.s32 $execute0_lowered;
	[smem:$0x3FD2] =	sst s25  }
0xa7: {  	s6 =	sshll.u32 s26, $0x1;
	_ =	strace $0x80000046;
	[dreg:$0x1] =	wrdreg $0xFFFFFFFF  }
0xa8: {  	s28 =	simm.s32 $_size_execute0_lowered;
	s4 =	sadd.s32 s4, s6;
	[dreg:$0x0] =	wrdreg $0x0  }
0xa9: {  	s6 =	sshll.u32 s28, $0x1;
	[dreg:$0x2] =	wrdreg s4  }
0xaa: {  	[dreg:$0x3] =	wrdreg s6  }
0xab: {  	[dreg:$0x4] =	wrdreg $0xC0  }
0xac: {  	_ =	task [dreg:s8], $0x5FFFF  }
0xad: {  	[dreg:$0x1] =	wrdreg $0xFFFFFFFF  }
0xae: {  	[dreg:$0x0] =	wrdreg $0x60  }
0xaf: {  	[dreg:$0x2] =	wrdreg s2  }
0xb0: {  	[dreg:$0x3] =	wrdreg s18  }
0xb1: {  	[dreg:$0x4] =	wrdreg s24  }
0xb2: {  	[dreg:$0x5] =	wrdreg $0x9  }
0xb3: {  	_ =	task.clear_ibuf [dreg:s8], $0x6FFFF;
	_ =	strace $0x90000046  }
0xb4: {  	s29 =	simm.s32 $0x9;
	_ =	strace $0x80000048  }
0xb5: {  	_ =	swait.ge [sflag:s29], $0x1  }
0xb6: {  	[sflag:s29] =	ssyncadd.s32 $0xFFFFFFFF  }
0xb7: {  	_ =	strace $0x90000048  }
0xb8: {  	_ =	sfence  }
0xb9: {  	s30 =	sld [smem:$0x0];
	_ =	sdelay $0x2  }
0xba: {  	s31 =	sshll.u32 s1, $0xD;
	s1 =	sshrl.u32 s1, $0x2  }
0xbb: {  	s3 =	sand.u32 $0x4000, s31;
	s1 =	sadd.s32 s1, s30  }
0xbc: {  	s0 =	sor.u32 s3, s0;
	s1 =	sshll.u32 s1, $0x11  }
0xbd: {  	s0 =	sor.u32 s1, s0  }
0xbe: {  	s0 =	sadd.s32 $0x8F2B, s0  }
0xbf: {  	[sflag:s0] =	ssyncadd.remote.s32 $0x1  }
0xc0: {  	_ =	sfence.sel $0xFFFF  }
0xc1: {  	[dreg:$0x0] =	wrdreg $0xFFFFFFFF;
	(pc) =	sbr.abs _section_cstart, $3  }
0xc2: {  	[dreg:$0x1] =	wrdreg $0xFFFFFFFF  }
0xc3: {  	_ =	task.clear_ibuf [dreg:s8], $0x2FFFF;
	_ =	strace $0x9FFFFFFF  }
0xc4: {  	(tm) =	ssettm $0x7FFFFFFF  }
0xc5: {  	_ =	shalt  }
tec
execute0_lowered:
.L_overlay_start_1:
0x0: {  	(tag) =	ssettag $0x1  }
0x1: {  	s1 =	rddreg [dreg:$0x0];
	v0 =	vlaneseq.u32  }
0x2: {  	s4 =	rddreg [dreg:$0x1];
	v0 =	vmul.u32 $0x80, v0  }
0x3: {  	s5 =	rddreg [dreg:$0x2];
	s3 =	simm.s32 $0x0  }
0x4: {  	s2 =	srdreg.scid;
	[smem:$0x7FF] =	sst s3;
	v2 =	vor.u32 $0x1, v0  }
0x5: {  	s6 =	sand.u32 $0x1, s2;
	s2 =	rddreg [dreg:$0x3];
	_ =	strace $0x80000047;
	[tilespmem:$0x1FF30] =	vst v2;
	v2 =	vor.u32 $0x2, v0  }
0x6: {  	[tilespmem:$0x1FF40] =	vst v2;
	v2 =	vor.u32 $0x3, v0  }
0x7: {  	[tilespmem:$0x1FF50] =	vst v2;
	v2 =	vor.u32 $0x4, v0  }
0x8: {  	s0 =	stileid.u32;
	s13 =	simm.s32 $0x3E800;
	[tilespmem:$0x1FF60] =	vst v2;
	v2 =	vor.u32 $0x5, v0  }
0x9: {  	s14 =	simm.s32 $0x80;
	s15 =	simm.s32 $0x4080;
	s16 =	simm.s32 $0x2;
	[tilespmem:$0x1FF70] =	vst v2;
	v2 =	vor.u32 $0x6, v0  }
0xa: {  	s17 =	simm.s32 $0x3;
	s18 =	simm.s32 $0x8080;
	s7 =	sshll.u32 s0, $0x1;
	[tilespmem:$0x1FF80] =	vst v2;
	v2 =	vor.u32 $0x7, v0  }
0xb: {  	s19 =	simm.s32 $0xC100;
	s20 =	simm.s32 $0x4;
	s7 =	sor.u32 s6, s7;
	[tilespmem:$0x1FF90] =	vst v2;
	v2 =	vor.u32 $0x8, v0  }
0xc: {  	s6 =	ssub.s32 $0x2, s6;
	s8 =	smul.u32 $0x3E8000, s7;
	s7 =	sshll.u32 s7, $0x4;
	[tilespmem:$0x1FFA0] =	vst v2;
	v2 =	vor.u32 $0x9, v0  }
0xd: {  	s21 =	simm.s32 $0x0;
	s9 =	sshrl.u32 s6, $0x1;
	s11 =	sadd.s32 s7, s5;
	[tilespmem:$0x1FFB0] =	vst v2;
	v2 =	vor.u32 $0xA, v0  }
0xe: {  	v3 =	vor.u32 $0x1000, v0;
	s12 =	ssub.s32 s6, s9;
	s4 =	sadd.s32 s4, s7;
	s10 =	sshrl.u32 s8, $0x3;
	[tilespmem:$0x1FFC0] =	vst v2;
	v2 =	vor.u32 $0xB, v0  }
0xf: {  	v48 =	vor.u32 $0x800, v0;
	v4 =	vor.u32 $0x1800, v0;
	s7 =	sadd.s32 $0x3C800, s8;
	s8 =	sadd.s32 $0x3CC00, s8;
	s9 =	sadd.s32 $0x800, s11;
	[tilespmem:$0x1FFD0] =	vst v2;
	v2 =	vor.u32 $0xC, v0  }
0x10: {  	v5 =	vor.u32 $0x2000, v0;
	v6 =	vor.u32 $0x2800, v0;
	s11 =	simm.s32 $0x1;
	s31 =	sadd.s32 s1, s10;
	s10 =	smax.u32 s12, $0x1;
	[tilespmem:$0x1FFE0] =	vst v2;
	v2 =	vor.u32 $0xD, v0  }
0x11: {  	v1 =	vimm.f32 $0.0e+00;
	v7 =	vor.u32 $0x3000, v0;
	v8 =	vor.u32 $0x3800, v0;
	s12 =	simm.s32 $0x400;
	s5 =	sadd.s32 $0x7800, s31;
	s6 =	sadd.s32 $0x7880, s31;
	[tilespmem:$0x1FFF0] =	vst v2  }
.LBB2_1:
0x12: {  	[tilespmem:s3], [sflag:$0x1] =	stream.linear.gather [hbm4b:s4+s3], $0x80, $0x38;
	[tilespmem:$0xC180] =	vst v63  }
0x13: {  	_ =	swait.ge [sflag:s11], $0x80  }
0x14: {  	[sflag:s11] =	ssyncset.done $0x0  }
0x15: {  	s22 =	simm.s32 $0x200;
	s23 =	simm.s32 $0x0;
	[sflag:s11] =	ssyncadd.s32 $0xFFFFFF80  }
.LBB2_2:
0x16: {  	p0 =	sne.s32 s22, $0xFE00;
	[tilespmem:s23+$0x8080] =	vst v1;
	s23 =	smov.u32 s22;
	s22 =	sadd.s32 $0x200, s22  }
.Ltmp0:
0x17: {  	(pc) =	sbr.rel @p0 .LBB2_2-.Ltmp0, $2  }
0x18: {  	_ =	sdelay $0x2  }
0x19: {  	s23 =	sshra.s32 s23, $0x2  }
0x1a: {  	[tilespmem:s23+$0x8080] =	vst v1  }
0x1b: {  	[tilespmem:$0xC080] =	vst v1  }
0x1c: {  	[tilespmem:$0xC090] =	vst v1  }
0x1d: {  	[tilespmem:$0xC0A0] =	vst v1  }
0x1e: {  	[tilespmem:$0xC0B0] =	vst v1  }
0x1f: {  	[tilespmem:$0xC0C0] =	vst v1  }
0x20: {  	[tilespmem:$0xC0D0] =	vst v1  }
0x21: {  	[tilespmem:$0xC0E0] =	vst v1  }
0x22: {  	[tilespmem:$0xC0F0] =	vst v1  }
0x23: {  	[tilespmem:s14], [sflag:$0x2] =	stream.strided.gather [hbm4b:s5+s12], $0x4000, s13, s12, $0x38;
	[tilespmem:$0xC180] =	vst v63  }
0x24: {  	s22 =	simm.s32 $0x0  }
0x25: {  	[tilespmem:s15], [sflag:$0x3] =	stream.strided.gather [hbm4b:s6+s12], $0x4000, s13, s12, $0x38;
	[tilespmem:$0xC180] =	vst v63  }
.LBB2_4:
0x26: {  	_ =	swait.ge [sflag:s16], $0x4000  }
0x27: {  	[sflag:s16] =	ssyncset.done $0x0  }
0x28: {  	[sflag:s16] =	ssyncadd.s32 $0xFFFFC000  }
0x29: {  	v22 =	vld [tilespmem:$0x0];
	_ =	sdelay $0x1  }
0x2a: {  	s23 =	sshll.u32 s22, $0x8  }
0x2b: {  	s24 =	sor.u32 $0x7800, s23  }
0x2c: {  	v23 =	vmov s24  }
0x2d: {  	v22 =	vsub.s32 v22, v23  }
0x2e: {  	vm0 =	vgt.s32 v22, $0x0  }
0x2f: {  	v24 =	vnsel vm0, $0x0, v22  }
0x30: {  	v24 =	vmin.u32 v24, $0x7F  }
0x31: {  	v25 =	vld [tilespmem:$0x10];
	v24 =	vor.u32 v0, v24;
	_ =	sdelay $0x4  }
0x32: {  	v25 =	vsub.s32 v25, v23;
	v24 =	vld.idx.msk [tilespmem:v24+s14+$0x0], $0xffff  }
0x33: {  	v26 =	vld [tilespmem:$0xC080];
	vm13 =	vgt.s32 v25, $0x0  }
0x34: {  	v27 =	vnsel vm13, $0x0, v25  }
0x35: {  	v27 =	vmin.u32 v27, $0x7F  }
0x36: {  	vm14 =	vlt.u32 v22, $0x80;
	v22 =	vor.u32 v48, v27;
	v27 =	vld [tilespmem:$0x20]  }
0x37: {  	v24 =	vnsel vm14, $0x0, v24  }
0x38: {  	v24 =	vadd.f32 v24, v26;
	_ =	sdelay $0x1  }
0x39: {  	[tilespmem:$0xC080] =	vst v24  }
0x3a: {  	v24 =	vsub.s32 v27, v23;
	v22 =	vld.idx.msk [tilespmem:v22+s14+$0x0], $0xffff  }
0x3b: {  	v26 =	vld [tilespmem:$0xC090];
	vm15 =	vgt.s32 v24, $0x0  }
0x3c: {  	v27 =	vnsel vm15, $0x0, v24  }
0x3d: {  	v27 =	vmin.u32 v27, $0x7F  }
0x3e: {  	vm4 =	vlt.u32 v25, $0x80;
	v25 =	vor.u32 v3, v27;
	v27 =	vld [tilespmem:$0x30]  }
0x3f: {  	v22 =	vnsel vm4, $0x0, v22  }
0x40: {  	v22 =	vadd.f32 v22, v26;
	_ =	sdelay $0x1  }
0x41: {  	[tilespmem:$0xC090] =	vst v22  }
0x42: {  	v22 =	vld.idx.msk [tilespmem:v25+s14+$0x0], $0xffff;
	v25 =	vsub.s32 v27, v23  }
0x43: {  	v26 =	vld [tilespmem:$0xC0A0];
	vm5 =	vgt.s32 v25, $0x0  }
0x44: {  	v27 =	vnsel vm5, $0x0, v25  }
0x45: {  	v27 =	vmin.u32 v27, $0x7F  }
0x46: {  	vm6 =	vlt.u32 v24, $0x80;
	v24 =	vor.u32 v4, v27;
	v27 =	vld [tilespmem:$0x40]  }
0x47: {  	v22 =	vnsel vm6, $0x0, v22  }
0x48: {  	v22 =	vadd.f32 v22, v26;
	_ =	sdelay $0x1  }
0x49: {  	[tilespmem:$0xC0A0] =	vst v22  }
0x4a: {  	v22 =	vld.idx.msk [tilespmem:v24+s14+$0x0], $0xffff;
	v24 =	vsub.s32 v27, v23  }
0x4b: {  	v26 =	vld [tilespmem:$0xC0B0];
	vm7 =	vgt.s32 v24, $0x0  }
0x4c: {  	v27 =	vnsel vm7, $0x0, v24  }
0x4d: {  	v27 =	vmin.u32 v27, $0x7F  }
0x4e: {  	vm8 =	vlt.u32 v25, $0x80;
	v25 =	vor.u32 v5, v27;
	v27 =	vld [tilespmem:$0x50]  }
0x4f: {  	v22 =	vnsel vm8, $0x0, v22  }
0x50: {  	v22 =	vadd.f32 v22, v26;
	_ =	sdelay $0x1  }
0x51: {  	[tilespmem:$0xC0B0] =	vst v22  }
0x52: {  	v22 =	vld.idx.msk [tilespmem:v25+s14+$0x0], $0xffff;
	v25 =	vsub.s32 v27, v23  }
0x53: {  	v26 =	vld [tilespmem:$0xC0C0];
	vm9 =	vgt.s32 v25, $0x0  }
0x54: {  	v27 =	vnsel vm9, $0x0, v25  }
0x55: {  	v27 =	vmin.u32 v27, $0x7F  }
0x56: {  	vm10 =	vlt.u32 v24, $0x80;
	v24 =	vor.u32 v6, v27;
	v27 =	vld [tilespmem:$0x60]  }
0x57: {  	v22 =	vnsel vm10, $0x0, v22  }
0x58: {  	v22 =	vadd.f32 v22, v26;
	_ =	sdelay $0x1  }
0x59: {  	[tilespmem:$0xC0C0] =	vst v22  }
0x5a: {  	v22 =	vld.idx.msk [tilespmem:v24+s14+$0x0], $0xffff;
	v24 =	vsub.s32 v27, v23  }
0x5b: {  	v26 =	vld [tilespmem:$0xC0D0];
	vm11 =	vgt.s32 v24, $0x0  }
0x5c: {  	v27 =	vnsel vm11, $0x0, v24  }
0x5d: {  	v27 =	vmin.u32 v27, $0x7F  }
0x5e: {  	vm12 =	vlt.u32 v25, $0x80;
	v25 =	vor.u32 v7, v27;
	v27 =	vld [tilespmem:$0x70]  }
0x5f: {  	v22 =	vnsel vm12, $0x0, v22  }
0x60: {  	v22 =	vadd.f32 v22, v26;
	_ =	sdelay $0x1  }
0x61: {  	[tilespmem:$0xC0D0] =	vst v22  }
0x62: {  	v22 =	vld.idx.msk [tilespmem:v25+s14+$0x0], $0xffff;
	v23 =	vsub.s32 v27, v23  }
0x63: {  	v25 =	vld [tilespmem:$0xC0E0];
	vm13 =	vgt.s32 v23, $0x0  }
0x64: {  	v26 =	vnsel vm13, $0x0, v23  }
0x65: {  	v26 =	vmin.u32 v26, $0x7F  }
0x66: {  	vm14 =	vlt.u32 v24, $0x80;
	v24 =	vor.u32 v8, v26  }
0x67: {  	v22 =	vnsel vm14, $0x0, v22  }
0x68: {  	v22 =	vadd.f32 v22, v25;
	_ =	sdelay $0x1  }
0x69: {  	[tilespmem:$0xC0E0] =	vst v22  }
0x6a: {  	v22 =	vld.idx.msk [tilespmem:v24+s14+$0x0], $0xffff  }
0x6b: {  	v24 =	vld [tilespmem:$0xC0F0];
	_ =	sdelay $0x2  }
0x6c: {  	vm15 =	vlt.u32 v23, $0x80  }
0x6d: {  	v22 =	vnsel vm15, $0x0, v22  }
0x6e: {  	v22 =	vadd.f32 v22, v24;
	_ =	sdelay $0x1  }
0x6f: {  	s25 =	simm.s32 $0x0;
	[tilespmem:$0xC0F0] =	vst v22  }
0x70: {  	v22 =	vld [tilespmem:s25+$0x80]  }
0x71: {  	v23 =	vld [tilespmem:s25+$0x90];
	_ =	sdelay $0x1  }
0x72: {  	v24 =	vld [tilespmem:s25+$0xA0];
	_ =	sdelay $0x1  }
0x73: {  	v25 =	vld [tilespmem:s25+$0xB0]  }
0x74: {  	v22 =	vadd.f32 v23, v22  }
0x75: {  	v23 =	vld [tilespmem:s25+$0xC0]  }
0x76: {  	s24 =	simm.s32 $0x80;
	v26 =	vld [tilespmem:s25+$0xD0];
	v22 =	vadd.f32 v24, v22  }
0x77: {  	v27 =	vld [tilespmem:s24+$0x80]  }
0x78: {  	v28 =	vld [tilespmem:s24+$0x90];
	v22 =	vadd.f32 v25, v22  }
0x79: {  	v29 =	vld [tilespmem:s25+$0xE0]  }
0x7a: {  	v30 =	vld [tilespmem:s24+$0xA0];
	v22 =	vadd.f32 v23, v22  }
0x7b: {  	v31 =	vld [tilespmem:s25+$0xF0]  }
0x7c: {  	v24 =	vld [tilespmem:s24+$0xB0];
	v22 =	vadd.f32 v26, v22  }
0x7d: {  	v23 =	vadd.f32 v28, v27;
	v26 =	vld [tilespmem:s25+$0x8080]  }
0x7e: {  	s26 =	simm.s32 $0x100;
	v25 =	vld [tilespmem:s24+$0xC0];
	v28 =	vadd.f32 v29, v22  }
0x7f: {  	v27 =	vadd.f32 v30, v23;
	v23 =	vld [tilespmem:s26+$0x80]  }
0x80: {  	s28 =	simm.s32 $0x600;
	v22 =	vld [tilespmem:s24+$0xD0];
	v28 =	vadd.f32 v31, v28  }
.LBB2_5:
0x81: {  	p0 =	sne.s32 s28, $0xFE00;
	v29 =	vld [tilespmem:s26+$0x90];
	v24 =	vadd.f32 v24, v27  }
0x82: {  	v27 =	vld [tilespmem:s24+$0xE0];
	v26 =	vadd.f32 v28, v26  }
0x83: {  	v28 =	vld [tilespmem:s26+$0xA0];
	v25 =	vadd.f32 v25, v24  }
0x84: {  	v30 =	vld [tilespmem:s24+$0xF0];
	[tilespmem:s25+$0x8080] =	vst v26;
	s25 =	smov.u32 s24;
	s24 =	smov.u32 s26  }
.Ltmp1:
0x85: {  	v24 =	vld [tilespmem:s24+$0xB0];
	v22 =	vadd.f32 v22, v25;
	(pc) =	sbr.rel @p0 .LBB2_5-.Ltmp1, $4  }
0x86: {  	v23 =	vadd.f32 v29, v23;
	v26 =	vld [tilespmem:s25+$0x8080]  }
0x87: {  	v25 =	vld [tilespmem:s24+$0xC0];
	v29 =	vadd.f32 v27, v22  }
0x88: {  	s26 =	sshra.s32 s28, $0x2;
	v27 =	vadd.f32 v28, v23;
	v22 =	vld [tilespmem:s24+$0xD0]  }
0x89: {  	s28 =	sadd.s32 $0x200, s28;
	v23 =	vld [tilespmem:s26+$0x80];
	v28 =	vadd.f32 v30, v29  }
0x8a: {  	v29 =	vld [tilespmem:s26+$0x90]  }
0x8b: {  	v30 =	vld [tilespmem:s24+$0xE0];
	v24 =	vadd.f32 v24, v27;
	v26 =	vadd.f32 v28, v26  }
0x8c: {  	v27 =	vld [tilespmem:s26+$0xA0]  }
0x8d: {  	v28 =	vld [tilespmem:s24+$0xF0];
	v24 =	vadd.f32 v25, v24;
	[tilespmem:s25+$0x8080] =	vst v26  }
0x8e: {  	v25 =	vld [tilespmem:s26+$0xB0]  }
0x8f: {  	v22 =	vadd.f32 v22, v24;
	v24 =	vld [tilespmem:s24+$0x8080];
	v23 =	vadd.f32 v29, v23  }
0x90: {  	v26 =	vld [tilespmem:s26+$0xC0]  }
0x91: {  	v22 =	vadd.f32 v30, v22;
	v23 =	vadd.f32 v27, v23  }
0x92: {  	v27 =	vld [tilespmem:s26+$0xD0]  }
0x93: {  	v22 =	vadd.f32 v28, v22;
	v23 =	vadd.f32 v25, v23  }
0x94: {  	v25 =	vld [tilespmem:s26+$0xE0]  }
0x95: {  	v22 =	vadd.f32 v22, v24;
	v23 =	vadd.f32 v26, v23  }
0x96: {  	v24 =	vld [tilespmem:s26+$0xF0]  }
0x97: {  	[tilespmem:s24+$0x8080] =	vst v22;
	v22 =	vadd.f32 v27, v23  }
0x98: {  	v23 =	vld [tilespmem:s26+$0x8080]  }
0x99: {  	v22 =	vadd.f32 v25, v22;
	_ =	sdelay $0x1  }
0x9a: {  	v22 =	vadd.f32 v24, v22  }
0x9b: {  	s24 =	sshll.u32 s22, $0xB  }
0x9c: {  	s31 =	sadd.s32 s24, s7;
	v22 =	vadd.f32 v22, v23  }
0x9d: {  	s25 =	sshrl.u32 s31, $0x3  }
0x9e: {  	s25 =	sadd.s32 s1, s25;
	[tilespmem:s26+$0x8080] =	vst v22  }
0x9f: {  	[tilespmem:s14], [sflag:$0x2] =	stream.strided.gather [hbm4b:s25+s12], $0x4000, s13, s12, $0x38;
	[tilespmem:$0xC180] =	vst v63  }
0xa0: {  	_ =	swait.ge [sflag:s17], $0x4000  }
0xa1: {  	[sflag:s17] =	ssyncset.done $0x0  }
0xa2: {  	[sflag:s17] =	ssyncadd.s32 $0xFFFFC000  }
0xa3: {  	v22 =	vld [tilespmem:$0x0];
	_ =	sdelay $0x2  }
0xa4: {  	s23 =	sor.u32 $0x7880, s23  }
0xa5: {  	v23 =	vmov s23  }
0xa6: {  	v22 =	vsub.s32 v22, v23  }
0xa7: {  	vm0 =	vgt.s32 v22, $0x0  }
0xa8: {  	v24 =	vnsel vm0, $0x0, v22  }
0xa9: {  	v24 =	vmin.u32 v24, $0x7F  }
0xaa: {  	v25 =	vld [tilespmem:$0x10];
	v24 =	vor.u32 v0, v24;
	_ =	sdelay $0x4  }
0xab: {  	v25 =	vsub.s32 v25, v23;
	v24 =	vld.idx.msk [tilespmem:v24+s15+$0x0], $0xffff  }
0xac: {  	v26 =	vld [tilespmem:$0xC080];
	vm13 =	vgt.s32 v25, $0x0  }
0xad: {  	v27 =	vnsel vm13, $0x0, v25  }
0xae: {  	v27 =	vmin.u32 v27, $0x7F  }
0xaf: {  	vm14 =	vlt.u32 v22, $0x80;
	v22 =	vor.u32 v48, v27;
	v27 =	vld [tilespmem:$0x20]  }
0xb0: {  	v24 =	vnsel vm14, $0x0, v24  }
0xb1: {  	v24 =	vadd.f32 v24, v26;
	_ =	sdelay $0x1  }
0xb2: {  	[tilespmem:$0xC080] =	vst v24  }
0xb3: {  	v24 =	vsub.s32 v27, v23;
	v22 =	vld.idx.msk [tilespmem:v22+s15+$0x0], $0xffff  }
0xb4: {  	v26 =	vld [tilespmem:$0xC090];
	vm15 =	vgt.s32 v24, $0x0  }
0xb5: {  	v27 =	vnsel vm15, $0x0, v24  }
0xb6: {  	v27 =	vmin.u32 v27, $0x7F  }
0xb7: {  	vm4 =	vlt.u32 v25, $0x80;
	v25 =	vor.u32 v3, v27;
	v27 =	vld [tilespmem:$0x30]  }
0xb8: {  	v22 =	vnsel vm4, $0x0, v22  }
0xb9: {  	v22 =	vadd.f32 v22, v26;
	_ =	sdelay $0x1  }
0xba: {  	[tilespmem:$0xC090] =	vst v22  }
0xbb: {  	v22 =	vld.idx.msk [tilespmem:v25+s15+$0x0], $0xffff;
	v25 =	vsub.s32 v27, v23  }
0xbc: {  	v26 =	vld [tilespmem:$0xC0A0];
	vm5 =	vgt.s32 v25, $0x0  }
0xbd: {  	v27 =	vnsel vm5, $0x0, v25  }
0xbe: {  	v27 =	vmin.u32 v27, $0x7F  }
0xbf: {  	vm6 =	vlt.u32 v24, $0x80;
	v24 =	vor.u32 v4, v27;
	v27 =	vld [tilespmem:$0x40]  }
0xc0: {  	v22 =	vnsel vm6, $0x0, v22  }
0xc1: {  	v22 =	vadd.f32 v22, v26;
	_ =	sdelay $0x1  }
0xc2: {  	[tilespmem:$0xC0A0] =	vst v22  }
0xc3: {  	v22 =	vld.idx.msk [tilespmem:v24+s15+$0x0], $0xffff;
	v24 =	vsub.s32 v27, v23  }
0xc4: {  	v26 =	vld [tilespmem:$0xC0B0];
	vm7 =	vgt.s32 v24, $0x0  }
0xc5: {  	v27 =	vnsel vm7, $0x0, v24  }
0xc6: {  	v27 =	vmin.u32 v27, $0x7F  }
0xc7: {  	vm8 =	vlt.u32 v25, $0x80;
	v25 =	vor.u32 v5, v27;
	v27 =	vld [tilespmem:$0x50]  }
0xc8: {  	v22 =	vnsel vm8, $0x0, v22  }
0xc9: {  	v22 =	vadd.f32 v22, v26;
	_ =	sdelay $0x1  }
0xca: {  	[tilespmem:$0xC0B0] =	vst v22  }
0xcb: {  	v22 =	vld.idx.msk [tilespmem:v25+s15+$0x0], $0xffff;
	v25 =	vsub.s32 v27, v23  }
0xcc: {  	v26 =	vld [tilespmem:$0xC0C0];
	vm9 =	vgt.s32 v25, $0x0  }
0xcd: {  	v27 =	vnsel vm9, $0x0, v25  }
0xce: {  	v27 =	vmin.u32 v27, $0x7F  }
0xcf: {  	vm10 =	vlt.u32 v24, $0x80;
	v24 =	vor.u32 v6, v27;
	v27 =	vld [tilespmem:$0x60]  }
0xd0: {  	v22 =	vnsel vm10, $0x0, v22  }
0xd1: {  	v22 =	vadd.f32 v22, v26;
	_ =	sdelay $0x1  }
0xd2: {  	[tilespmem:$0xC0C0] =	vst v22  }
0xd3: {  	v22 =	vld.idx.msk [tilespmem:v24+s15+$0x0], $0xffff;
	v24 =	vsub.s32 v27, v23  }
0xd4: {  	v26 =	vld [tilespmem:$0xC0D0];
	vm11 =	vgt.s32 v24, $0x0  }
0xd5: {  	v27 =	vnsel vm11, $0x0, v24  }
0xd6: {  	v27 =	vmin.u32 v27, $0x7F  }
0xd7: {  	vm12 =	vlt.u32 v25, $0x80;
	v25 =	vor.u32 v7, v27;
	v27 =	vld [tilespmem:$0x70]  }
0xd8: {  	v22 =	vnsel vm12, $0x0, v22  }
0xd9: {  	v22 =	vadd.f32 v22, v26;
	_ =	sdelay $0x1  }
0xda: {  	[tilespmem:$0xC0D0] =	vst v22  }
0xdb: {  	v22 =	vld.idx.msk [tilespmem:v25+s15+$0x0], $0xffff;
	v23 =	vsub.s32 v27, v23  }
0xdc: {  	v25 =	vld [tilespmem:$0xC0E0];
	vm13 =	vgt.s32 v23, $0x0  }
0xdd: {  	v26 =	vnsel vm13, $0x0, v23  }
0xde: {  	v26 =	vmin.u32 v26, $0x7F  }
0xdf: {  	vm14 =	vlt.u32 v24, $0x80;
	v24 =	vor.u32 v8, v26  }
0xe0: {  	v22 =	vnsel vm14, $0x0, v22  }
0xe1: {  	v22 =	vadd.f32 v22, v25;
	_ =	sdelay $0x1  }
0xe2: {  	[tilespmem:$0xC0E0] =	vst v22  }
0xe3: {  	v22 =	vld.idx.msk [tilespmem:v24+s15+$0x0], $0xffff  }
0xe4: {  	v24 =	vld [tilespmem:$0xC0F0];
	_ =	sdelay $0x2  }
0xe5: {  	vm15 =	vlt.u32 v23, $0x80  }
0xe6: {  	v22 =	vnsel vm15, $0x0, v22  }
0xe7: {  	v22 =	vadd.f32 v22, v24;
	_ =	sdelay $0x1  }
0xe8: {  	s25 =	simm.s32 $0x0;
	[tilespmem:$0xC0F0] =	vst v22  }
0xe9: {  	v22 =	vld [tilespmem:s25+$0x4080]  }
0xea: {  	v23 =	vld [tilespmem:s25+$0x4090];
	_ =	sdelay $0x1  }
0xeb: {  	v24 =	vld [tilespmem:s25+$0x40A0];
	_ =	sdelay $0x1  }
0xec: {  	v25 =	vld [tilespmem:s25+$0x40B0]  }
0xed: {  	v22 =	vadd.f32 v23, v22  }
0xee: {  	v23 =	vld [tilespmem:s25+$0x40C0]  }
0xef: {  	s23 =	simm.s32 $0x80;
	v26 =	vld [tilespmem:s25+$0x40D0];
	v22 =	vadd.f32 v24, v22  }
0xf0: {  	v27 =	vld [tilespmem:s23+$0x4080]  }
0xf1: {  	v28 =	vld [tilespmem:s23+$0x4090];
	v22 =	vadd.f32 v25, v22  }
0xf2: {  	v29 =	vld [tilespmem:s25+$0x40E0]  }
0xf3: {  	v30 =	vld [tilespmem:s23+$0x40A0];
	v22 =	vadd.f32 v23, v22  }
0xf4: {  	v31 =	vld [tilespmem:s25+$0x40F0]  }
0xf5: {  	v24 =	vld [tilespmem:s23+$0x40B0];
	v22 =	vadd.f32 v26, v22  }
0xf6: {  	v23 =	vadd.f32 v28, v27;
	v26 =	vld [tilespmem:s25+$0x8080]  }
0xf7: {  	s26 =	simm.s32 $0x100;
	v25 =	vld [tilespmem:s23+$0x40C0];
	v28 =	vadd.f32 v29, v22  }
0xf8: {  	v27 =	vadd.f32 v30, v23;
	v23 =	vld [tilespmem:s26+$0x4080]  }
0xf9: {  	s28 =	simm.s32 $0x600;
	v22 =	vld [tilespmem:s23+$0x40D0];
	v28 =	vadd.f32 v31, v28  }
.LBB2_7:
0xfa: {  	p0 =	sne.s32 s28, $0xFE00;
	v29 =	vld [tilespmem:s26+$0x4090];
	v24 =	vadd.f32 v24, v27  }
0xfb: {  	v27 =	vld [tilespmem:s23+$0x40E0];
	v26 =	vadd.f32 v28, v26  }
0xfc: {  	v28 =	vld [tilespmem:s26+$0x40A0];
	v25 =	vadd.f32 v25, v24  }
0xfd: {  	v30 =	vld [tilespmem:s23+$0x40F0];
	[tilespmem:s25+$0x8080] =	vst v26;
	s25 =	smov.u32 s23;
	s23 =	smov.u32 s26  }
.Ltmp2:
0xfe: {  	v24 =	vld [tilespmem:s23+$0x40B0];
	v22 =	vadd.f32 v22, v25;
	(pc) =	sbr.rel @p0 .LBB2_7-.Ltmp2, $4  }
0xff: {  	v23 =	vadd.f32 v29, v23;
	v26 =	vld [tilespmem:s25+$0x8080]  }
0x100: {  	v25 =	vld [tilespmem:s23+$0x40C0];
	v29 =	vadd.f32 v27, v22  }
0x101: {  	s26 =	sshra.s32 s28, $0x2;
	v27 =	vadd.f32 v28, v23;
	v22 =	vld [tilespmem:s23+$0x40D0]  }
0x102: {  	s28 =	sadd.s32 $0x200, s28;
	v23 =	vld [tilespmem:s26+$0x4080];
	v28 =	vadd.f32 v30, v29  }
0x103: {  	v29 =	vld [tilespmem:s26+$0x4090]  }
0x104: {  	v30 =	vld [tilespmem:s23+$0x40E0];
	v24 =	vadd.f32 v24, v27;
	v26 =	vadd.f32 v28, v26  }
0x105: {  	v55 =	vld [tilespmem:s26+$0x40A0]  }
0x106: {  	v56 =	vld [tilespmem:s23+$0x40F0];
	v24 =	vadd.f32 v25, v24;
	[tilespmem:s25+$0x8080] =	vst v26  }
0x107: {  	v57 =	vld [tilespmem:s26+$0x40B0]  }
0x108: {  	v22 =	vadd.f32 v22, v24;
	v58 =	vld [tilespmem:s23+$0x8080];
	v23 =	vadd.f32 v29, v23  }
0x109: {  	v26 =	vld [tilespmem:s26+$0x40C0]  }
0x10a: {  	v22 =	vadd.f32 v30, v22;
	v23 =	vadd.f32 v55, v23  }
0x10b: {  	v59 =	vld [tilespmem:s26+$0x40D0]  }
0x10c: {  	v22 =	vadd.f32 v56, v22;
	v23 =	vadd.f32 v57, v23  }
0x10d: {  	v60 =	vld [tilespmem:s26+$0x40E0]  }
0x10e: {  	v22 =	vadd.f32 v22, v58;
	v23 =	vadd.f32 v26, v23  }
0x10f: {  	v61 =	vld [tilespmem:s26+$0x40F0]  }
0x110: {  	[tilespmem:s23+$0x8080] =	vst v22;
	v62 =	vadd.f32 v59, v23  }
0x111: {  	v63 =	vld [tilespmem:s26+$0x8080]  }
0x112: {  	v22 =	vadd.f32 v60, v62  }
0x113: {  	s22 =	sadd.s32 $0x1, s22  }
0x114: {  	p0 =	sne.s32 s22, $0x4;
	v22 =	vadd.f32 v61, v22  }
.Ltmp3:
0x115: {  	_ = 	snop;
	(pc) =	sbr.rel @p0 .LBB2_4-.Ltmp3, $4  }
0x116: {  	s31 =	sadd.s32 s24, s8;
	v22 =	vadd.f32 v22, v63  }
0x117: {  	s23 =	sshrl.u32 s31, $0x3  }
0x118: {  	s23 =	sadd.s32 s1, s23;
	[tilespmem:s26+$0x8080] =	vst v22  }
0x119: {  	[tilespmem:s15], [sflag:$0x3] =	stream.strided.gather [hbm4b:s23+s12], $0x4000, s13, s12, $0x38;
	[tilespmem:$0xC180] =	vst v63  }
0x11a: {  	_ =	swait.ge [sflag:s16], $0x4000  }
0x11b: {  	[sflag:s16] =	ssyncset.done $0x0  }
0x11c: {  	[sflag:s16] =	ssyncadd.s32 $0xFFFFC000  }
0x11d: {  	v22 =	vld [tilespmem:$0x0];
	_ =	sdelay $0x4  }
0x11e: {  	v23 =	vadd.s32 $0xFFFF8400, v22  }
0x11f: {  	vm0 =	vgt.s32 v23, $0x0  }
0x120: {  	v23 =	vnsel vm0, $0x0, v23  }
0x121: {  	v23 =	vmin.u32 v23, $0x7F  }
0x122: {  	v24 =	vld [tilespmem:$0x10];
	v23 =	vor.u32 v0, v23;
	_ =	sdelay $0x4  }
0x123: {  	v25 =	vadd.s32 $0xFFFF8400, v24;
	v23 =	vld.idx.msk [tilespmem:v23+s14+$0x0], $0xffff  }
0x124: {  	v26 =	vld [tilespmem:$0xC080];
	vm13 =	vgt.s32 v25, $0x0  }
0x125: {  	v25 =	vnsel vm13, $0x0, v25  }
0x126: {  	v22 =	vand.u32 $0xFFFFFF80, v22;
	v25 =	vmin.u32 v25, $0x7F  }
0x127: {  	vm14 =	veq.s32 v22, $0x7C00;
	v22 =	vor.u32 v48, v25;
	v25 =	vld [tilespmem:$0x20]  }
0x128: {  	v23 =	vnsel vm14, $0x0, v23  }
0x129: {  	v23 =	vadd.f32 v23, v26;
	_ =	sdelay $0x1  }
0x12a: {  	[tilespmem:$0xC080] =	vst v23  }
0x12b: {  	v23 =	vadd.s32 $0xFFFF8400, v25;
	v22 =	vld.idx.msk [tilespmem:v22+s14+$0x0], $0xffff  }
0x12c: {  	v26 =	vld [tilespmem:$0xC090];
	vm15 =	vgt.s32 v23, $0x0  }
0x12d: {  	v23 =	vnsel vm15, $0x0, v23  }
0x12e: {  	v24 =	vand.u32 $0xFFFFFF80, v24;
	v23 =	vmin.u32 v23, $0x7F  }
0x12f: {  	vm4 =	veq.s32 v24, $0x7C00;
	v24 =	vld [tilespmem:$0x30];
	v23 =	vor.u32 v3, v23  }
0x130: {  	v22 =	vnsel vm4, $0x0, v22  }
0x131: {  	v22 =	vadd.f32 v22, v26;
	_ =	sdelay $0x1  }
0x132: {  	[tilespmem:$0xC090] =	vst v22  }
0x133: {  	v22 =	vld.idx.msk [tilespmem:v23+s14+$0x0], $0xffff;
	v23 =	vadd.s32 $0xFFFF8400, v24  }
0x134: {  	v26 =	vld [tilespmem:$0xC0A0];
	vm5 =	vgt.s32 v23, $0x0  }
0x135: {  	v23 =	vnsel vm5, $0x0, v23  }
0x136: {  	v25 =	vand.u32 $0xFFFFFF80, v25;
	v23 =	vmin.u32 v23, $0x7F  }
0x137: {  	vm6 =	veq.s32 v25, $0x7C00;
	v25 =	vld [tilespmem:$0x40];
	v23 =	vor.u32 v4, v23  }
0x138: {  	v22 =	vnsel vm6, $0x0, v22  }
0x139: {  	v22 =	vadd.f32 v22, v26;
	_ =	sdelay $0x1  }
0x13a: {  	[tilespmem:$0xC0A0] =	vst v22  }
0x13b: {  	v22 =	vld.idx.msk [tilespmem:v23+s14+$0x0], $0xffff;
	v23 =	vadd.s32 $0xFFFF8400, v25  }
0x13c: {  	v26 =	vld [tilespmem:$0xC0B0];
	vm7 =	vgt.s32 v23, $0x0  }
0x13d: {  	v23 =	vnsel vm7, $0x0, v23  }
0x13e: {  	v24 =	vand.u32 $0xFFFFFF80, v24;
	v23 =	vmin.u32 v23, $0x7F  }
0x13f: {  	vm8 =	veq.s32 v24, $0x7C00;
	v24 =	vld [tilespmem:$0x50];
	v23 =	vor.u32 v5, v23  }
0x140: {  	v22 =	vnsel vm8, $0x0, v22  }
0x141: {  	v22 =	vadd.f32 v22, v26;
	_ =	sdelay $0x1  }
0x142: {  	[tilespmem:$0xC0B0] =	vst v22  }
0x143: {  	v22 =	vld.idx.msk [tilespmem:v23+s14+$0x0], $0xffff;
	v23 =	vadd.s32 $0xFFFF8400, v24  }
0x144: {  	v26 =	vld [tilespmem:$0xC0C0];
	vm9 =	vgt.s32 v23, $0x0  }
0x145: {  	v23 =	vnsel vm9, $0x0, v23  }
0x146: {  	v25 =	vand.u32 $0xFFFFFF80, v25;
	v23 =	vmin.u32 v23, $0x7F  }
0x147: {  	vm10 =	veq.s32 v25, $0x7C00;
	v25 =	vld [tilespmem:$0x60];
	v23 =	vor.u32 v6, v23  }
0x148: {  	v22 =	vnsel vm10, $0x0, v22  }
0x149: {  	v22 =	vadd.f32 v22, v26;
	_ =	sdelay $0x1  }
0x14a: {  	[tilespmem:$0xC0C0] =	vst v22  }
0x14b: {  	v22 =	vld.idx.msk [tilespmem:v23+s14+$0x0], $0xffff;
	v23 =	vadd.s32 $0xFFFF8400, v25  }
0x14c: {  	v26 =	vld [tilespmem:$0xC0D0];
	vm11 =	vgt.s32 v23, $0x0  }
0x14d: {  	v23 =	vnsel vm11, $0x0, v23  }
0x14e: {  	v24 =	vand.u32 $0xFFFFFF80, v24;
	v23 =	vmin.u32 v23, $0x7F  }
0x14f: {  	vm12 =	veq.s32 v24, $0x7C00;
	v24 =	vld [tilespmem:$0x70];
	v23 =	vor.u32 v7, v23  }
0x150: {  	v22 =	vnsel vm12, $0x0, v22  }
0x151: {  	v22 =	vadd.f32 v22, v26;
	_ =	sdelay $0x1  }
0x152: {  	[tilespmem:$0xC0D0] =	vst v22  }
0x153: {  	v22 =	vld.idx.msk [tilespmem:v23+s14+$0x0], $0xffff;
	v23 =	vadd.s32 $0xFFFF8400, v24  }
0x154: {  	v26 =	vld [tilespmem:$0xC0E0];
	vm13 =	vgt.s32 v23, $0x0  }
0x155: {  	v23 =	vnsel vm13, $0x0, v23  }
0x156: {  	v25 =	vand.u32 $0xFFFFFF80, v25;
	v23 =	vmin.u32 v23, $0x7F  }
0x157: {  	vm14 =	veq.s32 v25, $0x7C00;
	v23 =	vor.u32 v8, v23  }
0x158: {  	v22 =	vnsel vm14, $0x0, v22  }
0x159: {  	v22 =	vadd.f32 v22, v26;
	_ =	sdelay $0x1  }
0x15a: {  	[tilespmem:$0xC0E0] =	vst v22  }
0x15b: {  	v22 =	vld.idx.msk [tilespmem:v23+s14+$0x0], $0xffff  }
0x15c: {  	v23 =	vld [tilespmem:$0xC0F0];
	_ =	sdelay $0x1  }
0x15d: {  	v24 =	vand.u32 $0xFFFFFF80, v24  }
0x15e: {  	vm15 =	veq.s32 v24, $0x7C00  }
0x15f: {  	v22 =	vnsel vm15, $0x0, v22  }
0x160: {  	v22 =	vadd.f32 v22, v23;
	_ =	sdelay $0x1  }
0x161: {  	s23 =	simm.s32 $0x0;
	[tilespmem:$0xC0F0] =	vst v22  }
0x162: {  	v22 =	vld [tilespmem:s23+$0x80]  }
0x163: {  	v23 =	vld [tilespmem:s23+$0x90];
	_ =	sdelay $0x1  }
0x164: {  	v24 =	vld [tilespmem:s23+$0xA0];
	_ =	sdelay $0x1  }
0x165: {  	v25 =	vld [tilespmem:s23+$0xB0]  }
0x166: {  	v22 =	vadd.f32 v23, v22  }
0x167: {  	v23 =	vld [tilespmem:s23+$0xC0]  }
0x168: {  	s22 =	simm.s32 $0x80;
	v26 =	vld [tilespmem:s23+$0xD0];
	v22 =	vadd.f32 v24, v22  }
0x169: {  	v27 =	vld [tilespmem:s22+$0x80]  }
0x16a: {  	v28 =	vld [tilespmem:s22+$0x90];
	v22 =	vadd.f32 v25, v22  }
0x16b: {  	v29 =	vld [tilespmem:s23+$0xE0]  }
0x16c: {  	v30 =	vld [tilespmem:s22+$0xA0];
	v22 =	vadd.f32 v23, v22  }
0x16d: {  	v31 =	vld [tilespmem:s23+$0xF0]  }
0x16e: {  	v24 =	vld [tilespmem:s22+$0xB0];
	v22 =	vadd.f32 v26, v22  }
0x16f: {  	v23 =	vadd.f32 v28, v27;
	v26 =	vld [tilespmem:s23+$0x8080]  }
0x170: {  	s24 =	simm.s32 $0x100;
	v25 =	vld [tilespmem:s22+$0xC0];
	v28 =	vadd.f32 v29, v22  }
0x171: {  	v27 =	vadd.f32 v30, v23;
	v23 =	vld [tilespmem:s24+$0x80]  }
0x172: {  	s25 =	simm.s32 $0x600;
	v22 =	vld [tilespmem:s22+$0xD0];
	v28 =	vadd.f32 v31, v28  }
.LBB2_10:
0x173: {  	p0 =	sne.s32 s25, $0xFE00;
	v29 =	vld [tilespmem:s24+$0x90];
	v24 =	vadd.f32 v24, v27  }
0x174: {  	v27 =	vld [tilespmem:s22+$0xE0];
	v26 =	vadd.f32 v28, v26  }
0x175: {  	v28 =	vld [tilespmem:s24+$0xA0];
	v25 =	vadd.f32 v25, v24  }
0x176: {  	v30 =	vld [tilespmem:s22+$0xF0];
	[tilespmem:s23+$0x8080] =	vst v26;
	s23 =	smov.u32 s22;
	s22 =	smov.u32 s24  }
.Ltmp4:
0x177: {  	v24 =	vld [tilespmem:s22+$0xB0];
	v22 =	vadd.f32 v22, v25;
	(pc) =	sbr.rel @p0 .LBB2_10-.Ltmp4, $4  }
0x178: {  	v23 =	vadd.f32 v29, v23;
	v26 =	vld [tilespmem:s23+$0x8080]  }
0x179: {  	v25 =	vld [tilespmem:s22+$0xC0];
	v29 =	vadd.f32 v27, v22  }
0x17a: {  	s24 =	sshra.s32 s25, $0x2;
	v27 =	vadd.f32 v28, v23;
	v22 =	vld [tilespmem:s22+$0xD0]  }
0x17b: {  	s25 =	sadd.s32 $0x200, s25;
	v23 =	vld [tilespmem:s24+$0x80];
	v28 =	vadd.f32 v30, v29  }
0x17c: {  	v29 =	vld [tilespmem:s24+$0x90]  }
0x17d: {  	v30 =	vld [tilespmem:s22+$0xE0];
	v24 =	vadd.f32 v24, v27;
	v26 =	vadd.f32 v28, v26  }
0x17e: {  	v27 =	vld [tilespmem:s24+$0xA0]  }
0x17f: {  	v28 =	vld [tilespmem:s22+$0xF0];
	v24 =	vadd.f32 v25, v24;
	[tilespmem:s23+$0x8080] =	vst v26  }
0x180: {  	v25 =	vld [tilespmem:s24+$0xB0]  }
0x181: {  	v22 =	vadd.f32 v22, v24;
	v24 =	vld [tilespmem:s22+$0x8080];
	v23 =	vadd.f32 v29, v23  }
0x182: {  	v26 =	vld [tilespmem:s24+$0xC0]  }
0x183: {  	v22 =	vadd.f32 v30, v22;
	v23 =	vadd.f32 v27, v23  }
0x184: {  	v27 =	vld [tilespmem:s24+$0xD0]  }
0x185: {  	v22 =	vadd.f32 v28, v22;
	v23 =	vadd.f32 v25, v23  }
0x186: {  	v25 =	vld [tilespmem:s24+$0xE0]  }
0x187: {  	v22 =	vadd.f32 v22, v24;
	v23 =	vadd.f32 v26, v23  }
0x188: {  	v24 =	vld [tilespmem:s24+$0xF0]  }
0x189: {  	[tilespmem:s22+$0x8080] =	vst v22;
	v22 =	vadd.f32 v27, v23  }
0x18a: {  	v23 =	vld [tilespmem:s24+$0x8080]  }
0x18b: {  	v22 =	vadd.f32 v25, v22;
	_ =	sdelay $0x1  }
0x18c: {  	v22 =	vadd.f32 v24, v22;
	_ =	sdelay $0x1  }
0x18d: {  	v22 =	vadd.f32 v22, v23;
	_ =	sdelay $0x1  }
0x18e: {  	[tilespmem:s24+$0x8080] =	vst v22  }
0x18f: {  	_ =	swait.ge [sflag:s17], $0x4000  }
0x190: {  	[sflag:s17] =	ssyncset.done $0x0  }
0x191: {  	[sflag:s17] =	ssyncadd.s32 $0xFFFFC000  }
0x192: {  	v22 =	vld [tilespmem:$0x0];
	_ =	sdelay $0x4  }
0x193: {  	v23 =	vadd.s32 $0xFFFF8380, v22  }
0x194: {  	vm0 =	vgt.s32 v23, $0x0  }
0x195: {  	v23 =	vnsel vm0, $0x0, v23  }
0x196: {  	v23 =	vmin.u32 v23, $0x7F  }
0x197: {  	v24 =	vld [tilespmem:$0x10];
	v23 =	vor.u32 v0, v23;
	_ =	sdelay $0x4  }
0x198: {  	v25 =	vadd.s32 $0xFFFF8380, v24;
	v23 =	vld.idx.msk [tilespmem:v23+s15+$0x0], $0xffff  }
0x199: {  	v26 =	vld [tilespmem:$0xC080];
	vm13 =	vgt.s32 v25, $0x0  }
0x19a: {  	v25 =	vnsel vm13, $0x0, v25  }
0x19b: {  	v22 =	vand.u32 $0xFFFFFF80, v22;
	v25 =	vmin.u32 v25, $0x7F  }
0x19c: {  	vm14 =	veq.s32 v22, $0x7C80;
	v22 =	vor.u32 v48, v25;
	v25 =	vld [tilespmem:$0x20]  }
0x19d: {  	v23 =	vnsel vm14, $0x0, v23  }
0x19e: {  	v23 =	vadd.f32 v23, v26;
	_ =	sdelay $0x1  }
0x19f: {  	[tilespmem:$0xC080] =	vst v23  }
0x1a0: {  	v23 =	vadd.s32 $0xFFFF8380, v25;
	v22 =	vld.idx.msk [tilespmem:v22+s15+$0x0], $0xffff  }
0x1a1: {  	v26 =	vld [tilespmem:$0xC090];
	vm15 =	vgt.s32 v23, $0x0  }
0x1a2: {  	v23 =	vnsel vm15, $0x0, v23  }
0x1a3: {  	v24 =	vand.u32 $0xFFFFFF80, v24;
	v23 =	vmin.u32 v23, $0x7F  }
0x1a4: {  	vm4 =	veq.s32 v24, $0x7C80;
	v24 =	vld [tilespmem:$0x30];
	v23 =	vor.u32 v3, v23  }
0x1a5: {  	v22 =	vnsel vm4, $0x0, v22  }
0x1a6: {  	v22 =	vadd.f32 v22, v26;
	_ =	sdelay $0x1  }
0x1a7: {  	[tilespmem:$0xC090] =	vst v22  }
0x1a8: {  	v22 =	vld.idx.msk [tilespmem:v23+s15+$0x0], $0xffff;
	v23 =	vadd.s32 $0xFFFF8380, v24  }
0x1a9: {  	v26 =	vld [tilespmem:$0xC0A0];
	vm5 =	vgt.s32 v23, $0x0  }
0x1aa: {  	v23 =	vnsel vm5, $0x0, v23  }
0x1ab: {  	v25 =	vand.u32 $0xFFFFFF80, v25;
	v23 =	vmin.u32 v23, $0x7F  }
0x1ac: {  	vm6 =	veq.s32 v25, $0x7C80;
	v25 =	vld [tilespmem:$0x40];
	v23 =	vor.u32 v4, v23  }
0x1ad: {  	v22 =	vnsel vm6, $0x0, v22  }
0x1ae: {  	v22 =	vadd.f32 v22, v26;
	_ =	sdelay $0x1  }
0x1af: {  	[tilespmem:$0xC0A0] =	vst v22  }
0x1b0: {  	v22 =	vld.idx.msk [tilespmem:v23+s15+$0x0], $0xffff;
	v23 =	vadd.s32 $0xFFFF8380, v25  }
0x1b1: {  	v26 =	vld [tilespmem:$0xC0B0];
	vm7 =	vgt.s32 v23, $0x0  }
0x1b2: {  	v23 =	vnsel vm7, $0x0, v23  }
0x1b3: {  	v24 =	vand.u32 $0xFFFFFF80, v24;
	v23 =	vmin.u32 v23, $0x7F  }
0x1b4: {  	vm8 =	veq.s32 v24, $0x7C80;
	v24 =	vld [tilespmem:$0x50];
	v23 =	vor.u32 v5, v23  }
0x1b5: {  	v22 =	vnsel vm8, $0x0, v22  }
0x1b6: {  	v22 =	vadd.f32 v22, v26;
	_ =	sdelay $0x1  }
0x1b7: {  	[tilespmem:$0xC0B0] =	vst v22  }
0x1b8: {  	v22 =	vld.idx.msk [tilespmem:v23+s15+$0x0], $0xffff;
	v23 =	vadd.s32 $0xFFFF8380, v24  }
0x1b9: {  	v26 =	vld [tilespmem:$0xC0C0];
	vm9 =	vgt.s32 v23, $0x0  }
0x1ba: {  	v23 =	vnsel vm9, $0x0, v23  }
0x1bb: {  	v25 =	vand.u32 $0xFFFFFF80, v25;
	v23 =	vmin.u32 v23, $0x7F  }
0x1bc: {  	vm10 =	veq.s32 v25, $0x7C80;
	v25 =	vld [tilespmem:$0x60];
	v23 =	vor.u32 v6, v23  }
0x1bd: {  	v22 =	vnsel vm10, $0x0, v22  }
0x1be: {  	v22 =	vadd.f32 v22, v26;
	_ =	sdelay $0x1  }
0x1bf: {  	[tilespmem:$0xC0C0] =	vst v22  }
0x1c0: {  	v22 =	vld.idx.msk [tilespmem:v23+s15+$0x0], $0xffff;
	v23 =	vadd.s32 $0xFFFF8380, v25  }
0x1c1: {  	v26 =	vld [tilespmem:$0xC0D0];
	vm11 =	vgt.s32 v23, $0x0  }
0x1c2: {  	v23 =	vnsel vm11, $0x0, v23  }
0x1c3: {  	v24 =	vand.u32 $0xFFFFFF80, v24;
	v23 =	vmin.u32 v23, $0x7F  }
0x1c4: {  	vm12 =	veq.s32 v24, $0x7C80;
	v24 =	vld [tilespmem:$0x70];
	v23 =	vor.u32 v7, v23  }
0x1c5: {  	v22 =	vnsel vm12, $0x0, v22  }
0x1c6: {  	v22 =	vadd.f32 v22, v26;
	_ =	sdelay $0x1  }
0x1c7: {  	[tilespmem:$0xC0D0] =	vst v22  }
0x1c8: {  	v22 =	vld.idx.msk [tilespmem:v23+s15+$0x0], $0xffff;
	v23 =	vadd.s32 $0xFFFF8380, v24  }
0x1c9: {  	v26 =	vld [tilespmem:$0xC0E0];
	vm13 =	vgt.s32 v23, $0x0  }
0x1ca: {  	v23 =	vnsel vm13, $0x0, v23  }
0x1cb: {  	v25 =	vand.u32 $0xFFFFFF80, v25;
	v23 =	vmin.u32 v23, $0x7F  }
0x1cc: {  	vm14 =	veq.s32 v25, $0x7C80;
	v23 =	vor.u32 v8, v23  }
0x1cd: {  	v22 =	vnsel vm14, $0x0, v22  }
0x1ce: {  	v22 =	vadd.f32 v22, v26;
	_ =	sdelay $0x1  }
0x1cf: {  	[tilespmem:$0xC0E0] =	vst v22  }
0x1d0: {  	v22 =	vld.idx.msk [tilespmem:v23+s15+$0x0], $0xffff  }
0x1d1: {  	v23 =	vld [tilespmem:$0xC0F0];
	_ =	sdelay $0x1  }
0x1d2: {  	v24 =	vand.u32 $0xFFFFFF80, v24  }
0x1d3: {  	vm15 =	veq.s32 v24, $0x7C80  }
0x1d4: {  	v22 =	vnsel vm15, $0x0, v22  }
0x1d5: {  	v22 =	vadd.f32 v22, v23;
	_ =	sdelay $0x1  }
0x1d6: {  	s23 =	simm.s32 $0x0;
	[tilespmem:$0xC0F0] =	vst v22  }
0x1d7: {  	v22 =	vld [tilespmem:s23+$0x4080]  }
0x1d8: {  	v23 =	vld [tilespmem:s23+$0x4090];
	_ =	sdelay $0x1  }
0x1d9: {  	v24 =	vld [tilespmem:s23+$0x40A0];
	_ =	sdelay $0x1  }
0x1da: {  	v25 =	vld [tilespmem:s23+$0x40B0]  }
0x1db: {  	v22 =	vadd.f32 v23, v22  }
0x1dc: {  	v23 =	vld [tilespmem:s23+$0x40C0]  }
0x1dd: {  	s22 =	simm.s32 $0x80;
	v26 =	vld [tilespmem:s23+$0x40D0];
	v22 =	vadd.f32 v24, v22  }
0x1de: {  	v27 =	vld [tilespmem:s22+$0x4080]  }
0x1df: {  	v28 =	vld [tilespmem:s22+$0x4090];
	v22 =	vadd.f32 v25, v22  }
0x1e0: {  	v29 =	vld [tilespmem:s23+$0x40E0]  }
0x1e1: {  	v30 =	vld [tilespmem:s22+$0x40A0];
	v22 =	vadd.f32 v23, v22  }
0x1e2: {  	v31 =	vld [tilespmem:s23+$0x40F0]  }
0x1e3: {  	v24 =	vld [tilespmem:s22+$0x40B0];
	v22 =	vadd.f32 v26, v22  }
0x1e4: {  	v23 =	vadd.f32 v28, v27;
	v26 =	vld [tilespmem:s23+$0x8080]  }
0x1e5: {  	s24 =	simm.s32 $0x100;
	v25 =	vld [tilespmem:s22+$0x40C0];
	v28 =	vadd.f32 v29, v22  }
0x1e6: {  	v27 =	vadd.f32 v30, v23;
	v23 =	vld [tilespmem:s24+$0x4080]  }
0x1e7: {  	s25 =	simm.s32 $0x600;
	v22 =	vld [tilespmem:s22+$0x40D0];
	v28 =	vadd.f32 v31, v28  }
.LBB2_12:
0x1e8: {  	p0 =	sne.s32 s25, $0xFE00;
	v29 =	vld [tilespmem:s24+$0x4090];
	v24 =	vadd.f32 v24, v27  }
0x1e9: {  	v27 =	vld [tilespmem:s22+$0x40E0];
	v26 =	vadd.f32 v28, v26  }
0x1ea: {  	v28 =	vld [tilespmem:s24+$0x40A0];
	v25 =	vadd.f32 v25, v24  }
0x1eb: {  	v30 =	vld [tilespmem:s22+$0x40F0];
	[tilespmem:s23+$0x8080] =	vst v26;
	s23 =	smov.u32 s22;
	s22 =	smov.u32 s24  }
.Ltmp5:
0x1ec: {  	v24 =	vld [tilespmem:s22+$0x40B0];
	v22 =	vadd.f32 v22, v25;
	(pc) =	sbr.rel @p0 .LBB2_12-.Ltmp5, $4  }
0x1ed: {  	v23 =	vadd.f32 v29, v23;
	v26 =	vld [tilespmem:s23+$0x8080]  }
0x1ee: {  	v25 =	vld [tilespmem:s22+$0x40C0];
	v29 =	vadd.f32 v27, v22  }
0x1ef: {  	s24 =	sshra.s32 s25, $0x2;
	v27 =	vadd.f32 v28, v23;
	v22 =	vld [tilespmem:s22+$0x40D0]  }
0x1f0: {  	s25 =	sadd.s32 $0x200, s25;
	v23 =	vld [tilespmem:s24+$0x4080];
	v28 =	vadd.f32 v30, v29  }
0x1f1: {  	v29 =	vld [tilespmem:s24+$0x4090]  }
0x1f2: {  	v30 =	vld [tilespmem:s22+$0x40E0];
	v24 =	vadd.f32 v24, v27;
	v26 =	vadd.f32 v28, v26  }
0x1f3: {  	v16 =	vld [tilespmem:s24+$0x40A0]  }
0x1f4: {  	v17 =	vld [tilespmem:s22+$0x40F0];
	v24 =	vadd.f32 v25, v24;
	[tilespmem:s23+$0x8080] =	vst v26  }
0x1f5: {  	v18 =	vld [tilespmem:s24+$0x40B0]  }
0x1f6: {  	v22 =	vadd.f32 v22, v24;
	v19 =	vld [tilespmem:s22+$0x8080];
	v23 =	vadd.f32 v29, v23  }
0x1f7: {  	v26 =	vld [tilespmem:s24+$0x40C0]  }
0x1f8: {  	v22 =	vadd.f32 v30, v22;
	v23 =	vadd.f32 v16, v23  }
0x1f9: {  	v31 =	vld [tilespmem:s24+$0x40D0]  }
0x1fa: {  	v22 =	vadd.f32 v17, v22;
	v23 =	vadd.f32 v18, v23  }
0x1fb: {  	v32 =	vld [tilespmem:s24+$0x40E0]  }
0x1fc: {  	v22 =	vadd.f32 v22, v19;
	v23 =	vadd.f32 v26, v23  }
0x1fd: {  	v33 =	vld [tilespmem:s24+$0x40F0]  }
0x1fe: {  	v2 =	vld [tilespmem:$0x1FF30];
	[tilespmem:s22+$0x8080] =	vst v22;
	v34 =	vadd.f32 v31, v23  }
0x1ff: {  	v35 =	vld [tilespmem:s24+$0x8080]  }
0x200: {  	v22 =	vadd.f32 v32, v34;
	_ =	sdelay $0x1  }
0x201: {  	v22 =	vadd.f32 v33, v22;
	_ =	sdelay $0x1  }
0x202: {  	v22 =	vadd.f32 v22, v35;
	_ =	sdelay $0x1  }
0x203: {  	[tilespmem:s24+$0x8080] =	vst v22  }
0x204: {  	v59 =	vld.idx.msk [tilespmem:v2+s18+$0x0], $0xffff  }
0x205: {  	v2 =	vld [tilespmem:$0x1FF40];
	_ =	sdelay $0x7  }
0x206: {  	v60 =	vld.idx.msk [tilespmem:v2+s18+$0x0], $0xffff  }
0x207: {  	v2 =	vld [tilespmem:$0x1FF50];
	_ =	sdelay $0x7  }
0x208: {  	v61 =	vld.idx.msk [tilespmem:v2+s18+$0x0], $0xffff  }
0x209: {  	v2 =	vld [tilespmem:$0x1FF60];
	_ =	sdelay $0x7  }
0x20a: {  	v35 =	vld.idx.msk [tilespmem:v2+s18+$0x0], $0xffff  }
0x20b: {  	v2 =	vld [tilespmem:$0x1FF70];
	_ =	sdelay $0x3  }
0x20c: {  	v36 =	vor.u32 $0xE, v0;
	_ =	sdelay $0x3  }
0x20d: {  	v39 =	vor.u32 $0x801, v0;
	v34 =	vld.idx.msk [tilespmem:v2+s18+$0x0], $0xffff  }
0x20e: {  	v38 =	vor.u32 $0xF, v0;
	v2 =	vld.idx.msk [tilespmem:v36+s18+$0x0], $0xffff  }
0x20f: {  	v40 =	vor.u32 $0x802, v0  }
0x210: {  	v41 =	vor.u32 $0x803, v0;
	v37 =	vld.idx.msk [tilespmem:v0+s18+$0x0], $0xffff  }
0x211: {  	v42 =	vor.u32 $0x804, v0;
	v62 =	vld.idx.msk [tilespmem:v48+s18+$0x0], $0xffff  }
0x212: {  	v43 =	vor.u32 $0x805, v0;
	v63 =	vld.idx.msk [tilespmem:v39+s18+$0x0], $0xffff  }
0x213: {  	v52 =	vor.u32 $0x80D, v0;
	[tilespmem:$0x1FE60] =	vst v2;
	v2 =	vld.idx.msk [tilespmem:v38+s18+$0x0], $0xffff  }
0x214: {  	v44 =	vor.u32 $0x806, v0;
	v19 =	vld.idx.msk [tilespmem:v40+s18+$0x0], $0xffff  }
0x215: {  	v45 =	vor.u32 $0x807, v0;
	v27 =	vld.idx.msk [tilespmem:v41+s18+$0x0], $0xffff  }
0x216: {  	v49 =	vor.u32 $0x80A, v0;
	v28 =	vld.idx.msk [tilespmem:v42+s18+$0x0], $0xffff  }
0x217: {  	v50 =	vor.u32 $0x80B, v0;
	v29 =	vld.idx.msk [tilespmem:v43+s18+$0x0], $0xffff  }
0x218: {  	v53 =	vor.u32 $0x80E, v0;
	[tilespmem:$0x1FE80] =	vst v2;
	v2 =	vld.idx.msk [tilespmem:v52+s18+$0x0], $0xffff  }
0x219: {  	v51 =	vor.u32 $0x80C, v0;
	v30 =	vld.idx.msk [tilespmem:v44+s18+$0x0], $0xffff  }
0x21a: {  	v32 =	vor.u32 $0x1001, v0;
	v33 =	vld.idx.msk [tilespmem:v45+s18+$0x0], $0xffff  }
0x21b: {  	v55 =	vor.u32 $0x1002, v0;
	v39 =	vld.idx.msk [tilespmem:v49+s18+$0x0], $0xffff  }
0x21c: {  	v47 =	vor.u32 $0x809, v0;
	v40 =	vld.idx.msk [tilespmem:v50+s18+$0x0], $0xffff  }
0x21d: {  	v54 =	vor.u32 $0x80F, v0;
	[tilespmem:$0x1FE50] =	vst v2;
	v2 =	vld.idx.msk [tilespmem:v53+s18+$0x0], $0xffff  }
0x21e: {  	v56 =	vor.u32 $0x1003, v0;
	v42 =	vld.idx.msk [tilespmem:v51+s18+$0x0], $0xffff  }
0x21f: {  	v57 =	vor.u32 $0x1004, v0;
	v15 =	vld.idx.msk [tilespmem:v32+s18+$0x0], $0xffff  }
0x220: {  	v58 =	vor.u32 $0x1005, v0;
	v16 =	vld.idx.msk [tilespmem:v55+s18+$0x0], $0xffff  }
0x221: {  	v13 =	vor.u32 $0x1006, v0;
	v38 =	vld.idx.msk [tilespmem:v47+s18+$0x0], $0xffff  }
0x222: {  	v47 =	vor.u32 $0x100D, v0;
	[tilespmem:$0x1FE70] =	vst v2;
	v2 =	vld.idx.msk [tilespmem:v54+s18+$0x0], $0xffff  }
0x223: {  	v14 =	vor.u32 $0x1007, v0;
	v17 =	vld.idx.msk [tilespmem:v56+s18+$0x0], $0xffff  }
0x224: {  	v25 =	vor.u32 $0x2002, v0;
	v18 =	vld.idx.msk [tilespmem:v57+s18+$0x0], $0xffff  }
0x225: {  	v26 =	vor.u32 $0x2005, v0;
	v21 =	vld.idx.msk [tilespmem:v58+s18+$0x0], $0xffff  }
0x226: {  	v24 =	vld.idx.msk [tilespmem:v13+s18+$0x0], $0xffff;
	v45 =	vor.u32 $0x100B, v0  }
0x227: {  	v57 =	vor.u32 $0x100E, v0;
	[tilespmem:$0x1FE90] =	vst v2;
	v2 =	vld.idx.msk [tilespmem:v47+s18+$0x0], $0xffff  }
0x228: {  	v41 =	vor.u32 $0x1008, v0;
	v31 =	vld.idx.msk [tilespmem:v14+s18+$0x0], $0xffff  }
0x229: {  	v43 =	vor.u32 $0x1009, v0;
	v25 =	vld.idx.msk [tilespmem:v25+s18+$0x0], $0xffff  }
0x22a: {  	v14 =	vor.u32 $0x1802, v0;
	v26 =	vld.idx.msk [tilespmem:v26+s18+$0x0], $0xffff  }
0x22b: {  	v51 =	vld.idx.msk [tilespmem:v45+s18+$0x0], $0xffff;
	v45 =	vor.u32 $0x1806, v0  }
0x22c: {  	v12 =	vor.u32 $0x100F, v0;
	[tilespmem:$0x1FEA0] =	vst v2;
	v2 =	vld.idx.msk [tilespmem:v57+s18+$0x0], $0xffff  }
0x22d: {  	v13 =	vor.u32 $0x1801, v0;
	v58 =	vld.idx.msk [tilespmem:v41+s18+$0x0], $0xffff  }
0x22e: {  	v55 =	vor.u32 $0x180B, v0;
	v56 =	vld.idx.msk [tilespmem:v43+s18+$0x0], $0xffff  }
0x22f: {  	v46 =	vor.u32 $0x808, v0;
	v10 =	vld.idx.msk [tilespmem:v14+s18+$0x0], $0xffff  }
0x230: {  	v14 =	vld.idx.msk [tilespmem:v45+s18+$0x0], $0xffff;
	v45 =	vor.u32 $0x2007, v0  }
0x231: {  	v41 =	vor.u32 $0x1803, v0;
	[tilespmem:$0x1FEB0] =	vst v2;
	v2 =	vld.idx.msk [tilespmem:v12+s18+$0x0], $0xffff  }
0x232: {  	v9 =	vld.idx.msk [tilespmem:v13+s18+$0x0], $0xffff;
	v37 =	vadd.f32 v59, v37  }
0x233: {  	v55 =	vld.idx.msk [tilespmem:v55+s18+$0x0], $0xffff  }
0x234: {  	v37 =	vadd.f32 v60, v37;
	v36 =	vld.idx.msk [tilespmem:v46+s18+$0x0], $0xffff;
	v46 =	vor.u32 $0x100C, v0  }
0x235: {  	v45 =	vld.idx.msk [tilespmem:v45+s18+$0x0], $0xffff  }
0x236: {  	v11 =	vld.idx.msk [tilespmem:v41+s18+$0x0], $0xffff;
	v37 =	vadd.f32 v61, v37;
	[tilespmem:$0x1FEC0] =	vst v2;
	v2 =	vor.u32 $0x2003, v0  }
0x237: {  	v44 =	vor.u32 $0x100A, v0;
	v60 =	vld [tilespmem:$0x1FFD0]  }
0x238: {  	v35 =	vadd.f32 v35, v37;
	v37 =	vld.idx.msk [tilespmem:v4+s18+$0x0], $0xffff  }
0x239: {  	v50 =	vld.idx.msk [tilespmem:v46+s18+$0x0], $0xffff;
	v46 =	vor.u32 $0x1807, v0  }
0x23a: {  	v43 =	vor.u32 $0x1804, v0;
	[tilespmem:$0x1FEF0] =	vst v45;
	v45 =	vld [tilespmem:$0x1FFA0]  }
0x23b: {  	v52 =	vor.u32 $0x1809, v0;
	v2 =	vld.idx.msk [tilespmem:v2+s18+$0x0], $0xffff  }
0x23c: {  	v54 =	vld.idx.msk [tilespmem:v44+s18+$0x0], $0xffff;
	v44 =	vor.u32 $0x1805, v0  }
0x23d: {  	v41 =	vor.u32 $0x180D, v0;
	v61 =	vld [tilespmem:$0x1FFE0]  }
0x23e: {  	v9 =	vadd.f32 v9, v37;
	v20 =	vld.idx.msk [tilespmem:v46+s18+$0x0], $0xffff;
	v46 =	vor.u32 $0x180F, v0  }
0x23f: {  	v47 =	vor.u32 $0x1808, v0;
	v12 =	vld.idx.msk [tilespmem:v43+s18+$0x0], $0xffff  }
0x240: {  	v9 =	vadd.f32 v10, v9;
	v23 =	vld.idx.msk [tilespmem:v52+s18+$0x0], $0xffff;
	[tilespmem:$0x1FED0] =	vst v2;
	v2 =	vor.u32 $0x2008, v0  }
0x241: {  	v53 =	vor.u32 $0x180A, v0;
	v13 =	vld.idx.msk [tilespmem:v44+s18+$0x0], $0xffff  }
0x242: {  	v49 =	vor.u32 $0x180C, v0;
	v9 =	vadd.f32 v11, v9;
	v52 =	vld.idx.msk [tilespmem:v41+s18+$0x0], $0xffff  }
0x243: {  	v41 =	vld.idx.msk [tilespmem:v46+s18+$0x0], $0xffff;
	v44 =	vor.u32 $0x180E, v0  }
0x244: {  	v22 =	vld.idx.msk [tilespmem:v47+s18+$0x0], $0xffff;
	v47 =	vor.u32 $0x2001, v0;
	v12 =	vadd.f32 v12, v9  }
0x245: {  	v46 =	vor.u32 $0x2009, v0;
	v2 =	vld.idx.msk [tilespmem:v2+s18+$0x0], $0xffff  }
0x246: {  	v32 =	vor.u32 $0x2006, v0;
	v57 =	vld.idx.msk [tilespmem:v53+s18+$0x0], $0xffff;
	v12 =	vadd.f32 v13, v12  }
0x247: {  	v53 =	vld.idx.msk [tilespmem:v49+s18+$0x0], $0xffff  }
0x248: {  	v49 =	vld.idx.msk [tilespmem:v44+s18+$0x0], $0xffff;
	v12 =	vadd.f32 v14, v12  }
0x249: {  	v44 =	vld.idx.msk [tilespmem:v47+s18+$0x0], $0xffff  }
0x24a: {  	v47 =	vor.u32 $0x200A, v0;
	v12 =	vadd.f32 v20, v12;
	[tilespmem:$0x1FF00] =	vst v2;
	v2 =	vld.idx.msk [tilespmem:v46+s18+$0x0], $0xffff  }
0x24b: {  	v32 =	vld.idx.msk [tilespmem:v32+s18+$0x0], $0xffff  }
0x24c: {  	v59 =	vld [tilespmem:$0x1FFB0];
	v12 =	vadd.f32 v22, v12  }
0x24d: {  	v60 =	vld.idx.msk [tilespmem:v60+s18+$0x0], $0xffff  }
0x24e: {  	v45 =	vld.idx.msk [tilespmem:v45+s18+$0x0], $0xffff;
	v43 =	vor.u32 $0x2004, v0;
	v12 =	vadd.f32 v23, v12  }
0x24f: {  	[tilespmem:$0x1FF10] =	vst v2;
	v2 =	vld.idx.msk [tilespmem:v47+s18+$0x0], $0xffff  }
0x250: {  	v12 =	vadd.f32 v57, v12;
	v47 =	vld [tilespmem:$0x1FF90]  }
0x251: {  	v61 =	vld.idx.msk [tilespmem:v61+s18+$0x0], $0xffff  }
0x252: {  	v10 =	vld.idx.msk [tilespmem:v5+s18+$0x0], $0xffff;
	v12 =	vadd.f32 v55, v12  }
0x253: {  	v43 =	vld.idx.msk [tilespmem:v43+s18+$0x0], $0xffff  }
0x254: {  	v14 =	vld.idx.msk [tilespmem:v6+s18+$0x0], $0xffff;
	v12 =	vadd.f32 v53, v12  }
0x255: {  	v55 =	vld [tilespmem:$0x1FEC0]  }
0x256: {  	v12 =	vadd.f32 v52, v12;
	v52 =	vld [tilespmem:$0x1FED0]  }
0x257: {  	[tilespmem:$0x1FF20] =	vst v2;
	v2 =	vld [tilespmem:$0x1FF80]  }
0x258: {  	[tilespmem:$0x1FEE0] =	vst v32;
	v10 =	vadd.f32 v44, v10;
	v32 =	vld.idx.msk [tilespmem:v47+s18+$0x0], $0xffff  }
0x259: {  	v12 =	vadd.f32 v49, v12;
	v49 =	vor.u32 $0x3803, v0;
	v47 =	vadd.f32 v63, v62;
	v62 =	vld [tilespmem:$0x1FFC0]  }
0x25a: {  	v63 =	vld [tilespmem:$0x1FFF0]  }
0x25b: {  	v10 =	vadd.f32 v25, v10;
	v19 =	vadd.f32 v19, v47;
	v47 =	vld.idx.msk [tilespmem:v3+s18+$0x0], $0xffff  }
0x25c: {  	v46 =	vld.idx.msk [tilespmem:v59+s18+$0x0], $0xffff  }
0x25d: {  	v10 =	vadd.f32 v52, v10;
	v52 =	vld [tilespmem:$0x1FEF0]  }
0x25e: {  	v25 =	vld.idx.msk [tilespmem:v49+s18+$0x0], $0xffff  }
0x25f: {  	v2 =	vld.idx.msk [tilespmem:v2+s18+$0x0], $0xffff  }
0x260: {  	v19 =	vadd.f32 v27, v19;
	v15 =	vadd.f32 v15, v47;
	v47 =	vld [tilespmem:$0x10]  }
0x261: {  	v59 =	vld.idx.msk [tilespmem:v62+s18+$0x0], $0xffff  }
0x262: {  	v19 =	vadd.f32 v28, v19;
	v27 =	vld.idx.msk [tilespmem:v63+s18+$0x0], $0xffff  }
0x263: {  	v28 =	vadd.f32 v34, v35;
	v34 =	vor.u32 $0x200E, v0;
	v62 =	vld [tilespmem:$0x0]  }
0x264: {  	v63 =	vld [tilespmem:$0xC080];
	v19 =	vadd.f32 v29, v19  }
0x265: {  	v15 =	vadd.f32 v16, v15;
	v16 =	vld [tilespmem:$0xC090]  }
0x266: {  	v29 =	vor.u32 $0x200C, v0;
	v19 =	vadd.f32 v30, v19;
	v30 =	vld [tilespmem:$0x20]  }
0x267: {  	v2 =	vadd.f32 v2, v28;
	v15 =	vadd.f32 v17, v15;
	v17 =	vld [tilespmem:$0xC0A0]  }
0x268: {  	v28 =	vor.u32 $0x200B, v0;
	v9 =	vld.idx.msk [tilespmem:v34+s18+$0x0], $0xffff  }
0x269: {  	v2 =	vadd.f32 v32, v2;
	v32 =	vld [tilespmem:$0x30]  }
0x26a: {  	v19 =	vadd.f32 v33, v19;
	v33 =	vor.u32 $0x200D, v0;
	v15 =	vadd.f32 v18, v15;
	v18 =	vld [tilespmem:$0xC0B0]  }
0x26b: {  	v35 =	vld.idx.msk [tilespmem:v29+s18+$0x0], $0xffff  }
0x26c: {  	v29 =	vld [tilespmem:$0xC0C0];
	v2 =	vadd.f32 v45, v2  }
0x26d: {  	v19 =	vadd.f32 v36, v19;
	v36 =	vor.u32 $0x200F, v0;
	v15 =	vadd.f32 v21, v15;
	v37 =	vld.idx.msk [tilespmem:v28+s18+$0x0], $0xffff  }
0x26e: {  	vm10 =	veq.s32 v30, $0x0;
	v30 =	vld [tilespmem:$0x1FF20];
	v2 =	vadd.f32 v46, v2;
	v46 =	vor.u32 $0x2801, v0  }
0x26f: {  	v19 =	vadd.f32 v38, v19;
	v33 =	vld.idx.msk [tilespmem:v33+s18+$0x0], $0xffff  }
0x270: {  	v11 =	vadd.f32 v24, v15;
	v24 =	vld [tilespmem:$0x40];
	v2 =	vadd.f32 v59, v2  }
0x271: {  	v45 =	vadd.f32 v39, v19;
	v59 =	vor.u32 $0x2802, v0;
	v39 =	vld [tilespmem:$0xC0D0]  }
0x272: {  	v28 =	vld.idx.msk [tilespmem:v36+s18+$0x0], $0xffff;
	v2 =	vadd.f32 v60, v2;
	v60 =	vor.u32 $0x2803, v0  }
0x273: {  	v11 =	vadd.f32 v31, v11;
	v19 =	vld.idx.msk [tilespmem:v46+s18+$0x0], $0xffff  }
0x274: {  	v15 =	vadd.f32 v40, v45;
	v40 =	vor.u32 $0x2804, v0;
	v46 =	vld [tilespmem:$0x1FE50]  }
0x275: {  	v11 =	vadd.f32 v58, v11;
	v58 =	vld [tilespmem:$0x1FE60]  }
0x276: {  	v45 =	vor.u32 $0x2806, v0;
	v20 =	vld.idx.msk [tilespmem:v59+s18+$0x0], $0xffff  }
0x277: {  	v15 =	vadd.f32 v42, v15;
	v42 =	vor.u32 $0x2805, v0;
	v13 =	vld.idx.msk [tilespmem:v60+s18+$0x0], $0xffff  }
0x278: {  	v2 =	vadd.f32 v61, v2;
	v61 =	vor.u32 $0x2809, v0;
	v60 =	vld [tilespmem:$0x1FE70]  }
0x279: {  	v11 =	vadd.f32 v56, v11;
	v22 =	vld.idx.msk [tilespmem:v40+s18+$0x0], $0xffff  }
0x27a: {  	v15 =	vadd.f32 v46, v15;
	v46 =	vld [tilespmem:$0x1FE80]  }
0x27b: {  	v2 =	vadd.f32 v27, v2;
	v11 =	vadd.f32 v54, v11;
	v54 =	vor.u32 $0x280A, v0;
	v23 =	vld.idx.msk [tilespmem:v45+s18+$0x0], $0xffff  }
0x27c: {  	v34 =	vld.idx.msk [tilespmem:v42+s18+$0x0], $0xffff  }
0x27d: {  	v56 =	vor.u32 $0x2807, v0;
	v2 =	vadd.f32 v58, v2;
	v45 =	vld.idx.msk [tilespmem:v61+s18+$0x0], $0xffff  }
0x27e: {  	v59 =	vor.u32 $0x2808, v0;
	v15 =	vadd.f32 v60, v15;
	v60 =	vld [tilespmem:$0x1FEA0]  }
0x27f: {  	v44 =	vor.u32 $0x3807, v0;
	v2 =	vadd.f32 v46, v2;
	v46 =	vld [tilespmem:$0x1FE90]  }
0x280: {  	v58 =	vmul.f32 $8.999968760e-01, v63;
	v63 =	vor.u32 $0x280F, v0;
	v11 =	vadd.f32 v51, v11;
	v38 =	vld.idx.msk [tilespmem:v54+s18+$0x0], $0xffff  }
0x281: {  	v14 =	vadd.f32 v19, v14;
	v51 =	vor.u32 $0x280B, v0;
	v54 =	vld [tilespmem:$0x1FEB0]  }
0x282: {  	v61 =	vor.u32 $0x280E, v0;
	v21 =	vld.idx.msk [tilespmem:v56+s18+$0x0], $0xffff;
	v11 =	vadd.f32 v50, v11  }
0x283: {  	v12 =	vadd.f32 v41, v12;
	v56 =	vor.u32 $0x280C, v0;
	v36 =	vld.idx.msk [tilespmem:v59+s18+$0x0], $0xffff;
	v14 =	vadd.f32 v20, v14  }
0x284: {  	v59 =	vor.u32 $0x280D, v0;
	v20 =	vld.idx.msk [tilespmem:v44+s18+$0x0], $0xffff;
	v11 =	vadd.f32 v60, v11;
	v15 =	vadd.f32 v46, v15  }
0x285: {  	v57 =	vor.u32 $0x3002, v0;
	v12 =	vmul.f32 $-3.125195240e-06, v12;
	v31 =	vld.idx.msk [tilespmem:v63+s18+$0x0], $0xffff;
	v2 =	vmul.f32 $-3.125195240e-06, v2  }
0x286: {  	v16 =	vmul.f32 $8.999968760e-01, v16;
	v50 =	vld.idx.msk [tilespmem:v51+s18+$0x0], $0xffff;
	v11 =	vadd.f32 v54, v11;
	v15 =	vmul.f32 $-3.125195240e-06, v15  }
0x287: {  	vm1 =	veq.s32 v47, $0x0;
	v40 =	vld.idx.msk [tilespmem:v61+s18+$0x0], $0xffff;
	v51 =	vor.u32 $0x3005, v0;
	v2 =	vsub.f32 v2, v58  }
0x288: {  	v11 =	vadd.f32 v55, v11;
	v15 =	vsub.f32 v15, v16;
	v16 =	vld.idx.msk [tilespmem:v56+s18+$0x0], $0xffff;
	v56 =	vor.u32 $0x3001, v0  }
0x289: {  	vm0 =	veq.s32 v62, $0x0;
	v18 =	vmul.f32 $8.999968760e-01, v18;
	v42 =	vld.idx.msk [tilespmem:v59+s18+$0x0], $0xffff;
	v58 =	vor.u32 $0x3801, v0  }
0x28a: {  	v17 =	vmul.f32 $8.999968760e-01, v17;
	v59 =	vld.idx.msk [tilespmem:v7+s18+$0x0], $0xffff;
	v2 =	vadd.f32 $0.0e+00, v2;
	v11 =	vmul.f32 $-3.125195240e-06, v11  }
0x28b: {  	v62 =	vor.u32 $0x3802, v0;
	v12 =	vsub.f32 v12, v18;
	v60 =	vor.u32 $0x3003, v0;
	v46 =	vld.idx.msk [tilespmem:v57+s18+$0x0], $0xffff  }
0x28c: {  	v18 =	vld.idx.msk [tilespmem:v51+s18+$0x0], $0xffff;
	v2 =	vsel vm0, $0x0, v2;
	v15 =	vsel vm1, $0x0, v15;
	v11 =	vsub.f32 v11, v17  }
0x28d: {  	v63 =	vor.u32 $0x3004, v0;
	v2 =	vadd.f32 v15, v2;
	v61 =	vld.idx.msk [tilespmem:v56+s18+$0x0], $0xffff  }
0x28e: {  	v54 =	vor.u32 $0x3804, v0;
	v15 =	vld.idx.msk [tilespmem:v58+s18+$0x0], $0xffff;
	v11 =	vsel vm10, $0x0, v11  }
0x28f: {  	v2 =	vadd.f32 v11, v2;
	v11 =	vld.idx.msk [tilespmem:v8+s18+$0x0], $0xffff  }
0x290: {  	v55 =	vor.u32 $0x3006, v0;
	v53 =	vld.idx.msk [tilespmem:v60+s18+$0x0], $0xffff  }
0x291: {  	vm11 =	veq.s32 v32, $0x0;
	v60 =	vor.u32 $0x3007, v0;
	v56 =	vld.idx.msk [tilespmem:v62+s18+$0x0], $0xffff  }
0x292: {  	v12 =	vsel vm11, $0x0, v12;
	v58 =	vld.idx.msk [tilespmem:v63+s18+$0x0], $0xffff;
	v57 =	vadd.f32 v61, v59;
	v59 =	vor.u32 $0x3805, v0  }
0x293: {  	v63 =	vld.idx.msk [tilespmem:v54+s18+$0x0], $0xffff;
	v2 =	vadd.f32 v12, v2  }
0x294: {  	v61 =	vor.u32 $0x3806, v0;
	v11 =	vadd.f32 v15, v11;
	v12 =	vadd.f32 v46, v57;
	v46 =	vld [tilespmem:$0x1FEE0]  }
0x295: {  	v10 =	vadd.f32 v43, v10;
	v13 =	vadd.f32 v13, v14;
	v43 =	vld.idx.msk [tilespmem:v55+s18+$0x0], $0xffff  }
0x296: {  	v62 =	vor.u32 $0x3008, v0;
	v14 =	vld.idx.msk [tilespmem:v60+s18+$0x0], $0xffff;
	v11 =	vadd.f32 v56, v11;
	v12 =	vadd.f32 v53, v12  }
0x297: {  	v10 =	vadd.f32 v26, v10;
	v13 =	vadd.f32 v22, v13;
	v51 =	vor.u32 $0x3808, v0;
	v49 =	vld.idx.msk [tilespmem:v59+s18+$0x0], $0xffff  }
0x298: {  	v47 =	vor.u32 $0x3009, v0;
	v56 =	vld [tilespmem:$0x1FF00];
	v11 =	vadd.f32 v25, v11;
	v12 =	vadd.f32 v58, v12  }
0x299: {  	v13 =	vadd.f32 v34, v13;
	v55 =	vor.u32 $0x3809, v0;
	v15 =	vld.idx.msk [tilespmem:v61+s18+$0x0], $0xffff;
	v10 =	vadd.f32 v46, v10  }
0x29a: {  	v60 =	vld [tilespmem:$0x1FF10];
	v53 =	vor.u32 $0x300A, v0;
	v11 =	vadd.f32 v63, v11;
	v12 =	vadd.f32 v18, v12  }
0x29b: {  	v13 =	vadd.f32 v23, v13;
	v54 =	vld.idx.msk [tilespmem:v62+s18+$0x0], $0xffff;
	v57 =	vor.u32 $0x300B, v0;
	v10 =	vadd.f32 v52, v10  }
0x29c: {  	v17 =	vld.idx.msk [tilespmem:v51+s18+$0x0], $0xffff;
	v59 =	vor.u32 $0x380A, v0;
	v12 =	vadd.f32 v43, v12;
	v11 =	vadd.f32 v49, v11  }
0x29d: {  	v13 =	vadd.f32 v21, v13;
	v61 =	vor.u32 $0x300C, v0;
	v58 =	vld.idx.msk [tilespmem:v47+s18+$0x0], $0xffff;
	v10 =	vadd.f32 v56, v10  }
0x29e: {  	v22 =	vld.idx.msk [tilespmem:v55+s18+$0x0], $0xffff;
	v63 =	vor.u32 $0x380B, v0;
	v12 =	vadd.f32 v14, v12;
	v11 =	vadd.f32 v15, v11  }
0x29f: {  	v32 =	vor.u32 $0x300D, v0;
	v13 =	vadd.f32 v36, v13;
	v62 =	vld.idx.msk [tilespmem:v53+s18+$0x0], $0xffff;
	v10 =	vadd.f32 v60, v10  }
0x2a0: {  	v36 =	vor.u32 $0x380C, v0;
	v34 =	vld.idx.msk [tilespmem:v57+s18+$0x0], $0xffff;
	v12 =	vadd.f32 v54, v12;
	v11 =	vadd.f32 v20, v11  }
0x2a1: {  	v13 =	vadd.f32 v45, v13;
	v25 =	vld.idx.msk [tilespmem:v59+s18+$0x0], $0xffff;
	v10 =	vadd.f32 v30, v10  }
0x2a2: {  	v41 =	vor.u32 $0x300E, v0;
	v43 =	vld.idx.msk [tilespmem:v61+s18+$0x0], $0xffff;
	v12 =	vadd.f32 v58, v12;
	v11 =	vadd.f32 v17, v11  }
0x2a3: {  	v44 =	vor.u32 $0x380D, v0;
	v13 =	vadd.f32 v38, v13;
	v15 =	vld.idx.msk [tilespmem:v63+s18+$0x0], $0xffff;
	v10 =	vadd.f32 v37, v10  }
0x2a4: {  	v45 =	vor.u32 $0x300F, v0;
	v46 =	vld.idx.msk [tilespmem:v32+s18+$0x0], $0xffff;
	v12 =	vadd.f32 v62, v12;
	v11 =	vadd.f32 v22, v11  }
0x2a5: {  	v13 =	vadd.f32 v50, v13;
	v47 =	vor.u32 $0x380E, v0;
	v49 =	vld.idx.msk [tilespmem:v36+s18+$0x0], $0xffff;
	v10 =	vadd.f32 v35, v10  }
0x2a6: {  	v27 =	vld [tilespmem:$0x50];
	v12 =	vadd.f32 v34, v12;
	v11 =	vadd.f32 v25, v11  }
0x2a7: {  	v51 =	vor.u32 $0x380F, v0;
	v50 =	vld.idx.msk [tilespmem:v41+s18+$0x0], $0xffff;
	v13 =	vadd.f32 v16, v13;
	v10 =	vadd.f32 v33, v10  }
0x2a8: {  	v52 =	vld.idx.msk [tilespmem:v44+s18+$0x0], $0xffff;
	v12 =	vadd.f32 v43, v12;
	v11 =	vadd.f32 v15, v11  }
0x2a9: {  	v53 =	vld.idx.msk [tilespmem:v45+s18+$0x0], $0xffff;
	v9 =	vadd.f32 v9, v10;
	v10 =	vadd.f32 v42, v13  }
0x2aa: {  	v54 =	vld.idx.msk [tilespmem:v47+s18+$0x0], $0xffff;
	v12 =	vadd.f32 v46, v12;
	v11 =	vadd.f32 v49, v11  }
0x2ab: {  	v55 =	vld [tilespmem:$0xC0E0];
	v9 =	vadd.f32 v28, v9;
	v10 =	vadd.f32 v40, v10  }
0x2ac: {  	v57 =	vld.idx.msk [tilespmem:v51+s18+$0x0], $0xffff;
	v56 =	vmul.f32 $8.999968760e-01, v29;
	v12 =	vadd.f32 v50, v12  }
0x2ad: {  	v59 =	vld [tilespmem:$0xC0F0];
	v11 =	vadd.f32 v52, v11;
	v10 =	vadd.f32 v31, v10;
	v9 =	vmul.f32 $-3.125195240e-06, v9  }
0x2ae: {  	v58 =	vmul.f32 $8.999968760e-01, v39;
	v12 =	vadd.f32 v53, v12  }
0x2af: {  	v60 =	vld [tilespmem:$0x60];
	v11 =	vadd.f32 v54, v11;
	v9 =	vsub.f32 v9, v56;
	v10 =	vmul.f32 $-3.125195240e-06, v10  }
0x2b0: {  	vm12 =	veq.s32 v24, $0x0;
	v61 =	vmul.f32 $8.999968760e-01, v55;
	v12 =	vmul.f32 $-3.125195240e-06, v12  }
0x2b1: {  	v62 =	vld [tilespmem:$0x70];
	v11 =	vadd.f32 v57, v11;
	v10 =	vsub.f32 v10, v58;
	v9 =	vsel vm12, $0x0, v9  }
0x2b2: {  	vm13 =	veq.s32 v27, $0x0;
	v63 =	vmul.f32 $8.999968760e-01, v59;
	v2 =	vadd.f32 v9, v2  }
0x2b3: {  	v11 =	vmul.f32 $-3.125195240e-06, v11;
	v9 =	vsel vm13, $0x0, v10;
	v10 =	vsub.f32 v12, v61  }
0x2b4: {  	vm14 =	veq.s32 v60, $0x0;
	v2 =	vadd.f32 v9, v2  }
0x2b5: {  	v9 =	vsel vm14, $0x0, v10;
	v10 =	vsub.f32 v11, v63  }
0x2b6: {  	vm15 =	veq.s32 v62, $0x0;
	v2 =	vadd.f32 v9, v2  }
0x2b7: {  	v9 =	vsel vm15, $0x0, v10  }
0x2b8: {  	s21 =	sadd.s32 $0x1, s21;
	v2 =	vadd.f32 v9, v2  }
0x2b9: {  	p0 =	sne.s32 s21, s10  }
.Ltmp6:
0x2ba: {  	[tilespmem:$0xC100] =	vst v2;
	(pc) =	sbr.rel @p0 .LBB2_1-.Ltmp6, $4  }
0x2bb: {  	[hbm4b:s9+s3] =	stream.linear.scatter [tilespmem:s19], [sflag:$0x4], $0x80, $0x38;
	[tilespmem:$0xC180] =	vst v63  }
0x2bc: {  	_ =	swait.ge [sflag:s20], $0x80  }
0x2bd: {  	[sflag:s20] =	ssyncset.done $0x0  }
0x2be: {  	[sflag:s20] =	ssyncadd.s32 $0xFFFFFF80  }
0x2bf: {  	_ =	sfence.sel $0x180000  }
0x2c0: {  	[bflag:$0x0] =	sbarrier.arrive $0xFFFF  }
0x2c1: {  	p0 =	sne.s32 s0, $0x0;
	_ =	strace $0x90000047  }
0x2c2: {  	s0 =	sadd.s32 @!p0 $0x100000, s2;
	[bflag:$0x2] =	sbarrier.arrive $0xFFFF  }
0x2c3: {  	[sflag:s0] =	ssyncadd.tile.s32 @!p0 $0x1;
	_ =	shalt  }
.Lfunc_end2:
_tile_overlayer_lowered:
.L_overlay_start_2:
0x2c4: {  	(tag) =	ssettag $0x2  }
0x2c5: {  	s0 =	rddreg [dreg:$0x0];
	s2 =	stileid.u32  }
0x2c6: {  	s1 =	rddreg [dreg:$0x1];
	p0 =	sne.s32 s2, $0x0  }
0x2c7: {  	s3 =	rddreg [dreg:$0x2];
	[bflag:$0x3] =	sbarrier.arrive $0xFFFF;
	s2 =	simm.s32 @!p0 $0x1C04  }
0x2c8: {  	[timem:s3], [sflag:s2] =	dma.local @!p0 [hbm:s0], s1  }
0x2c9: {  	s0 =	simm.s32 @!p0 $0x4  }
0x2ca: {  	_ =	swait.ge @!p0 [sflag:s0], s1  }
0x2cb: {  	s1 =	ssub.s32 @!p0 $0x0, s1;
	[sflag:s0] =	ssyncset.done @!p0 $0x0  }
0x2cc: {  	[sflag:s0] =	ssyncadd.s32 @!p0 s1  }
0x2cd: {  	[bflag:$0x3] =	sbarrier.arrive $0xFFFF  }
0x2ce: {  	_ =	shalt  }

</sc_bundles>
